<compile_context>
chip_gen: v7x
topology: tpu7x:2x2x1
jax: 0.10.2.dev20260603
libtpu: 0.0.44.dev20260713+nightly
codegen_flags: <defaults>
</compile_context>

<pallas_src>
import jax
import jax.numpy as jnp
from jax import lax
from jax.experimental import pallas as pl
from jax.experimental.pallas import tpu as pltpu
from jax.experimental.pallas import tpu_sc as plsc

_MIN_NORM = 1e-15
_MAXNORM = 1.0 - 4e-3

_N, _E, _D = 10000, 160000, 256
_HALF = _D // 2
_LANES = 128
_CHUNK = _LANES
_NSUB = 16
_NHALF = 2
_CPH = 40
_CPS = _NHALF * _CPH
_CPR = (_N // _NSUB) // 8 * 8
_TAIL = _N - _CPR * _NSUB
_BN = 2000


def _logmap_body(x_ref, o_ref):
    x = x_ref[...]
    nrm = jnp.sqrt(jnp.sum(x * x, axis=1, keepdims=True))
    nrm = jnp.maximum(nrm, _MIN_NORM)
    t = jnp.clip(nrm, -1.0 + 1e-7, 1.0 - 1e-7)
    art = 0.5 * (jnp.log1p(t) - jnp.log1p(-t))
    xt = x * (art / nrm)
    o_ref[0] = xt[:, :_HALF]
    o_ref[1] = xt[:, _HALF:]


def _expmap_body(s_ref, o_ref):
    lo = s_ref[0]
    hi = s_ref[1]
    nrm = jnp.sqrt(jnp.sum(lo * lo, axis=1, keepdims=True)
                   + jnp.sum(hi * hi, axis=1, keepdims=True))
    nrm = jnp.maximum(nrm, _MIN_NORM)
    g = jnp.tanh(nrm) / nrm
    ylo = lo * g
    yhi = hi * g
    ynrm = jnp.sqrt(jnp.sum(ylo * ylo, axis=1, keepdims=True)
                    + jnp.sum(yhi * yhi, axis=1, keepdims=True))
    ynrm = jnp.maximum(ynrm, _MIN_NORM)
    scale = jnp.where(ynrm > _MAXNORM, _MAXNORM / ynrm, 1.0)
    o_ref[:, :_HALF] = ylo * scale
    o_ref[:, _HALF:] = yhi * scale


_PADROWS = 8
_NCHUNKS = (_E // _LANES + 7) // 8 * 8
_EPAD = _NCHUNKS * _LANES - _E
_SHORT = _NCHUNKS - (_NSUB - 1) * _CPS - _CPH


def _sc_body(table, adj_hbm, out_hbm,
             idx_row, idx_col, ra, rb, acc,
             gsem_a, gsem_b, ssem_a, ssem_b):
    c = lax.axis_index("c")
    s = lax.axis_index("s")
    tbl = table.at[c]

    def gather(t, r, sem):
        pltpu.async_copy(tbl.at[idx_col.at[t]], r, sem)

    def wait_gather(t, r, sem):
        pltpu.make_async_copy(tbl.at[idx_col.at[t]], r, sem).wait()

    def scatter(t, r, sem):
        pltpu.async_copy(r, acc.at[idx_row.at[t]], sem, add=True)

    def wait_scatter(t, r, sem):
        pltpu.make_async_copy(r, acc.at[idx_row.at[t]], sem).wait()

    def fetch_idx(h, cnt):
        off = pl.multiple_of(s * _CPS + h * _CPH, 8)
        pltpu.sync_copy(adj_hbm.at[0, pl.ds(off, cnt)],
                        idx_row.at[pl.ds(0, cnt)])
        pltpu.sync_copy(adj_hbm.at[1, pl.ds(off, cnt)],
                        idx_col.at[pl.ds(0, cnt)])

    fetch_idx(0, _CPH)
    gather(0, ra, gsem_a)

    def zfill(j, cc):
        for jj in range(16):
            for k in range(_HALF // 16):
                rb[j * 16 + jj, pl.ds(k * 16, 16)] = jnp.zeros(
                    (16,), jnp.float32)
        return cc

    lax.fori_loop(0, _LANES // 16, zfill, 0)
    base = s * _CPR
    for k in range(_CPR // _LANES):
        pltpu.sync_copy(rb, acc.at[pl.ds(base + k * _LANES, _LANES)])
    rem = _CPR % _LANES
    pltpu.sync_copy(rb.at[pl.ds(0, rem)],
                    acc.at[pl.ds(base + _CPR - rem, rem)])

    @pl.when(s == _NSUB - 1)
    def _zero_tail():
        pltpu.sync_copy(rb.at[pl.ds(0, _TAIL + _PADROWS)],
                        acc.at[pl.ds(_CPR * _NSUB, _TAIL + _PADROWS)])

    gather(1, rb, gsem_b)
    plsc.subcore_barrier()

    def half_pass(h, double_primed, ncnk):
        if not double_primed:
            fetch_idx(h, ncnk)
            gather(0, ra, gsem_a)

        def pair(p, cc):
            ta = 2 * p
            tb = 2 * p + 1

            @pl.when(p > 0)
            def _():
                wait_scatter(tb, rb, ssem_b)
            if double_primed:
                @pl.when(p > 0)
                def _():
                    gather(tb, rb, gsem_b)
            else:
                gather(tb, rb, gsem_b)
            wait_gather(ta, ra, gsem_a)
            scatter(ta, ra, ssem_a)

            wait_scatter(ta, ra, ssem_a)

            @pl.when(p < ncnk // 2 - 1)
            def _():
                gather(ta + 2, ra, gsem_a)
            wait_gather(tb, rb, gsem_b)
            scatter(tb, rb, ssem_b)
            return cc

        lax.fori_loop(0, ncnk // 2, pair, 0)
        wait_scatter(ncnk - 1, rb, ssem_b)

    half_pass(0, True, _CPH)

    @pl.when(s < _NSUB - 1)
    def _full_second():
        half_pass(1, False, _CPH)

    @pl.when(s == _NSUB - 1)
    def _short_second():
        half_pass(1, False, _SHORT)

    plsc.subcore_barrier()

    pltpu.sync_copy(acc.at[pl.ds(base, _CPR)],
                    out_hbm.at[c, pl.ds(base, _CPR)])

    @pl.when(s == _NSUB - 1)
    def _out_tail():
        pltpu.sync_copy(acc.at[pl.ds(_CPR * _NSUB, _TAIL)],
                        out_hbm.at[c, pl.ds(_CPR * _NSUB, _TAIL)])


def kernel(x, adj):
    n, d = x.shape
    xt2 = pl.pallas_call(
        _logmap_body,
        grid=(n // _BN,),
        in_specs=[pl.BlockSpec((_BN, d), lambda i: (i, 0))],
        out_specs=pl.BlockSpec((2, _BN, _HALF), lambda i: (0, i, 0)),
        out_shape=jax.ShapeDtypeStruct((2, n, _HALF), jnp.float32),
    )(x)

    ar = jnp.arange(_EPAD, dtype=jnp.int32)
    adj_p = jnp.concatenate(
        [adj, jnp.stack([n + lax.rem(ar, _PADROWS), ar])], axis=1)

    mesh = plsc.VectorSubcoreMesh(core_axis_name="c", subcore_axis_name="s")
    support2 = pl.kernel(
        _sc_body,
        out_type=jax.ShapeDtypeStruct((2, n, _HALF), jnp.float32),
        mesh=mesh,
        scratch_types=[
            pltpu.VMEM((_CPH, _LANES), jnp.int32),
            pltpu.VMEM((_CPH, _LANES), jnp.int32),
            pltpu.VMEM((_LANES, _HALF), jnp.float32),
            pltpu.VMEM((_LANES, _HALF), jnp.float32),
            pltpu.VMEM_SHARED((n + _PADROWS, _HALF), jnp.float32),
            pltpu.SemaphoreType.DMA,
            pltpu.SemaphoreType.DMA,
            pltpu.SemaphoreType.DMA,
            pltpu.SemaphoreType.DMA,
        ],
    )(xt2, adj_p.reshape(2, _NCHUNKS, _LANES))

    out = pl.pallas_call(
        _expmap_body,
        grid=(n // _BN,),
        in_specs=[pl.BlockSpec((2, _BN, _HALF), lambda i: (0, i, 0))],
        out_specs=pl.BlockSpec((_BN, d), lambda i: (i, 0)),
        out_shape=jax.ShapeDtypeStruct((n, d), jnp.float32),
    )(support2)
    return out

# --- scband reference (transcript-rebuilt; emitter-appended) ---
"""Pipeline reference for scband-hyp-agg-50268297232886 (READ-ONLY COPY).

The authoritative reference and input builder live on the scoring server;
editing this copy changes nothing except your own understanding.
"""

import jax, jax.numpy as jnp
import numpy as np

C = 1.0
MIN_NORM = 1e-15


def artanh(x):
    x = jnp.clip(x, -1.0 + 1e-7, 1.0 - 1e-7)
    return 0.5 * (jnp.log1p(x) - jnp.log1p(-x))


def logmap0(x, c):
    sqrt_c = c ** 0.5
    norm = jnp.maximum(jnp.linalg.norm(x, axis=-1, keepdims=True), MIN_NORM)
    return x / (sqrt_c * norm) * artanh(sqrt_c * norm)


def expmap0(u, c):
    sqrt_c = c ** 0.5
    norm = jnp.maximum(jnp.linalg.norm(u, axis=-1, keepdims=True), MIN_NORM)
    return jnp.tanh(sqrt_c * norm) * u / (sqrt_c * norm)


def proj(x, c):
    sqrt_c = c ** 0.5
    norm = jnp.maximum(jnp.linalg.norm(x, axis=-1, keepdims=True), MIN_NORM)
    maxnorm = (1.0 - 4e-3) / sqrt_c
    cond = norm > maxnorm
    projected = x / norm * maxnorm
    return jnp.where(cond, projected, x)


def setup_inputs(seed: int = 0) -> dict:
    key = jax.random.key(seed)
    k1, k2 = jax.random.split(key)
    N, E, D = 10000, 160000, 256
    # points must lie inside the Poincare ball: scale then project
    x = jax.random.normal(k1, (N, D), dtype=jnp.float32) * 0.01
    x = proj(x, C)
    adj = jax.random.randint(k2, (2, E), 0, N, dtype=jnp.int32)
    return {"x": x, "adj": adj}


def reference(x, adj):
    # HypAgg.forward with use_att=False, local_agg=False
    N = x.shape[0]
    # logmap to tangent space at origin
    x_tangent = logmap0(x, C)
    # sparse adj (COO indices=adj, values=ones) @ x_tangent  == scatter-add
    row = adj[0]
    col = adj[1]
    gathered = jnp.take(x_tangent, col, axis=0)
    support_t = jax.ops.segment_sum(gathered, row, num_segments=N)
    # expmap back to manifold and project
    output = proj(expmap0(support_t, C), C)
    return output

if __name__ == "__main__":
    import jax
    _d = setup_inputs()
    print(jax.jit(kernel)(*tuple(_d.values())))

</pallas_src>

<mosaic_0001>
#map = affine_map<(d0, d1) -> (0, 0, 0)>
module attributes {stable_mosaic.version = 14 : i64} {
  func.func @_sc_body(%arg0: i32, %arg1: i32, %arg2: memref<2x10000x128xf32, #tpu.memory_space<hbm>>, %arg3: memref<2x1256x128xi32, #tpu.memory_space<hbm>>, %arg4: memref<2x10000x128xf32, #tpu.memory_space<hbm>>, %arg5: memref<40x128xi32, #tpu.memory_space<vmem>>, %arg6: memref<40x128xi32, #tpu.memory_space<vmem>>, %arg7: memref<128x128xf32, #tpu.memory_space<vmem>>, %arg8: memref<128x128xf32, #tpu.memory_space<vmem>>, %arg9: memref<10008x128xf32, #tpu.memory_space<vmem_shared>>, %arg10: memref<!tpu.dma_semaphore, #tpu.memory_space<semaphore_mem>>, %arg11: memref<!tpu.dma_semaphore, #tpu.memory_space<semaphore_mem>>, %arg12: memref<!tpu.dma_semaphore, #tpu.memory_space<semaphore_mem>>, %arg13: memref<!tpu.dma_semaphore, #tpu.memory_space<semaphore_mem>>) attributes {dimension_semantics = [#tpu.dimension_semantics<core_parallel>, #tpu.dimension_semantics<subcore_parallel>], iteration_bounds = array<i64: 2, 16>, scalar_prefetch = 0 : i64, scratch_operands = 9 : i64, tpu.core_type = #tpu.core_type<sc_vector_subcore>, window_params = [{transform_indices = #map}, {transform_indices = #map}, {transform_indices = #map}]} {
    %mul3A = arith.constant 80 : i32
    %mul3A_0 = arith.muli %arg1, %mul3A : i32
    %add3A = arith.constant 0 : i32
    %add3A_1 = arith.addi %mul3A_0, %add3A : i32
    %multiple_of3A = tpu.assume_multiple %add3A_1, 8 : i32
    %run_scoped3A = arith.constant 0 : i32
    "tpu.region"() ({
      %run_scoped3A_71 = tpu.sem_alloc : memref<!tpu.dma_semaphore, #tpu.memory_space<semaphore_mem>>
      %dma_start3A_72 = arith.constant 0 : i32
      %dma_start3A_73 = arith.constant 0 : i32
      %dma_start3A_74 = tpu.memref_slice %arg5[%dma_start3A_72, %dma_start3A_73] : memref<40x128xi32, #tpu.memory_space<vmem>> -> memref<40x128xi32, #tpu.memory_space<vmem>>
      %dma_start3A_75 = arith.constant 0 : i32
      %dma_start3A_76 = tpu.memref_slice %arg3[%run_scoped3A, %multiple_of3A, %dma_start3A_75] : memref<2x1256x128xi32, #tpu.memory_space<hbm>> -> memref<1x40x128xi32, #tpu.memory_space<hbm>>
      %dma_start3A_77 = tpu.memref_squeeze %dma_start3A_76 : memref<1x40x128xi32, #tpu.memory_space<hbm>> -> memref<40x128xi32, #tpu.memory_space<hbm>>
      %dma_start3A_78 = arith.constant 0 : i32
      %dma_start3A_79 = arith.constant 0 : i32
      %dma_start3A_80 = tpu.memref_slice %arg5[%dma_start3A_78, %dma_start3A_79] : memref<40x128xi32, #tpu.memory_space<vmem>> -> memref<40x128xi32, #tpu.memory_space<vmem>>
      %dma_start3A_81 = arith.constant 0 : i32
      %dma_start3A_82 = tpu.memref_slice %arg3[%run_scoped3A, %multiple_of3A, %dma_start3A_81] : memref<2x1256x128xi32, #tpu.memory_space<hbm>> -> memref<1x40x128xi32, #tpu.memory_space<hbm>>
      %dma_start3A_83 = tpu.memref_squeeze %dma_start3A_82 : memref<1x40x128xi32, #tpu.memory_space<hbm>> -> memref<40x128xi32, #tpu.memory_space<hbm>>
      tpu.enqueue_dma source(%dma_start3A_83 : memref<40x128xi32, #tpu.memory_space<hbm>>) target(%dma_start3A_80 : memref<40x128xi32, #tpu.memory_space<vmem>>) target_semaphore(%run_scoped3A_71 : memref<!tpu.dma_semaphore, #tpu.memory_space<semaphore_mem>>)
      %dma_wait3A_84 = arith.constant 0 : i32
      %dma_wait3A_85 = arith.constant 0 : i32
      %dma_wait3A_86 = tpu.memref_slice %arg5[%dma_wait3A_84, %dma_wait3A_85] : memref<40x128xi32, #tpu.memory_space<vmem>> -> memref<40x128xi32, #tpu.memory_space<vmem>>
      %dma_wait3A_87 = arith.constant 0 : i32
      %dma_wait3A_88 = tpu.memref_slice %arg3[%run_scoped3A, %multiple_of3A, %dma_wait3A_87] : memref<2x1256x128xi32, #tpu.memory_space<hbm>> -> memref<1x40x128xi32, #tpu.memory_space<hbm>>
      %dma_wait3A_89 = tpu.memref_squeeze %dma_wait3A_88 : memref<1x40x128xi32, #tpu.memory_space<hbm>> -> memref<40x128xi32, #tpu.memory_space<hbm>>
      %dma_wait3A_90 = arith.constant 0 : i32
      %dma_wait3A_91 = arith.constant 0 : i32
      %dma_wait3A_92 = tpu.memref_slice %arg5[%dma_wait3A_90, %dma_wait3A_91] : memref<40x128xi32, #tpu.memory_space<vmem>> -> memref<40x128xi32, #tpu.memory_space<vmem>>
      %dma_wait3A_93 = arith.constant 0 : i32
      %dma_wait3A_94 = tpu.memref_slice %arg3[%run_scoped3A, %multiple_of3A, %dma_wait3A_93] : memref<2x1256x128xi32, #tpu.memory_space<hbm>> -> memref<1x40x128xi32, #tpu.memory_space<hbm>>
      %dma_wait3A_95 = tpu.memref_squeeze %dma_wait3A_94 : memref<1x40x128xi32, #tpu.memory_space<hbm>> -> memref<40x128xi32, #tpu.memory_space<hbm>>
      tpu.wait_dma2 semaphore(%run_scoped3A_71 : memref<!tpu.dma_semaphore, #tpu.memory_space<semaphore_mem>>) src(%dma_wait3A_95 : memref<40x128xi32, #tpu.memory_space<hbm>>) dst(%dma_wait3A_92 : memref<40x128xi32, #tpu.memory_space<vmem>>)
      tpu.yield
    }) : () -> ()
    %run_scoped3A_2 = arith.constant 1 : i32
    "tpu.region"() ({
      %run_scoped3A_71 = tpu.sem_alloc : memref<!tpu.dma_semaphore, #tpu.memory_space<semaphore_mem>>
      %dma_start3A_72 = arith.constant 0 : i32
      %dma_start3A_73 = arith.constant 0 : i32
      %dma_start3A_74 = tpu.memref_slice %arg6[%dma_start3A_72, %dma_start3A_73] : memref<40x128xi32, #tpu.memory_space<vmem>> -> memref<40x128xi32, #tpu.memory_space<vmem>>
      %dma_start3A_75 = arith.constant 0 : i32
      %dma_start3A_76 = tpu.memref_slice %arg3[%run_scoped3A_2, %multiple_of3A, %dma_start3A_75] : memref<2x1256x128xi32, #tpu.memory_space<hbm>> -> memref<1x40x128xi32, #tpu.memory_space<hbm>>
      %dma_start3A_77 = tpu.memref_squeeze %dma_start3A_76 : memref<1x40x128xi32, #tpu.memory_space<hbm>> -> memref<40x128xi32, #tpu.memory_space<hbm>>
      %dma_start3A_78 = arith.constant 0 : i32
      %dma_start3A_79 = arith.constant 0 : i32
      %dma_start3A_80 = tpu.memref_slice %arg6[%dma_start3A_78, %dma_start3A_79] : memref<40x128xi32, #tpu.memory_space<vmem>> -> memref<40x128xi32, #tpu.memory_space<vmem>>
      %dma_start3A_81 = arith.constant 0 : i32
      %dma_start3A_82 = tpu.memref_slice %arg3[%run_scoped3A_2, %multiple_of3A, %dma_start3A_81] : memref<2x1256x128xi32, #tpu.memory_space<hbm>> -> memref<1x40x128xi32, #tpu.memory_space<hbm>>
      %dma_start3A_83 = tpu.memref_squeeze %dma_start3A_82 : memref<1x40x128xi32, #tpu.memory_space<hbm>> -> memref<40x128xi32, #tpu.memory_space<hbm>>
      tpu.enqueue_dma source(%dma_start3A_83 : memref<40x128xi32, #tpu.memory_space<hbm>>) target(%dma_start3A_80 : memref<40x128xi32, #tpu.memory_space<vmem>>) target_semaphore(%run_scoped3A_71 : memref<!tpu.dma_semaphore, #tpu.memory_space<semaphore_mem>>)
      %dma_wait3A_84 = arith.constant 0 : i32
      %dma_wait3A_85 = arith.constant 0 : i32
      %dma_wait3A_86 = tpu.memref_slice %arg6[%dma_wait3A_84, %dma_wait3A_85] : memref<40x128xi32, #tpu.memory_space<vmem>> -> memref<40x128xi32, #tpu.memory_space<vmem>>
      %dma_wait3A_87 = arith.constant 0 : i32
      %dma_wait3A_88 = tpu.memref_slice %arg3[%run_scoped3A_2, %multiple_of3A, %dma_wait3A_87] : memref<2x1256x128xi32, #tpu.memory_space<hbm>> -> memref<1x40x128xi32, #tpu.memory_space<hbm>>
      %dma_wait3A_89 = tpu.memref_squeeze %dma_wait3A_88 : memref<1x40x128xi32, #tpu.memory_space<hbm>> -> memref<40x128xi32, #tpu.memory_space<hbm>>
      %dma_wait3A_90 = arith.constant 0 : i32
      %dma_wait3A_91 = arith.constant 0 : i32
      %dma_wait3A_92 = tpu.memref_slice %arg6[%dma_wait3A_90, %dma_wait3A_91] : memref<40x128xi32, #tpu.memory_space<vmem>> -> memref<40x128xi32, #tpu.memory_space<vmem>>
      %dma_wait3A_93 = arith.constant 0 : i32
      %dma_wait3A_94 = tpu.memref_slice %arg3[%run_scoped3A_2, %multiple_of3A, %dma_wait3A_93] : memref<2x1256x128xi32, #tpu.memory_space<hbm>> -> memref<1x40x128xi32, #tpu.memory_space<hbm>>
      %dma_wait3A_95 = tpu.memref_squeeze %dma_wait3A_94 : memref<1x40x128xi32, #tpu.memory_space<hbm>> -> memref<40x128xi32, #tpu.memory_space<hbm>>
      tpu.wait_dma2 semaphore(%run_scoped3A_71 : memref<!tpu.dma_semaphore, #tpu.memory_space<semaphore_mem>>) src(%dma_wait3A_95 : memref<40x128xi32, #tpu.memory_space<hbm>>) dst(%dma_wait3A_92 : memref<40x128xi32, #tpu.memory_space<vmem>>)
      tpu.yield
    }) : () -> ()
    %dma_start3A = arith.constant 0 : i32
    %dma_start3A_3 = arith.constant 0 : i32
    %dma_start3A_4 = tpu.memref_slice %arg6[%dma_start3A, %dma_start3A_3] : memref<40x128xi32, #tpu.memory_space<vmem>> -> memref<1x128xi32, #tpu.memory_space<vmem>>
    %dma_start3A_5 = tpu.memref_squeeze %dma_start3A_4 : memref<1x128xi32, #tpu.memory_space<vmem>> -> memref<128xi32, #tpu.memory_space<vmem>>
    %dma_start3A_6 = arith.constant 0 : i32
    %dma_start3A_7 = arith.constant 0 : i32
    %dma_start3A_8 = tpu.memref_slice %arg2[%arg0, %dma_start3A_6, %dma_start3A_7] : memref<2x10000x128xf32, #tpu.memory_space<hbm>> -> memref<1x10000x128xf32, #tpu.memory_space<hbm>>
    %dma_start3A_9 = tpu.memref_squeeze %dma_start3A_8 : memref<1x10000x128xf32, #tpu.memory_space<hbm>> -> memref<10000x128xf32, #tpu.memory_space<hbm>>
    %dma_start3A_10 = arith.constant 0 : i32
    %dma_start3A_11 = arith.constant 0 : i32
    %dma_start3A_12 = tpu.memref_slice %dma_start3A_9[%dma_start3A_10, %dma_start3A_11] : memref<10000x128xf32, #tpu.memory_space<hbm>> -> memref<10000x128xf32, #tpu.memory_space<hbm>>
    tpu.enqueue_indirect_dma source(%dma_start3A_12 : memref<10000x128xf32, #tpu.memory_space<hbm>>) target(%arg7 : memref<128x128xf32, #tpu.memory_space<vmem>>) offsets(%dma_start3A_5 : memref<128xi32, #tpu.memory_space<vmem>>) semaphore(%arg10 : memref<!tpu.dma_semaphore, #tpu.memory_space<semaphore_mem>>)
    %scan3A = arith.constant 0 : i32
    %scan3A_13 = arith.constant 0 : i32
    %scan3A_14 = arith.constant 8 : i32
    %scan3A_15 = arith.addi %scan3A_13, %scan3A_14 : i32
    %scan3A_16 = arith.constant 1 : i32
    scf.for %scan3A_71 = %scan3A_13 to %scan3A_15 step %scan3A_16  : i32 {
      %broadcast_in_dim3A = arith.constant 0.000000e+00 : f32
      %broadcast_in_dim3A_72 = vector.broadcast %broadcast_in_dim3A : f32 to vector<16xf32>
      %mul3A_73 = arith.constant 16 : i32
      %mul3A_74 = arith.muli %scan3A_71, %mul3A_73 : i32
      %add3A_75 = arith.constant 0 : i32
      %add3A_76 = arith.addi %mul3A_74, %add3A_75 : i32
      %swap3A = arith.index_cast %add3A_76 : i32 to index
      %swap3A_77 = arith.constant 0 : index
      %swap3A_78 = tpu.vector_load %arg8[%swap3A, %swap3A_77] {strides = array<i32>} : memref<128x128xf32, #tpu.memory_space<vmem>>, vector<1x16xf32>,
      %swap3A_79 = vector.shape_cast %swap3A_78 : vector<1x16xf32> to vector<16xf32>
      %swap3A_80 = vector.shape_cast %broadcast_in_dim3A_72 : vector<16xf32> to vector<1x16xf32>
      tpu.vector_store %arg8[%swap3A, %swap3A_77], %swap3A_80 {strides = array<i32>} : memref<128x128xf32, #tpu.memory_space<vmem>>, vector<1x16xf32>,
      %broadcast_in_dim3A_81 = arith.constant 0.000000e+00 : f32
      %broadcast_in_dim3A_82 = vector.broadcast %broadcast_in_dim3A_81 : f32 to vector<16xf32>
      %mul3A_83 = arith.constant 16 : i32
      %mul3A_84 = arith.muli %scan3A_71, %mul3A_83 : i32
      %add3A_85 = arith.constant 0 : i32
      %add3A_86 = arith.addi %mul3A_84, %add3A_85 : i32
      %swap3A_87 = arith.index_cast %add3A_86 : i32 to index
      %swap3A_88 = arith.constant 16 : index
      %swap3A_89 = tpu.vector_load %arg8[%swap3A_87, %swap3A_88] {strides = array<i32>} : memref<128x128xf32, #tpu.memory_space<vmem>>, vector<1x16xf32>,
      %swap3A_90 = vector.shape_cast %swap3A_89 : vector<1x16xf32> to vector<16xf32>
      %swap3A_91 = vector.shape_cast %broadcast_in_dim3A_82 : vector<16xf32> to vector<1x16xf32>
      tpu.vector_store %arg8[%swap3A_87, %swap3A_88], %swap3A_91 {strides = array<i32>} : memref<128x128xf32, #tpu.memory_space<vmem>>, vector<1x16xf32>,
      %broadcast_in_dim3A_92 = arith.constant 0.000000e+00 : f32
      %broadcast_in_dim3A_93 = vector.broadcast %broadcast_in_dim3A_92 : f32 to vector<16xf32>
      %mul3A_94 = arith.constant 16 : i32
      %mul3A_95 = arith.muli %scan3A_71, %mul3A_94 : i32
      %add3A_96 = arith.constant 0 : i32
      %add3A_97 = arith.addi %mul3A_95, %add3A_96 : i32
      %swap3A_98 = arith.index_cast %add3A_97 : i32 to index
      %swap3A_99 = arith.constant 32 : index
      %swap3A_100 = tpu.vector_load %arg8[%swap3A_98, %swap3A_99] {strides = array<i32>} : memref<128x128xf32, #tpu.memory_space<vmem>>, vector<1x16xf32>,
      %swap3A_101 = vector.shape_cast %swap3A_100 : vector<1x16xf32> to vector<16xf32>
      %swap3A_102 = vector.shape_cast %broadcast_in_dim3A_93 : vector<16xf32> to vector<1x16xf32>
      tpu.vector_store %arg8[%swap3A_98, %swap3A_99], %swap3A_102 {strides = array<i32>} : memref<128x128xf32, #tpu.memory_space<vmem>>, vector<1x16xf32>,
      %broadcast_in_dim3A_103 = arith.constant 0.000000e+00 : f32
      %broadcast_in_dim3A_104 = vector.broadcast %broadcast_in_dim3A_103 : f32 to vector<16xf32>
      %mul3A_105 = arith.constant 16 : i32
      %mul3A_106 = arith.muli %scan3A_71, %mul3A_105 : i32
      %add3A_107 = arith.constant 0 : i32
      %add3A_108 = arith.addi %mul3A_106, %add3A_107 : i32
      %swap3A_109 = arith.index_cast %add3A_108 : i32 to index
      %swap3A_110 = arith.constant 48 : index
      %swap3A_111 = tpu.vector_load %arg8[%swap3A_109, %swap3A_110] {strides = array<i32>} : memref<128x128xf32, #tpu.memory_space<vmem>>, vector<1x16xf32>,
      %swap3A_112 = vector.shape_cast %swap3A_111 : vector<1x16xf32> to vector<16xf32>
      %swap3A_113 = vector.shape_cast %broadcast_in_dim3A_104 : vector<16xf32> to vector<1x16xf32>
      tpu.vector_store %arg8[%swap3A_109, %swap3A_110], %swap3A_113 {strides = array<i32>} : memref<128x128xf32, #tpu.memory_space<vmem>>, vector<1x16xf32>,
      %broadcast_in_dim3A_114 = arith.constant 0.000000e+00 : f32
      %broadcast_in_dim3A_115 = vector.broadcast %broadcast_in_dim3A_114 : f32 to vector<16xf32>
      %mul3A_116 = arith.constant 16 : i32
      %mul3A_117 = arith.muli %scan3A_71, %mul3A_116 : i32
      %add3A_118 = arith.constant 0 : i32
      %add3A_119 = arith.addi %mul3A_117, %add3A_118 : i32
      %swap3A_120 = arith.index_cast %add3A_119 : i32 to index
      %swap3A_121 = arith.constant 64 : index
      %swap3A_122 = tpu.vector_load %arg8[%swap3A_120, %swap3A_121] {strides = array<i32>} : memref<128x128xf32, #tpu.memory_space<vmem>>, vector<1x16xf32>,
      %swap3A_123 = vector.shape_cast %swap3A_122 : vector<1x16xf32> to vector<16xf32>
      %swap3A_124 = vector.shape_cast %broadcast_in_dim3A_115 : vector<16xf32> to vector<1x16xf32>
      tpu.vector_store %arg8[%swap3A_120, %swap3A_121], %swap3A_124 {strides = array<i32>} : memref<128x128xf32, #tpu.memory_space<vmem>>, vector<1x16xf32>,
      %broadcast_in_dim3A_125 = arith.constant 0.000000e+00 : f32
      %broadcast_in_dim3A_126 = vector.broadcast %broadcast_in_dim3A_125 : f32 to vector<16xf32>
      %mul3A_127 = arith.constant 16 : i32
      %mul3A_128 = arith.muli %scan3A_71, %mul3A_127 : i32
      %add3A_129 = arith.constant 0 : i32
      %add3A_130 = arith.addi %mul3A_128, %add3A_129 : i32
      %swap3A_131 = arith.index_cast %add3A_130 : i32 to index
      %swap3A_132 = arith.constant 80 : index
      %swap3A_133 = tpu.vector_load %arg8[%swap3A_131, %swap3A_132] {strides = array<i32>} : memref<128x128xf32, #tpu.memory_space<vmem>>, vector<1x16xf32>,
      %swap3A_134 = vector.shape_cast %swap3A_133 : vector<1x16xf32> to vector<16xf32>
      %swap3A_135 = vector.shape_cast %broadcast_in_dim3A_126 : vector<16xf32> to vector<1x16xf32>
      tpu.vector_store %arg8[%swap3A_131, %swap3A_132], %swap3A_135 {strides = array<i32>} : memref<128x128xf32, #tpu.memory_space<vmem>>, vector<1x16xf32>,
      %broadcast_in_dim3A_136 = arith.constant 0.000000e+00 : f32
      %broadcast_in_dim3A_137 = vector.broadcast %broadcast_in_dim3A_136 : f32 to vector<16xf32>
      %mul3A_138 = arith.constant 16 : i32
      %mul3A_139 = arith.muli %scan3A_71, %mul3A_138 : i32
      %add3A_140 = arith.constant 0 : i32
      %add3A_141 = arith.addi %mul3A_139, %add3A_140 : i32
      %swap3A_142 = arith.index_cast %add3A_141 : i32 to index
      %swap3A_143 = arith.constant 96 : index
      %swap3A_144 = tpu.vector_load %arg8[%swap3A_142, %swap3A_143] {strides = array<i32>} : memref<128x128xf32, #tpu.memory_space<vmem>>, vector<1x16xf32>,
      %swap3A_145 = vector.shape_cast %swap3A_144 : vector<1x16xf32> to vector<16xf32>
      %swap3A_146 = vector.shape_cast %broadcast_in_dim3A_137 : vector<16xf32> to vector<1x16xf32>
      tpu.vector_store %arg8[%swap3A_142, %swap3A_143], %swap3A_146 {strides = array<i32>} : memref<128x128xf32, #tpu.memory_space<vmem>>, vector<1x16xf32>,
      %broadcast_in_dim3A_147 = arith.constant 0.000000e+00 : f32
      %broadcast_in_dim3A_148 = vector.broadcast %broadcast_in_dim3A_147 : f32 to vector<16xf32>
      %mul3A_149 = arith.constant 16 : i32
      %mul3A_150 = arith.muli %scan3A_71, %mul3A_149 : i32
      %add3A_151 = arith.constant 0 : i32
      %add3A_152 = arith.addi %mul3A_150, %add3A_151 : i32
      %swap3A_153 = arith.index_cast %add3A_152 : i32 to index
      %swap3A_154 = arith.constant 112 : index
      %swap3A_155 = tpu.vector_load %arg8[%swap3A_153, %swap3A_154] {strides = array<i32>} : memref<128x128xf32, #tpu.memory_space<vmem>>, vector<1x16xf32>,
      %swap3A_156 = vector.shape_cast %swap3A_155 : vector<1x16xf32> to vector<16xf32>
      %swap3A_157 = vector.shape_cast %broadcast_in_dim3A_148 : vector<16xf32> to vector<1x16xf32>
      tpu.vector_store %arg8[%swap3A_153, %swap3A_154], %swap3A_157 {strides = array<i32>} : memref<128x128xf32, #tpu.memory_space<vmem>>, vector<1x16xf32>,
      %broadcast_in_dim3A_158 = arith.constant 0.000000e+00 : f32
      %broadcast_in_dim3A_159 = vector.broadcast %broadcast_in_dim3A_158 : f32 to vector<16xf32>
      %mul3A_160 = arith.constant 16 : i32
      %mul3A_161 = arith.muli %scan3A_71, %mul3A_160 : i32
      %add3A_162 = arith.constant 1 : i32
      %add3A_163 = arith.addi %mul3A_161, %add3A_162 : i32
      %swap3A_164 = arith.index_cast %add3A_163 : i32 to index
      %swap3A_165 = arith.constant 0 : index
      %swap3A_166 = tpu.vector_load %arg8[%swap3A_164, %swap3A_165] {strides = array<i32>} : memref<128x128xf32, #tpu.memory_space<vmem>>, vector<1x16xf32>,
      %swap3A_167 = vector.shape_cast %swap3A_166 : vector<1x16xf32> to vector<16xf32>
      %swap3A_168 = vector.shape_cast %broadcast_in_dim3A_159 : vector<16xf32> to vector<1x16xf32>
      tpu.vector_store %arg8[%swap3A_164, %swap3A_165], %swap3A_168 {strides = array<i32>} : memref<128x128xf32, #tpu.memory_space<vmem>>, vector<1x16xf32>,
      %broadcast_in_dim3A_169 = arith.constant 0.000000e+00 : f32
      %broadcast_in_dim3A_170 = vector.broadcast %broadcast_in_dim3A_169 : f32 to vector<16xf32>
      %mul3A_171 = arith.constant 16 : i32
      %mul3A_172 = arith.muli %scan3A_71, %mul3A_171 : i32
      %add3A_173 = arith.constant 1 : i32
      %add3A_174 = arith.addi %mul3A_172, %add3A_173 : i32
      %swap3A_175 = arith.index_cast %add3A_174 : i32 to index
      %swap3A_176 = arith.constant 16 : index
      %swap3A_177 = tpu.vector_load %arg8[%swap3A_175, %swap3A_176] {strides = array<i32>} : memref<128x128xf32, #tpu.memory_space<vmem>>, vector<1x16xf32>,
      %swap3A_178 = vector.shape_cast %swap3A_177 : vector<1x16xf32> to vector<16xf32>
      %swap3A_179 = vector.shape_cast %broadcast_in_dim3A_170 : vector<16xf32> to vector<1x16xf32>
      tpu.vector_store %arg8[%swap3A_175, %swap3A_176], %swap3A_179 {strides = array<i32>} : memref<128x128xf32, #tpu.memory_space<vmem>>, vector<1x16xf32>,
      %broadcast_in_dim3A_180 = arith.constant 0.000000e+00 : f32
      %broadcast_in_dim3A_181 = vector.broadcast %broadcast_in_dim3A_180 : f32 to vector<16xf32>
      %mul3A_182 = arith.constant 16 : i32
      %mul3A_183 = arith.muli %scan3A_71, %mul3A_182 : i32
      %add3A_184 = arith.constant 1 : i32
      %add3A_185 = arith.addi %mul3A_183, %add3A_184 : i32
      %swap3A_186 = arith.index_cast %add3A_185 : i32 to index
      %swap3A_187 = arith.constant 32 : index
      %swap3A_188 = tpu.vector_load %arg8[%swap3A_186, %swap3A_187] {strides = array<i32>} : memref<128x128xf32, #tpu.memory_space<vmem>>, vector<1x16xf32>,
      %swap3A_189 = vector.shape_cast %swap3A_188 : vector<1x16xf32> to vector<16xf32>
      %swap3A_190 = vector.shape_cast %broadcast_in_dim3A_181 : vector<16xf32> to vector<1x16xf32>
      tpu.vector_store %arg8[%swap3A_186, %swap3A_187], %swap3A_190 {strides = array<i32>} : memref<128x128xf32, #tpu.memory_space<vmem>>, vector<1x16xf32>,
      %broadcast_in_dim3A_191 = arith.constant 0.000000e+00 : f32
      %broadcast_in_dim3A_192 = vector.broadcast %broadcast_in_dim3A_191 : f32 to vector<16xf32>
      %mul3A_193 = arith.constant 16 : i32
      %mul3A_194 = arith.muli %scan3A_71, %mul3A_193 : i32
      %add3A_195 = arith.constant 1 : i32
      %add3A_196 = arith.addi %mul3A_194, %add3A_195 : i32
      %swap3A_197 = arith.index_cast %add3A_196 : i32 to index
      %swap3A_198 = arith.constant 48 : index
      %swap3A_199 = tpu.vector_load %arg8[%swap3A_197, %swap3A_198] {strides = array<i32>} : memref<128x128xf32, #tpu.memory_space<vmem>>, vector<1x16xf32>,
      %swap3A_200 = vector.shape_cast %swap3A_199 : vector<1x16xf32> to vector<16xf32>
      %swap3A_201 = vector.shape_cast %broadcast_in_dim3A_192 : vector<16xf32> to vector<1x16xf32>
      tpu.vector_store %arg8[%swap3A_197, %swap3A_198], %swap3A_201 {strides = array<i32>} : memref<128x128xf32, #tpu.memory_space<vmem>>, vector<1x16xf32>,
      %broadcast_in_dim3A_202 = arith.constant 0.000000e+00 : f32
      %broadcast_in_dim3A_203 = vector.broadcast %broadcast_in_dim3A_202 : f32 to vector<16xf32>
      %mul3A_204 = arith.constant 16 : i32
      %mul3A_205 = arith.muli %scan3A_71, %mul3A_204 : i32
      %add3A_206 = arith.constant 1 : i32
      %add3A_207 = arith.addi %mul3A_205, %add3A_206 : i32
      %swap3A_208 = arith.index_cast %add3A_207 : i32 to index
      %swap3A_209 = arith.constant 64 : index
      %swap3A_210 = tpu.vector_load %arg8[%swap3A_208, %swap3A_209] {strides = array<i32>} : memref<128x128xf32, #tpu.memory_space<vmem>>, vector<1x16xf32>,
      %swap3A_211 = vector.shape_cast %swap3A_210 : vector<1x16xf32> to vector<16xf32>
      %swap3A_212 = vector.shape_cast %broadcast_in_dim3A_203 : vector<16xf32> to vector<1x16xf32>
      tpu.vector_store %arg8[%swap3A_208, %swap3A_209], %swap3A_212 {strides = array<i32>} : memref<128x128xf32, #tpu.memory_space<vmem>>, vector<1x16xf32>,
      %broadcast_in_dim3A_213 = arith.constant 0.000000e+00 : f32
      %broadcast_in_dim3A_214 = vector.broadcast %broadcast_in_dim3A_213 : f32 to vector<16xf32>
      %mul3A_215 = arith.constant 16 : i32
      %mul3A_216 = arith.muli %scan3A_71, %mul3A_215 : i32
      %add3A_217 = arith.constant 1 : i32
      %add3A_218 = arith.addi %mul3A_216, %add3A_217 : i32
      %swap3A_219 = arith.index_cast %add3A_218 : i32 to index
      %swap3A_220 = arith.constant 80 : index
      %swap3A_221 = tpu.vector_load %arg8[%swap3A_219, %swap3A_220] {strides = array<i32>} : memref<128x128xf32, #tpu.memory_space<vmem>>, vector<1x16xf32>,
      %swap3A_222 = vector.shape_cast %swap3A_221 : vector<1x16xf32> to vector<16xf32>
      %swap3A_223 = vector.shape_cast %broadcast_in_dim3A_214 : vector<16xf32> to vector<1x16xf32>
      tpu.vector_store %arg8[%swap3A_219, %swap3A_220], %swap3A_223 {strides = array<i32>} : memref<128x128xf32, #tpu.memory_space<vmem>>, vector<1x16xf32>,
      %broadcast_in_dim3A_224 = arith.constant 0.000000e+00 : f32
      %broadcast_in_dim3A_225 = vector.broadcast %broadcast_in_dim3A_224 : f32 to vector<16xf32>
      %mul3A_226 = arith.constant 16 : i32
      %mul3A_227 = arith.muli %scan3A_71, %mul3A_226 : i32
      %add3A_228 = arith.constant 1 : i32
      %add3A_229 = arith.addi %mul3A_227, %add3A_228 : i32
      %swap3A_230 = arith.index_cast %add3A_229 : i32 to index
      %swap3A_231 = arith.constant 96 : index
      %swap3A_232 = tpu.vector_load %arg8[%swap3A_230, %swap3A_231] {strides = array<i32>} : memref<128x128xf32, #tpu.memory_space<vmem>>, vector<1x16xf32>,
      %swap3A_233 = vector.shape_cast %swap3A_232 : vector<1x16xf32> to vector<16xf32>
      %swap3A_234 = vector.shape_cast %broadcast_in_dim3A_225 : vector<16xf32> to vector<1x16xf32>
      tpu.vector_store %arg8[%swap3A_230, %swap3A_231], %swap3A_234 {strides = array<i32>} : memref<128x128xf32, #tpu.memory_space<vmem>>, vector<1x16xf32>,
      %broadcast_in_dim3A_235 = arith.constant 0.000000e+00 : f32
      %broadcast_in_dim3A_236 = vector.broadcast %broadcast_in_dim3A_235 : f32 to vector<16xf32>
      %mul3A_237 = arith.constant 16 : i32
      %mul3A_238 = arith.muli %scan3A_71, %mul3A_237 : i32
      %add3A_239 = arith.constant 1 : i32
      %add3A_240 = arith.addi %mul3A_238, %add3A_239 : i32
      %swap3A_241 = arith.index_cast %add3A_240 : i32 to index
      %swap3A_242 = arith.constant 112 : index
      %swap3A_243 = tpu.vector_load %arg8[%swap3A_241, %swap3A_242] {strides = array<i32>} : memref<128x128xf32, #tpu.memory_space<vmem>>, vector<1x16xf32>,
      %swap3A_244 = vector.shape_cast %swap3A_243 : vector<1x16xf32> to vector<16xf32>
      %swap3A_245 = vector.shape_cast %broadcast_in_dim3A_236 : vector<16xf32> to vector<1x16xf32>
      tpu.vector_store %arg8[%swap3A_241, %swap3A_242], %swap3A_245 {strides = array<i32>} : memref<128x128xf32, #tpu.memory_space<vmem>>, vector<1x16xf32>,
      %broadcast_in_dim3A_246 = arith.constant 0.000000e+00 : f32
      %broadcast_in_dim3A_247 = vector.broadcast %broadcast_in_dim3A_246 : f32 to vector<16xf32>
      %mul3A_248 = arith.constant 16 : i32
      %mul3A_249 = arith.muli %scan3A_71, %mul3A_248 : i32
      %add3A_250 = arith.constant 2 : i32
      %add3A_251 = arith.addi %mul3A_249, %add3A_250 : i32
      %swap3A_252 = arith.index_cast %add3A_251 : i32 to index
      %swap3A_253 = arith.constant 0 : index
      %swap3A_254 = tpu.vector_load %arg8[%swap3A_252, %swap3A_253] {strides = array<i32>} : memref<128x128xf32, #tpu.memory_space<vmem>>, vector<1x16xf32>,
      %swap3A_255 = vector.shape_cast %swap3A_254 : vector<1x16xf32> to vector<16xf32>
      %swap3A_256 = vector.shape_cast %broadcast_in_dim3A_247 : vector<16xf32> to vector<1x16xf32>
      tpu.vector_store %arg8[%swap3A_252, %swap3A_253], %swap3A_256 {strides = array<i32>} : memref<128x128xf32, #tpu.memory_space<vmem>>, vector<1x16xf32>,
      %broadcast_in_dim3A_257 = arith.constant 0.000000e+00 : f32
      %broadcast_in_dim3A_258 = vector.broadcast %broadcast_in_dim3A_257 : f32 to vector<16xf32>
      %mul3A_259 = arith.constant 16 : i32
      %mul3A_260 = arith.muli %scan3A_71, %mul3A_259 : i32
      %add3A_261 = arith.constant 2 : i32
      %add3A_262 = arith.addi %mul3A_260, %add3A_261 : i32
      %swap3A_263 = arith.index_cast %add3A_262 : i32 to index
      %swap3A_264 = arith.constant 16 : index
      %swap3A_265 = tpu.vector_load %arg8[%swap3A_263, %swap3A_264] {strides = array<i32>} : memref<128x128xf32, #tpu.memory_space<vmem>>, vector<1x16xf32>,
      %swap3A_266 = vector.shape_cast %swap3A_265 : vector<1x16xf32> to vector<16xf32>
      %swap3A_267 = vector.shape_cast %broadcast_in_dim3A_258 : vector<16xf32> to vector<1x16xf32>
      tpu.vector_store %arg8[%swap3A_263, %swap3A_264], %swap3A_267 {strides = array<i32>} : memref<128x128xf32, #tpu.memory_space<vmem>>, vector<1x16xf32>,
      %broadcast_in_dim3A_268 = arith.constant 0.000000e+00 : f32
      %broadcast_in_dim3A_269 = vector.broadcast %broadcast_in_dim3A_268 : f32 to vector<16xf32>
      %mul3A_270 = arith.constant 16 : i32
      %mul3A_271 = arith.muli %scan3A_71, %mul3A_270 : i32
      %add3A_272 = arith.constant 2 : i32
      %add3A_273 = arith.addi %mul3A_271, %add3A_272 : i32
      %swap3A_274 = arith.index_cast %add3A_273 : i32 to index
      %swap3A_275 = arith.constant 32 : index
      %swap3A_276 = tpu.vector_load %arg8[%swap3A_274, %swap3A_275] {strides = array<i32>} : memref<128x128xf32, #tpu.memory_space<vmem>>, vector<1x16xf32>,
      %swap3A_277 = vector.shape_cast %swap3A_276 : vector<1x16xf32> to vector<16xf32>
      %swap3A_278 = vector.shape_cast %broadcast_in_dim3A_269 : vector<16xf32> to vector<1x16xf32>
      tpu.vector_store %arg8[%swap3A_274, %swap3A_275], %swap3A_278 {strides = array<i32>} : memref<128x128xf32, #tpu.memory_space<vmem>>, vector<1x16xf32>,
      %broadcast_in_dim3A_279 = arith.constant 0.000000e+00 : f32
      %broadcast_in_dim3A_280 = vector.broadcast %broadcast_in_dim3A_279 : f32 to vector<16xf32>
      %mul3A_281 = arith.constant 16 : i32
      %mul3A_282 = arith.muli %scan3A_71, %mul3A_281 : i32
      %add3A_283 = arith.constant 2 : i32
      %add3A_284 = arith.addi %mul3A_282, %add3A_283 : i32
      %swap3A_285 = arith.index_cast %add3A_284 : i32 to index
      %swap3A_286 = arith.constant 48 : index
      %swap3A_287 = tpu.vector_load %arg8[%swap3A_285, %swap3A_286] {strides = array<i32>} : memref<128x128xf32, #tpu.memory_space<vmem>>, vector<1x16xf32>,
      %swap3A_288 = vector.shape_cast %swap3A_287 : vector<1x16xf32> to vector<16xf32>
      %swap3A_289 = vector.shape_cast %broadcast_in_dim3A_280 : vector<16xf32> to vector<1x16xf32>
      tpu.vector_store %arg8[%swap3A_285, %swap3A_286], %swap3A_289 {strides = array<i32>} : memref<128x128xf32, #tpu.memory_space<vmem>>, vector<1x16xf32>,
      %broadcast_in_dim3A_290 = arith.constant 0.000000e+00 : f32
      %broadcast_in_dim3A_291 = vector.broadcast %broadcast_in_dim3A_290 : f32 to vector<16xf32>
      %mul3A_292 = arith.constant 16 : i32
      %mul3A_293 = arith.muli %scan3A_71, %mul3A_292 : i32
      %add3A_294 = arith.constant 2 : i32
      %add3A_295 = arith.addi %mul3A_293, %add3A_294 : i32
      %swap3A_296 = arith.index_cast %add3A_295 : i32 to index
      %swap3A_297 = arith.constant 64 : index
      %swap3A_298 = tpu.vector_load %arg8[%swap3A_296, %swap3A_297] {strides = array<i32>} : memref<128x128xf32, #tpu.memory_space<vmem>>, vector<1x16xf32>,
      %swap3A_299 = vector.shape_cast %swap3A_298 : vector<1x16xf32> to vector<16xf32>
      %swap3A_300 = vector.shape_cast %broadcast_in_dim3A_291 : vector<16xf32> to vector<1x16xf32>
      tpu.vector_store %arg8[%swap3A_296, %swap3A_297], %swap3A_300 {strides = array<i32>} : memref<128x128xf32, #tpu.memory_space<vmem>>, vector<1x16xf32>,
      %broadcast_in_dim3A_301 = arith.constant 0.000000e+00 : f32
      %broadcast_in_dim3A_302 = vector.broadcast %broadcast_in_dim3A_301 : f32 to vector<16xf32>
      %mul3A_303 = arith.constant 16 : i32
      %mul3A_304 = arith.muli %scan3A_71, %mul3A_303 : i32
      %add3A_305 = arith.constant 2 : i32
      %add3A_306 = arith.addi %mul3A_304, %add3A_305 : i32
      %swap3A_307 = arith.index_cast %add3A_306 : i32 to index
      %swap3A_308 = arith.constant 80 : index
      %swap3A_309 = tpu.vector_load %arg8[%swap3A_307, %swap3A_308] {strides = array<i32>} : memref<128x128xf32, #tpu.memory_space<vmem>>, vector<1x16xf32>,
      %swap3A_310 = vector.shape_cast %swap3A_309 : vector<1x16xf32> to vector<16xf32>
      %swap3A_311 = vector.shape_cast %broadcast_in_dim3A_302 : vector<16xf32> to vector<1x16xf32>
      tpu.vector_store %arg8[%swap3A_307, %swap3A_308], %swap3A_311 {strides = array<i32>} : memref<128x128xf32, #tpu.memory_space<vmem>>, vector<1x16xf32>,
      %broadcast_in_dim3A_312 = arith.constant 0.000000e+00 : f32
      %broadcast_in_dim3A_313 = vector.broadcast %broadcast_in_dim3A_312 : f32 to vector<16xf32>
      %mul3A_314 = arith.constant 16 : i32
      %mul3A_315 = arith.muli %scan3A_71, %mul3A_314 : i32
      %add3A_316 = arith.constant 2 : i32
      %add3A_317 = arith.addi %mul3A_315, %add3A_316 : i32
      %swap3A_318 = arith.index_cast %add3A_317 : i32 to index
      %swap3A_319 = arith.constant 96 : index
      %swap3A_320 = tpu.vector_load %arg8[%swap3A_318, %swap3A_319] {strides = array<i32>} : memref<128x128xf32, #tpu.memory_space<vmem>>, vector<1x16xf32>,
      %swap3A_321 = vector.shape_cast %swap3A_320 : vector<1x16xf32> to vector<16xf32>
      %swap3A_322 = vector.shape_cast %broadcast_in_dim3A_313 : vector<16xf32> to vector<1x16xf32>
      tpu.vector_store %arg8[%swap3A_318, %swap3A_319], %swap3A_322 {strides = array<i32>} : memref<128x128xf32, #tpu.memory_space<vmem>>, vector<1x16xf32>,
      %broadcast_in_dim3A_323 = arith.constant 0.000000e+00 : f32
      %broadcast_in_dim3A_324 = vector.broadcast %broadcast_in_dim3A_323 : f32 to vector<16xf32>
      %mul3A_325 = arith.constant 16 : i32
      %mul3A_326 = arith.muli %scan3A_71, %mul3A_325 : i32
      %add3A_327 = arith.constant 2 : i32
      %add3A_328 = arith.addi %mul3A_326, %add3A_327 : i32
      %swap3A_329 = arith.index_cast %add3A_328 : i32 to index
      %swap3A_330 = arith.constant 112 : index
      %swap3A_331 = tpu.vector_load %arg8[%swap3A_329, %swap3A_330] {strides = array<i32>} : memref<128x128xf32, #tpu.memory_space<vmem>>, vector<1x16xf32>,
      %swap3A_332 = vector.shape_cast %swap3A_331 : vector<1x16xf32> to vector<16xf32>
      %swap3A_333 = vector.shape_cast %broadcast_in_dim3A_324 : vector<16xf32> to vector<1x16xf32>
      tpu.vector_store %arg8[%swap3A_329, %swap3A_330], %swap3A_333 {strides = array<i32>} : memref<128x128xf32, #tpu.memory_space<vmem>>, vector<1x16xf32>,
      %broadcast_in_dim3A_334 = arith.constant 0.000000e+00 : f32
      %broadcast_in_dim3A_335 = vector.broadcast %broadcast_in_dim3A_334 : f32 to vector<16xf32>
      %mul3A_336 = arith.constant 16 : i32
      %mul3A_337 = arith.muli %scan3A_71, %mul3A_336 : i32
      %add3A_338 = arith.constant 3 : i32
      %add3A_339 = arith.addi %mul3A_337, %add3A_338 : i32
      %swap3A_340 = arith.index_cast %add3A_339 : i32 to index
      %swap3A_341 = arith.constant 0 : index
      %swap3A_342 = tpu.vector_load %arg8[%swap3A_340, %swap3A_341] {strides = array<i32>} : memref<128x128xf32, #tpu.memory_space<vmem>>, vector<1x16xf32>,
      %swap3A_343 = vector.shape_cast %swap3A_342 : vector<1x16xf32> to vector<16xf32>
      %swap3A_344 = vector.shape_cast %broadcast_in_dim3A_335 : vector<16xf32> to vector<1x16xf32>
      tpu.vector_store %arg8[%swap3A_340, %swap3A_341], %swap3A_344 {strides = array<i32>} : memref<128x128xf32, #tpu.memory_space<vmem>>, vector<1x16xf32>,
      %broadcast_in_dim3A_345 = arith.constant 0.000000e+00 : f32
      %broadcast_in_dim3A_346 = vector.broadcast %broadcast_in_dim3A_345 : f32 to vector<16xf32>
      %mul3A_347 = arith.constant 16 : i32
      %mul3A_348 = arith.muli %scan3A_71, %mul3A_347 : i32
      %add3A_349 = arith.constant 3 : i32
      %add3A_350 = arith.addi %mul3A_348, %add3A_349 : i32
      %swap3A_351 = arith.index_cast %add3A_350 : i32 to index
      %swap3A_352 = arith.constant 16 : index
      %swap3A_353 = tpu.vector_load %arg8[%swap3A_351, %swap3A_352] {strides = array<i32>} : memref<128x128xf32, #tpu.memory_space<vmem>>, vector<1x16xf32>,
      %swap3A_354 = vector.shape_cast %swap3A_353 : vector<1x16xf32> to vector<16xf32>
      %swap3A_355 = vector.shape_cast %broadcast_in_dim3A_346 : vector<16xf32> to vector<1x16xf32>
      tpu.vector_store %arg8[%swap3A_351, %swap3A_352], %swap3A_355 {strides = array<i32>} : memref<128x128xf32, #tpu.memory_space<vmem>>, vector<1x16xf32>,
      %broadcast_in_dim3A_356 = arith.constant 0.000000e+00 : f32
      %broadcast_in_dim3A_357 = vector.broadcast %broadcast_in_dim3A_356 : f32 to vector<16xf32>
      %mul3A_358 = arith.constant 16 : i32
      %mul3A_359 = arith.muli %scan3A_71, %mul3A_358 : i32
      %add3A_360 = arith.constant 3 : i32
      %add3A_361 = arith.addi %mul3A_359, %add3A_360 : i32
      %swap3A_362 = arith.index_cast %add3A_361 : i32 to index
      %swap3A_363 = arith.constant 32 : index
      %swap3A_364 = tpu.vector_load %arg8[%swap3A_362, %swap3A_363] {strides = array<i32>} : memref<128x128xf32, #tpu.memory_space<vmem>>, vector<1x16xf32>,
      %swap3A_365 = vector.shape_cast %swap3A_364 : vector<1x16xf32> to vector<16xf32>
      %swap3A_366 = vector.shape_cast %broadcast_in_dim3A_357 : vector<16xf32> to vector<1x16xf32>
      tpu.vector_store %arg8[%swap3A_362, %swap3A_363], %swap3A_366 {strides = array<i32>} : memref<128x128xf32, #tpu.memory_space<vmem>>, vector<1x16xf32>,
      %broadcast_in_dim3A_367 = arith.constant 0.000000e+00 : f32
      %broadcast_in_dim3A_368 = vector.broadcast %broadcast_in_dim3A_367 : f32 to vector<16xf32>
      %mul3A_369 = arith.constant 16 : i32
      %mul3A_370 = arith.muli %scan3A_71, %mul3A_369 : i32
      %add3A_371 = arith.constant 3 : i32
      %add3A_372 = arith.addi %mul3A_370, %add3A_371 : i32
      %swap3A_373 = arith.index_cast %add3A_372 : i32 to index
      %swap3A_374 = arith.constant 48 : index
      %swap3A_375 = tpu.vector_load %arg8[%swap3A_373, %swap3A_374] {strides = array<i32>} : memref<128x128xf32, #tpu.memory_space<vmem>>, vector<1x16xf32>,
      %swap3A_376 = vector.shape_cast %swap3A_375 : vector<1x16xf32> to vector<16xf32>
      %swap3A_377 = vector.shape_cast %broadcast_in_dim3A_368 : vector<16xf32> to vector<1x16xf32>
      tpu.vector_store %arg8[%swap3A_373, %swap3A_374], %swap3A_377 {strides = array<i32>} : memref<128x128xf32, #tpu.memory_space<vmem>>, vector<1x16xf32>,
      %broadcast_in_dim3A_378 = arith.constant 0.000000e+00 : f32
      %broadcast_in_dim3A_379 = vector.broadcast %broadcast_in_dim3A_378 : f32 to vector<16xf32>
      %mul3A_380 = arith.constant 16 : i32
      %mul3A_381 = arith.muli %scan3A_71, %mul3A_380 : i32
      %add3A_382 = arith.constant 3 : i32
      %add3A_383 = arith.addi %mul3A_381, %add3A_382 : i32
      %swap3A_384 = arith.index_cast %add3A_383 : i32 to index
      %swap3A_385 = arith.constant 64 : index
      %swap3A_386 = tpu.vector_load %arg8[%swap3A_384, %swap3A_385] {strides = array<i32>} : memref<128x128xf32, #tpu.memory_space<vmem>>, vector<1x16xf32>,
      %swap3A_387 = vector.shape_cast %swap3A_386 : vector<1x16xf32> to vector<16xf32>
      %swap3A_388 = vector.shape_cast %broadcast_in_dim3A_379 : vector<16xf32> to vector<1x16xf32>
      tpu.vector_store %arg8[%swap3A_384, %swap3A_385], %swap3A_388 {strides = array<i32>} : memref<128x128xf32, #tpu.memory_space<vmem>>, vector<1x16xf32>,
      %broadcast_in_dim3A_389 = arith.constant 0.000000e+00 : f32
      %broadcast_in_dim3A_390 = vector.broadcast %broadcast_in_dim3A_389 : f32 to vector<16xf32>
      %mul3A_391 = arith.constant 16 : i32
      %mul3A_392 = arith.muli %scan3A_71, %mul3A_391 : i32
      %add3A_393 = arith.constant 3 : i32
      %add3A_394 = arith.addi %mul3A_392, %add3A_393 : i32
      %swap3A_395 = arith.index_cast %add3A_394 : i32 to index
      %swap3A_396 = arith.constant 80 : index
      %swap3A_397 = tpu.vector_load %arg8[%swap3A_395, %swap3A_396] {strides = array<i32>} : memref<128x128xf32, #tpu.memory_space<vmem>>, vector<1x16xf32>,
      %swap3A_398 = vector.shape_cast %swap3A_397 : vector<1x16xf32> to vector<16xf32>
      %swap3A_399 = vector.shape_cast %broadcast_in_dim3A_390 : vector<16xf32> to vector<1x16xf32>
      tpu.vector_store %arg8[%swap3A_395, %swap3A_396], %swap3A_399 {strides = array<i32>} : memref<128x128xf32, #tpu.memory_space<vmem>>, vector<1x16xf32>,
      %broadcast_in_dim3A_400 = arith.constant 0.000000e+00 : f32
      %broadcast_in_dim3A_401 = vector.broadcast %broadcast_in_dim3A_400 : f32 to vector<16xf32>
      %mul3A_402 = arith.constant 16 : i32
      %mul3A_403 = arith.muli %scan3A_71, %mul3A_402 : i32
      %add3A_404 = arith.constant 3 : i32
      %add3A_405 = arith.addi %mul3A_403, %add3A_404 : i32
      %swap3A_406 = arith.index_cast %add3A_405 : i32 to index
      %swap3A_407 = arith.constant 96 : index
      %swap3A_408 = tpu.vector_load %arg8[%swap3A_406, %swap3A_407] {strides = array<i32>} : memref<128x128xf32, #tpu.memory_space<vmem>>, vector<1x16xf32>,
      %swap3A_409 = vector.shape_cast %swap3A_408 : vector<1x16xf32> to vector<16xf32>
      %swap3A_410 = vector.shape_cast %broadcast_in_dim3A_401 : vector<16xf32> to vector<1x16xf32>
      tpu.vector_store %arg8[%swap3A_406, %swap3A_407], %swap3A_410 {strides = array<i32>} : memref<128x128xf32, #tpu.memory_space<vmem>>, vector<1x16xf32>,
      %broadcast_in_dim3A_411 = arith.constant 0.000000e+00 : f32
      %broadcast_in_dim3A_412 = vector.broadcast %broadcast_in_dim3A_411 : f32 to vector<16xf32>
      %mul3A_413 = arith.constant 16 : i32
      %mul3A_414 = arith.muli %scan3A_71, %mul3A_413 : i32
      %add3A_415 = arith.constant 3 : i32
      %add3A_416 = arith.addi %mul3A_414, %add3A_415 : i32
      %swap3A_417 = arith.index_cast %add3A_416 : i32 to index
      %swap3A_418 = arith.constant 112 : index
      %swap3A_419 = tpu.vector_load %arg8[%swap3A_417, %swap3A_418] {strides = array<i32>} : memref<128x128xf32, #tpu.memory_space<vmem>>, vector<1x16xf32>,
      %swap3A_420 = vector.shape_cast %swap3A_419 : vector<1x16xf32> to vector<16xf32>
      %swap3A_421 = vector.shape_cast %broadcast_in_dim3A_412 : vector<16xf32> to vector<1x16xf32>
      tpu.vector_store %arg8[%swap3A_417, %swap3A_418], %swap3A_421 {strides = array<i32>} : memref<128x128xf32, #tpu.memory_space<vmem>>, vector<1x16xf32>,
      %broadcast_in_dim3A_422 = arith.constant 0.000000e+00 : f32
      %broadcast_in_dim3A_423 = vector.broadcast %broadcast_in_dim3A_422 : f32 to vector<16xf32>
      %mul3A_424 = arith.constant 16 : i32
      %mul3A_425 = arith.muli %scan3A_71, %mul3A_424 : i32
      %add3A_426 = arith.constant 4 : i32
      %add3A_427 = arith.addi %mul3A_425, %add3A_426 : i32
      %swap3A_428 = arith.index_cast %add3A_427 : i32 to index
      %swap3A_429 = arith.constant 0 : index
      %swap3A_430 = tpu.vector_load %arg8[%swap3A_428, %swap3A_429] {strides = array<i32>} : memref<128x128xf32, #tpu.memory_space<vmem>>, vector<1x16xf32>,
      %swap3A_431 = vector.shape_cast %swap3A_430 : vector<1x16xf32> to vector<16xf32>
      %swap3A_432 = vector.shape_cast %broadcast_in_dim3A_423 : vector<16xf32> to vector<1x16xf32>
      tpu.vector_store %arg8[%swap3A_428, %swap3A_429], %swap3A_432 {strides = array<i32>} : memref<128x128xf32, #tpu.memory_space<vmem>>, vector<1x16xf32>,
      %broadcast_in_dim3A_433 = arith.constant 0.000000e+00 : f32
      %broadcast_in_dim3A_434 = vector.broadcast %broadcast_in_dim3A_433 : f32 to vector<16xf32>
      %mul3A_435 = arith.constant 16 : i32
      %mul3A_436 = arith.muli %scan3A_71, %mul3A_435 : i32
      %add3A_437 = arith.constant 4 : i32
      %add3A_438 = arith.addi %mul3A_436, %add3A_437 : i32
      %swap3A_439 = arith.index_cast %add3A_438 : i32 to index
      %swap3A_440 = arith.constant 16 : index
      %swap3A_441 = tpu.vector_load %arg8[%swap3A_439, %swap3A_440] {strides = array<i32>} : memref<128x128xf32, #tpu.memory_space<vmem>>, vector<1x16xf32>,
      %swap3A_442 = vector.shape_cast %swap3A_441 : vector<1x16xf32> to vector<16xf32>
      %swap3A_443 = vector.shape_cast %broadcast_in_dim3A_434 : vector<16xf32> to vector<1x16xf32>
      tpu.vector_store %arg8[%swap3A_439, %swap3A_440], %swap3A_443 {strides = array<i32>} : memref<128x128xf32, #tpu.memory_space<vmem>>, vector<1x16xf32>,
      %broadcast_in_dim3A_444 = arith.constant 0.000000e+00 : f32
      %broadcast_in_dim3A_445 = vector.broadcast %broadcast_in_dim3A_444 : f32 to vector<16xf32>
      %mul3A_446 = arith.constant 16 : i32
      %mul3A_447 = arith.muli %scan3A_71, %mul3A_446 : i32
      %add3A_448 = arith.constant 4 : i32
      %add3A_449 = arith.addi %mul3A_447, %add3A_448 : i32
      %swap3A_450 = arith.index_cast %add3A_449 : i32 to index
      %swap3A_451 = arith.constant 32 : index
      %swap3A_452 = tpu.vector_load %arg8[%swap3A_450, %swap3A_451] {strides = array<i32>} : memref<128x128xf32, #tpu.memory_space<vmem>>, vector<1x16xf32>,
      %swap3A_453 = vector.shape_cast %swap3A_452 : vector<1x16xf32> to vector<16xf32>
      %swap3A_454 = vector.shape_cast %broadcast_in_dim3A_445 : vector<16xf32> to vector<1x16xf32>
      tpu.vector_store %arg8[%swap3A_450, %swap3A_451], %swap3A_454 {strides = array<i32>} : memref<128x128xf32, #tpu.memory_space<vmem>>, vector<1x16xf32>,
      %broadcast_in_dim3A_455 = arith.constant 0.000000e+00 : f32
      %broadcast_in_dim3A_456 = vector.broadcast %broadcast_in_dim3A_455 : f32 to vector<16xf32>
      %mul3A_457 = arith.constant 16 : i32
      %mul3A_458 = arith.muli %scan3A_71, %mul3A_457 : i32
      %add3A_459 = arith.constant 4 : i32
      %add3A_460 = arith.addi %mul3A_458, %add3A_459 : i32
      %swap3A_461 = arith.index_cast %add3A_460 : i32 to index
      %swap3A_462 = arith.constant 48 : index
      %swap3A_463 = tpu.vector_load %arg8[%swap3A_461, %swap3A_462] {strides = array<i32>} : memref<128x128xf32, #tpu.memory_space<vmem>>, vector<1x16xf32>,
      %swap3A_464 = vector.shape_cast %swap3A_463 : vector<1x16xf32> to vector<16xf32>
      %swap3A_465 = vector.shape_cast %broadcast_in_dim3A_456 : vector<16xf32> to vector<1x16xf32>
      tpu.vector_store %arg8[%swap3A_461, %swap3A_462], %swap3A_465 {strides = array<i32>} : memref<128x128xf32, #tpu.memory_space<vmem>>, vector<1x16xf32>,
      %broadcast_in_dim3A_466 = arith.constant 0.000000e+00 : f32
      %broadcast_in_dim3A_467 = vector.broadcast %broadcast_in_dim3A_466 : f32 to vector<16xf32>
      %mul3A_468 = arith.constant 16 : i32
      %mul3A_469 = arith.muli %scan3A_71, %mul3A_468 : i32
      %add3A_470 = arith.constant 4 : i32
      %add3A_471 = arith.addi %mul3A_469, %add3A_470 : i32
      %swap3A_472 = arith.index_cast %add3A_471 : i32 to index
      %swap3A_473 = arith.constant 64 : index
      %swap3A_474 = tpu.vector_load %arg8[%swap3A_472, %swap3A_473] {strides = array<i32>} : memref<128x128xf32, #tpu.memory_space<vmem>>, vector<1x16xf32>,
      %swap3A_475 = vector.shape_cast %swap3A_474 : vector<1x16xf32> to vector<16xf32>
      %swap3A_476 = vector.shape_cast %broadcast_in_dim3A_467 : vector<16xf32> to vector<1x16xf32>
      tpu.vector_store %arg8[%swap3A_472, %swap3A_473], %swap3A_476 {strides = array<i32>} : memref<128x128xf32, #tpu.memory_space<vmem>>, vector<1x16xf32>,
      %broadcast_in_dim3A_477 = arith.constant 0.000000e+00 : f32
      %broadcast_in_dim3A_478 = vector.broadcast %broadcast_in_dim3A_477 : f32 to vector<16xf32>
      %mul3A_479 = arith.constant 16 : i32
      %mul3A_480 = arith.muli %scan3A_71, %mul3A_479 : i32
      %add3A_481 = arith.constant 4 : i32
      %add3A_482 = arith.addi %mul3A_480, %add3A_481 : i32
      %swap3A_483 = arith.index_cast %add3A_482 : i32 to index
      %swap3A_484 = arith.constant 80 : index
      %swap3A_485 = tpu.vector_load %arg8[%swap3A_483, %swap3A_484] {strides = array<i32>} : memref<128x128xf32, #tpu.memory_space<vmem>>, vector<1x16xf32>,
      %swap3A_486 = vector.shape_cast %swap3A_485 : vector<1x16xf32> to vector<16xf32>
      %swap3A_487 = vector.shape_cast %broadcast_in_dim3A_478 : vector<16xf32> to vector<1x16xf32>
      tpu.vector_store %arg8[%swap3A_483, %swap3A_484], %swap3A_487 {strides = array<i32>} : memref<128x128xf32, #tpu.memory_space<vmem>>, vector<1x16xf32>,
      %broadcast_in_dim3A_488 = arith.constant 0.000000e+00 : f32
      %broadcast_in_dim3A_489 = vector.broadcast %broadcast_in_dim3A_488 : f32 to vector<16xf32>
      %mul3A_490 = arith.constant 16 : i32
      %mul3A_491 = arith.muli %scan3A_71, %mul3A_490 : i32
      %add3A_492 = arith.constant 4 : i32
      %add3A_493 = arith.addi %mul3A_491, %add3A_492 : i32
      %swap3A_494 = arith.index_cast %add3A_493 : i32 to index
      %swap3A_495 = arith.constant 96 : index
      %swap3A_496 = tpu.vector_load %arg8[%swap3A_494, %swap3A_495] {strides = array<i32>} : memref<128x128xf32, #tpu.memory_space<vmem>>, vector<1x16xf32>,
      %swap3A_497 = vector.shape_cast %swap3A_496 : vector<1x16xf32> to vector<16xf32>
      %swap3A_498 = vector.shape_cast %broadcast_in_dim3A_489 : vector<16xf32> to vector<1x16xf32>
      tpu.vector_store %arg8[%swap3A_494, %swap3A_495], %swap3A_498 {strides = array<i32>} : memref<128x128xf32, #tpu.memory_space<vmem>>, vector<1x16xf32>,
      %broadcast_in_dim3A_499 = arith.constant 0.000000e+00 : f32
      %broadcast_in_dim3A_500 = vector.broadcast %broadcast_in_dim3A_499 : f32 to vector<16xf32>
      %mul3A_501 = arith.constant 16 : i32
      %mul3A_502 = arith.muli %scan3A_71, %mul3A_501 : i32
      %add3A_503 = arith.constant 4 : i32
      %add3A_504 = arith.addi %mul3A_502, %add3A_503 : i32
      %swap3A_505 = arith.index_cast %add3A_504 : i32 to index
      %swap3A_506 = arith.constant 112 : index
      %swap3A_507 = tpu.vector_load %arg8[%swap3A_505, %swap3A_506] {strides = array<i32>} : memref<128x128xf32, #tpu.memory_space<vmem>>, vector<1x16xf32>,
      %swap3A_508 = vector.shape_cast %swap3A_507 : vector<1x16xf32> to vector<16xf32>
      %swap3A_509 = vector.shape_cast %broadcast_in_dim3A_500 : vector<16xf32> to vector<1x16xf32>
      tpu.vector_store %arg8[%swap3A_505, %swap3A_506], %swap3A_509 {strides = array<i32>} : memref<128x128xf32, #tpu.memory_space<vmem>>, vector<1x16xf32>,
      %broadcast_in_dim3A_510 = arith.constant 0.000000e+00 : f32
      %broadcast_in_dim3A_511 = vector.broadcast %broadcast_in_dim3A_510 : f32 to vector<16xf32>
      %mul3A_512 = arith.constant 16 : i32
      %mul3A_513 = arith.muli %scan3A_71, %mul3A_512 : i32
      %add3A_514 = arith.constant 5 : i32
      %add3A_515 = arith.addi %mul3A_513, %add3A_514 : i32
      %swap3A_516 = arith.index_cast %add3A_515 : i32 to index
      %swap3A_517 = arith.constant 0 : index
      %swap3A_518 = tpu.vector_load %arg8[%swap3A_516, %swap3A_517] {strides = array<i32>} : memref<128x128xf32, #tpu.memory_space<vmem>>, vector<1x16xf32>,
      %swap3A_519 = vector.shape_cast %swap3A_518 : vector<1x16xf32> to vector<16xf32>
      %swap3A_520 = vector.shape_cast %broadcast_in_dim3A_511 : vector<16xf32> to vector<1x16xf32>
      tpu.vector_store %arg8[%swap3A_516, %swap3A_517], %swap3A_520 {strides = array<i32>} : memref<128x128xf32, #tpu.memory_space<vmem>>, vector<1x16xf32>,
      %broadcast_in_dim3A_521 = arith.constant 0.000000e+00 : f32
      %broadcast_in_dim3A_522 = vector.broadcast %broadcast_in_dim3A_521 : f32 to vector<16xf32>
      %mul3A_523 = arith.constant 16 : i32
      %mul3A_524 = arith.muli %scan3A_71, %mul3A_523 : i32
      %add3A_525 = arith.constant 5 : i32
      %add3A_526 = arith.addi %mul3A_524, %add3A_525 : i32
      %swap3A_527 = arith.index_cast %add3A_526 : i32 to index
      %swap3A_528 = arith.constant 16 : index
      %swap3A_529 = tpu.vector_load %arg8[%swap3A_527, %swap3A_528] {strides = array<i32>} : memref<128x128xf32, #tpu.memory_space<vmem>>, vector<1x16xf32>,
      %swap3A_530 = vector.shape_cast %swap3A_529 : vector<1x16xf32> to vector<16xf32>
      %swap3A_531 = vector.shape_cast %broadcast_in_dim3A_522 : vector<16xf32> to vector<1x16xf32>
      tpu.vector_store %arg8[%swap3A_527, %swap3A_528], %swap3A_531 {strides = array<i32>} : memref<128x128xf32, #tpu.memory_space<vmem>>, vector<1x16xf32>,
      %broadcast_in_dim3A_532 = arith.constant 0.000000e+00 : f32
      %broadcast_in_dim3A_533 = vector.broadcast %broadcast_in_dim3A_532 : f32 to vector<16xf32>
      %mul3A_534 = arith.constant 16 : i32
      %mul3A_535 = arith.muli %scan3A_71, %mul3A_534 : i32
      %add3A_536 = arith.constant 5 : i32
      %add3A_537 = arith.addi %mul3A_535, %add3A_536 : i32
      %swap3A_538 = arith.index_cast %add3A_537 : i32 to index
      %swap3A_539 = arith.constant 32 : index
      %swap3A_540 = tpu.vector_load %arg8[%swap3A_538, %swap3A_539] {strides = array<i32>} : memref<128x128xf32, #tpu.memory_space<vmem>>, vector<1x16xf32>,
      %swap3A_541 = vector.shape_cast %swap3A_540 : vector<1x16xf32> to vector<16xf32>
      %swap3A_542 = vector.shape_cast %broadcast_in_dim3A_533 : vector<16xf32> to vector<1x16xf32>
      tpu.vector_store %arg8[%swap3A_538, %swap3A_539], %swap3A_542 {strides = array<i32>} : memref<128x128xf32, #tpu.memory_space<vmem>>, vector<1x16xf32>,
      %broadcast_in_dim3A_543 = arith.constant 0.000000e+00 : f32
      %broadcast_in_dim3A_544 = vector.broadcast %broadcast_in_dim3A_543 : f32 to vector<16xf32>
      %mul3A_545 = arith.constant 16 : i32
      %mul3A_546 = arith.muli %scan3A_71, %mul3A_545 : i32
      %add3A_547 = arith.constant 5 : i32
      %add3A_548 = arith.addi %mul3A_546, %add3A_547 : i32
      %swap3A_549 = arith.index_cast %add3A_548 : i32 to index
      %swap3A_550 = arith.constant 48 : index
      %swap3A_551 = tpu.vector_load %arg8[%swap3A_549, %swap3A_550] {strides = array<i32>} : memref<128x128xf32, #tpu.memory_space<vmem>>, vector<1x16xf32>,
      %swap3A_552 = vector.shape_cast %swap3A_551 : vector<1x16xf32> to vector<16xf32>
      %swap3A_553 = vector.shape_cast %broadcast_in_dim3A_544 : vector<16xf32> to vector<1x16xf32>
      tpu.vector_store %arg8[%swap3A_549, %swap3A_550], %swap3A_553 {strides = array<i32>} : memref<128x128xf32, #tpu.memory_space<vmem>>, vector<1x16xf32>,
      %broadcast_in_dim3A_554 = arith.constant 0.000000e+00 : f32
      %broadcast_in_dim3A_555 = vector.broadcast %broadcast_in_dim3A_554 : f32 to vector<16xf32>
      %mul3A_556 = arith.constant 16 : i32
      %mul3A_557 = arith.muli %scan3A_71, %mul3A_556 : i32
      %add3A_558 = arith.constant 5 : i32
      %add3A_559 = arith.addi %mul3A_557, %add3A_558 : i32
      %swap3A_560 = arith.index_cast %add3A_559 : i32 to index
      %swap3A_561 = arith.constant 64 : index
      %swap3A_562 = tpu.vector_load %arg8[%swap3A_560, %swap3A_561] {strides = array<i32>} : memref<128x128xf32, #tpu.memory_space<vmem>>, vector<1x16xf32>,
      %swap3A_563 = vector.shape_cast %swap3A_562 : vector<1x16xf32> to vector<16xf32>
      %swap3A_564 = vector.shape_cast %broadcast_in_dim3A_555 : vector<16xf32> to vector<1x16xf32>
      tpu.vector_store %arg8[%swap3A_560, %swap3A_561], %swap3A_564 {strides = array<i32>} : memref<128x128xf32, #tpu.memory_space<vmem>>, vector<1x16xf32>,
      %broadcast_in_dim3A_565 = arith.constant 0.000000e+00 : f32
      %broadcast_in_dim3A_566 = vector.broadcast %broadcast_in_dim3A_565 : f32 to vector<16xf32>
      %mul3A_567 = arith.constant 16 : i32
      %mul3A_568 = arith.muli %scan3A_71, %mul3A_567 : i32
      %add3A_569 = arith.constant 5 : i32
      %add3A_570 = arith.addi %mul3A_568, %add3A_569 : i32
      %swap3A_571 = arith.index_cast %add3A_570 : i32 to index
      %swap3A_572 = arith.constant 80 : index
      %swap3A_573 = tpu.vector_load %arg8[%swap3A_571, %swap3A_572] {strides = array<i32>} : memref<128x128xf32, #tpu.memory_space<vmem>>, vector<1x16xf32>,
      %swap3A_574 = vector.shape_cast %swap3A_573 : vector<1x16xf32> to vector<16xf32>
      %swap3A_575 = vector.shape_cast %broadcast_in_dim3A_566 : vector<16xf32> to vector<1x16xf32>
      tpu.vector_store %arg8[%swap3A_571, %swap3A_572], %swap3A_575 {strides = array<i32>} : memref<128x128xf32, #tpu.memory_space<vmem>>, vector<1x16xf32>,
      %broadcast_in_dim3A_576 = arith.constant 0.000000e+00 : f32
      %broadcast_in_dim3A_577 = vector.broadcast %broadcast_in_dim3A_576 : f32 to vector<16xf32>
      %mul3A_578 = arith.constant 16 : i32
      %mul3A_579 = arith.muli %scan3A_71, %mul3A_578 : i32
      %add3A_580 = arith.constant 5 : i32
      %add3A_581 = arith.addi %mul3A_579, %add3A_580 : i32
      %swap3A_582 = arith.index_cast %add3A_581 : i32 to index
      %swap3A_583 = arith.constant 96 : index
      %swap3A_584 = tpu.vector_load %arg8[%swap3A_582, %swap3A_583] {strides = array<i32>} : memref<128x128xf32, #tpu.memory_space<vmem>>, vector<1x16xf32>,
      %swap3A_585 = vector.shape_cast %swap3A_584 : vector<1x16xf32> to vector<16xf32>
      %swap3A_586 = vector.shape_cast %broadcast_in_dim3A_577 : vector<16xf32> to vector<1x16xf32>
      tpu.vector_store %arg8[%swap3A_582, %swap3A_583], %swap3A_586 {strides = array<i32>} : memref<128x128xf32, #tpu.memory_space<vmem>>, vector<1x16xf32>,
      %broadcast_in_dim3A_587 = arith.constant 0.000000e+00 : f32
      %broadcast_in_dim3A_588 = vector.broadcast %broadcast_in_dim3A_587 : f32 to vector<16xf32>
      %mul3A_589 = arith.constant 16 : i32
      %mul3A_590 = arith.muli %scan3A_71, %mul3A_589 : i32
      %add3A_591 = arith.constant 5 : i32
      %add3A_592 = arith.addi %mul3A_590, %add3A_591 : i32
      %swap3A_593 = arith.index_cast %add3A_592 : i32 to index
      %swap3A_594 = arith.constant 112 : index
      %swap3A_595 = tpu.vector_load %arg8[%swap3A_593, %swap3A_594] {strides = array<i32>} : memref<128x128xf32, #tpu.memory_space<vmem>>, vector<1x16xf32>,
      %swap3A_596 = vector.shape_cast %swap3A_595 : vector<1x16xf32> to vector<16xf32>
      %swap3A_597 = vector.shape_cast %broadcast_in_dim3A_588 : vector<16xf32> to vector<1x16xf32>
      tpu.vector_store %arg8[%swap3A_593, %swap3A_594], %swap3A_597 {strides = array<i32>} : memref<128x128xf32, #tpu.memory_space<vmem>>, vector<1x16xf32>,
      %broadcast_in_dim3A_598 = arith.constant 0.000000e+00 : f32
      %broadcast_in_dim3A_599 = vector.broadcast %broadcast_in_dim3A_598 : f32 to vector<16xf32>
      %mul3A_600 = arith.constant 16 : i32
      %mul3A_601 = arith.muli %scan3A_71, %mul3A_600 : i32
      %add3A_602 = arith.constant 6 : i32
      %add3A_603 = arith.addi %mul3A_601, %add3A_602 : i32
      %swap3A_604 = arith.index_cast %add3A_603 : i32 to index
      %swap3A_605 = arith.constant 0 : index
      %swap3A_606 = tpu.vector_load %arg8[%swap3A_604, %swap3A_605] {strides = array<i32>} : memref<128x128xf32, #tpu.memory_space<vmem>>, vector<1x16xf32>,
      %swap3A_607 = vector.shape_cast %swap3A_606 : vector<1x16xf32> to vector<16xf32>
      %swap3A_608 = vector.shape_cast %broadcast_in_dim3A_599 : vector<16xf32> to vector<1x16xf32>
      tpu.vector_store %arg8[%swap3A_604, %swap3A_605], %swap3A_608 {strides = array<i32>} : memref<128x128xf32, #tpu.memory_space<vmem>>, vector<1x16xf32>,
      %broadcast_in_dim3A_609 = arith.constant 0.000000e+00 : f32
      %broadcast_in_dim3A_610 = vector.broadcast %broadcast_in_dim3A_609 : f32 to vector<16xf32>
      %mul3A_611 = arith.constant 16 : i32
      %mul3A_612 = arith.muli %scan3A_71, %mul3A_611 : i32
      %add3A_613 = arith.constant 6 : i32
      %add3A_614 = arith.addi %mul3A_612, %add3A_613 : i32
      %swap3A_615 = arith.index_cast %add3A_614 : i32 to index
      %swap3A_616 = arith.constant 16 : index
      %swap3A_617 = tpu.vector_load %arg8[%swap3A_615, %swap3A_616] {strides = array<i32>} : memref<128x128xf32, #tpu.memory_space<vmem>>, vector<1x16xf32>,
      %swap3A_618 = vector.shape_cast %swap3A_617 : vector<1x16xf32> to vector<16xf32>
      %swap3A_619 = vector.shape_cast %broadcast_in_dim3A_610 : vector<16xf32> to vector<1x16xf32>
      tpu.vector_store %arg8[%swap3A_615, %swap3A_616], %swap3A_619 {strides = array<i32>} : memref<128x128xf32, #tpu.memory_space<vmem>>, vector<1x16xf32>,
      %broadcast_in_dim3A_620 = arith.constant 0.000000e+00 : f32
      %broadcast_in_dim3A_621 = vector.broadcast %broadcast_in_dim3A_620 : f32 to vector<16xf32>
      %mul3A_622 = arith.constant 16 : i32
      %mul3A_623 = arith.muli %scan3A_71, %mul3A_622 : i32
      %add3A_624 = arith.constant 6 : i32
      %add3A_625 = arith.addi %mul3A_623, %add3A_624 : i32
      %swap3A_626 = arith.index_cast %add3A_625 : i32 to index
      %swap3A_627 = arith.constant 32 : index
      %swap3A_628 = tpu.vector_load %arg8[%swap3A_626, %swap3A_627] {strides = array<i32>} : memref<128x128xf32, #tpu.memory_space<vmem>>, vector<1x16xf32>,
      %swap3A_629 = vector.shape_cast %swap3A_628 : vector<1x16xf32> to vector<16xf32>
      %swap3A_630 = vector.shape_cast %broadcast_in_dim3A_621 : vector<16xf32> to vector<1x16xf32>
      tpu.vector_store %arg8[%swap3A_626, %swap3A_627], %swap3A_630 {strides = array<i32>} : memref<128x128xf32, #tpu.memory_space<vmem>>, vector<1x16xf32>,
      %broadcast_in_dim3A_631 = arith.constant 0.000000e+00 : f32
      %broadcast_in_dim3A_632 = vector.broadcast %broadcast_in_dim3A_631 : f32 to vector<16xf32>
      %mul3A_633 = arith.constant 16 : i32
      %mul3A_634 = arith.muli %scan3A_71, %mul3A_633 : i32
      %add3A_635 = arith.constant 6 : i32
      %add3A_636 = arith.addi %mul3A_634, %add3A_635 : i32
      %swap3A_637 = arith.index_cast %add3A_636 : i32 to index
      %swap3A_638 = arith.constant 48 : index
      %swap3A_639 = tpu.vector_load %arg8[%swap3A_637, %swap3A_638] {strides = array<i32>} : memref<128x128xf32, #tpu.memory_space<vmem>>, vector<1x16xf32>,
      %swap3A_640 = vector.shape_cast %swap3A_639 : vector<1x16xf32> to vector<16xf32>
      %swap3A_641 = vector.shape_cast %broadcast_in_dim3A_632 : vector<16xf32> to vector<1x16xf32>
      tpu.vector_store %arg8[%swap3A_637, %swap3A_638], %swap3A_641 {strides = array<i32>} : memref<128x128xf32, #tpu.memory_space<vmem>>, vector<1x16xf32>,
      %broadcast_in_dim3A_642 = arith.constant 0.000000e+00 : f32
      %broadcast_in_dim3A_643 = vector.broadcast %broadcast_in_dim3A_642 : f32 to vector<16xf32>
      %mul3A_644 = arith.constant 16 : i32
      %mul3A_645 = arith.muli %scan3A_71, %mul3A_644 : i32
      %add3A_646 = arith.constant 6 : i32
      %add3A_647 = arith.addi %mul3A_645, %add3A_646 : i32
      %swap3A_648 = arith.index_cast %add3A_647 : i32 to index
      %swap3A_649 = arith.constant 64 : index
      %swap3A_650 = tpu.vector_load %arg8[%swap3A_648, %swap3A_649] {strides = array<i32>} : memref<128x128xf32, #tpu.memory_space<vmem>>, vector<1x16xf32>,
      %swap3A_651 = vector.shape_cast %swap3A_650 : vector<1x16xf32> to vector<16xf32>
      %swap3A_652 = vector.shape_cast %broadcast_in_dim3A_643 : vector<16xf32> to vector<1x16xf32>
      tpu.vector_store %arg8[%swap3A_648, %swap3A_649], %swap3A_652 {strides = array<i32>} : memref<128x128xf32, #tpu.memory_space<vmem>>, vector<1x16xf32>,
      %broadcast_in_dim3A_653 = arith.constant 0.000000e+00 : f32
      %broadcast_in_dim3A_654 = vector.broadcast %broadcast_in_dim3A_653 : f32 to vector<16xf32>
      %mul3A_655 = arith.constant 16 : i32
      %mul3A_656 = arith.muli %scan3A_71, %mul3A_655 : i32
      %add3A_657 = arith.constant 6 : i32
      %add3A_658 = arith.addi %mul3A_656, %add3A_657 : i32
      %swap3A_659 = arith.index_cast %add3A_658 : i32 to index
      %swap3A_660 = arith.constant 80 : index
      %swap3A_661 = tpu.vector_load %arg8[%swap3A_659, %swap3A_660] {strides = array<i32>} : memref<128x128xf32, #tpu.memory_space<vmem>>, vector<1x16xf32>,
      %swap3A_662 = vector.shape_cast %swap3A_661 : vector<1x16xf32> to vector<16xf32>
      %swap3A_663 = vector.shape_cast %broadcast_in_dim3A_654 : vector<16xf32> to vector<1x16xf32>
      tpu.vector_store %arg8[%swap3A_659, %swap3A_660], %swap3A_663 {strides = array<i32>} : memref<128x128xf32, #tpu.memory_space<vmem>>, vector<1x16xf32>,
      %broadcast_in_dim3A_664 = arith.constant 0.000000e+00 : f32
      %broadcast_in_dim3A_665 = vector.broadcast %broadcast_in_dim3A_664 : f32 to vector<16xf32>
      %mul3A_666 = arith.constant 16 : i32
      %mul3A_667 = arith.muli %scan3A_71, %mul3A_666 : i32
      %add3A_668 = arith.constant 6 : i32
      %add3A_669 = arith.addi %mul3A_667, %add3A_668 : i32
      %swap3A_670 = arith.index_cast %add3A_669 : i32 to index
      %swap3A_671 = arith.constant 96 : index
      %swap3A_672 = tpu.vector_load %arg8[%swap3A_670, %swap3A_671] {strides = array<i32>} : memref<128x128xf32, #tpu.memory_space<vmem>>, vector<1x16xf32>,
      %swap3A_673 = vector.shape_cast %swap3A_672 : vector<1x16xf32> to vector<16xf32>
      %swap3A_674 = vector.shape_cast %broadcast_in_dim3A_665 : vector<16xf32> to vector<1x16xf32>
      tpu.vector_store %arg8[%swap3A_670, %swap3A_671], %swap3A_674 {strides = array<i32>} : memref<128x128xf32, #tpu.memory_space<vmem>>, vector<1x16xf32>,
      %broadcast_in_dim3A_675 = arith.constant 0.000000e+00 : f32
      %broadcast_in_dim3A_676 = vector.broadcast %broadcast_in_dim3A_675 : f32 to vector<16xf32>
      %mul3A_677 = arith.constant 16 : i32
      %mul3A_678 = arith.muli %scan3A_71, %mul3A_677 : i32
      %add3A_679 = arith.constant 6 : i32
      %add3A_680 = arith.addi %mul3A_678, %add3A_679 : i32
      %swap3A_681 = arith.index_cast %add3A_680 : i32 to index
      %swap3A_682 = arith.constant 112 : index
      %swap3A_683 = tpu.vector_load %arg8[%swap3A_681, %swap3A_682] {strides = array<i32>} : memref<128x128xf32, #tpu.memory_space<vmem>>, vector<1x16xf32>,
      %swap3A_684 = vector.shape_cast %swap3A_683 : vector<1x16xf32> to vector<16xf32>
      %swap3A_685 = vector.shape_cast %broadcast_in_dim3A_676 : vector<16xf32> to vector<1x16xf32>
      tpu.vector_store %arg8[%swap3A_681, %swap3A_682], %swap3A_685 {strides = array<i32>} : memref<128x128xf32, #tpu.memory_space<vmem>>, vector<1x16xf32>,
      %broadcast_in_dim3A_686 = arith.constant 0.000000e+00 : f32
      %broadcast_in_dim3A_687 = vector.broadcast %broadcast_in_dim3A_686 : f32 to vector<16xf32>
      %mul3A_688 = arith.constant 16 : i32
      %mul3A_689 = arith.muli %scan3A_71, %mul3A_688 : i32
      %add3A_690 = arith.constant 7 : i32
      %add3A_691 = arith.addi %mul3A_689, %add3A_690 : i32
      %swap3A_692 = arith.index_cast %add3A_691 : i32 to index
      %swap3A_693 = arith.constant 0 : index
      %swap3A_694 = tpu.vector_load %arg8[%swap3A_692, %swap3A_693] {strides = array<i32>} : memref<128x128xf32, #tpu.memory_space<vmem>>, vector<1x16xf32>,
      %swap3A_695 = vector.shape_cast %swap3A_694 : vector<1x16xf32> to vector<16xf32>
      %swap3A_696 = vector.shape_cast %broadcast_in_dim3A_687 : vector<16xf32> to vector<1x16xf32>
      tpu.vector_store %arg8[%swap3A_692, %swap3A_693], %swap3A_696 {strides = array<i32>} : memref<128x128xf32, #tpu.memory_space<vmem>>, vector<1x16xf32>,
      %broadcast_in_dim3A_697 = arith.constant 0.000000e+00 : f32
      %broadcast_in_dim3A_698 = vector.broadcast %broadcast_in_dim3A_697 : f32 to vector<16xf32>
      %mul3A_699 = arith.constant 16 : i32
      %mul3A_700 = arith.muli %scan3A_71, %mul3A_699 : i32
      %add3A_701 = arith.constant 7 : i32
      %add3A_702 = arith.addi %mul3A_700, %add3A_701 : i32
      %swap3A_703 = arith.index_cast %add3A_702 : i32 to index
      %swap3A_704 = arith.constant 16 : index
      %swap3A_705 = tpu.vector_load %arg8[%swap3A_703, %swap3A_704] {strides = array<i32>} : memref<128x128xf32, #tpu.memory_space<vmem>>, vector<1x16xf32>,
      %swap3A_706 = vector.shape_cast %swap3A_705 : vector<1x16xf32> to vector<16xf32>
      %swap3A_707 = vector.shape_cast %broadcast_in_dim3A_698 : vector<16xf32> to vector<1x16xf32>
      tpu.vector_store %arg8[%swap3A_703, %swap3A_704], %swap3A_707 {strides = array<i32>} : memref<128x128xf32, #tpu.memory_space<vmem>>, vector<1x16xf32>,
      %broadcast_in_dim3A_708 = arith.constant 0.000000e+00 : f32
      %broadcast_in_dim3A_709 = vector.broadcast %broadcast_in_dim3A_708 : f32 to vector<16xf32>
      %mul3A_710 = arith.constant 16 : i32
      %mul3A_711 = arith.muli %scan3A_71, %mul3A_710 : i32
      %add3A_712 = arith.constant 7 : i32
      %add3A_713 = arith.addi %mul3A_711, %add3A_712 : i32
      %swap3A_714 = arith.index_cast %add3A_713 : i32 to index
      %swap3A_715 = arith.constant 32 : index
      %swap3A_716 = tpu.vector_load %arg8[%swap3A_714, %swap3A_715] {strides = array<i32>} : memref<128x128xf32, #tpu.memory_space<vmem>>, vector<1x16xf32>,
      %swap3A_717 = vector.shape_cast %swap3A_716 : vector<1x16xf32> to vector<16xf32>
      %swap3A_718 = vector.shape_cast %broadcast_in_dim3A_709 : vector<16xf32> to vector<1x16xf32>
      tpu.vector_store %arg8[%swap3A_714, %swap3A_715], %swap3A_718 {strides = array<i32>} : memref<128x128xf32, #tpu.memory_space<vmem>>, vector<1x16xf32>,
      %broadcast_in_dim3A_719 = arith.constant 0.000000e+00 : f32
      %broadcast_in_dim3A_720 = vector.broadcast %broadcast_in_dim3A_719 : f32 to vector<16xf32>
      %mul3A_721 = arith.constant 16 : i32
      %mul3A_722 = arith.muli %scan3A_71, %mul3A_721 : i32
      %add3A_723 = arith.constant 7 : i32
      %add3A_724 = arith.addi %mul3A_722, %add3A_723 : i32
      %swap3A_725 = arith.index_cast %add3A_724 : i32 to index
      %swap3A_726 = arith.constant 48 : index
      %swap3A_727 = tpu.vector_load %arg8[%swap3A_725, %swap3A_726] {strides = array<i32>} : memref<128x128xf32, #tpu.memory_space<vmem>>, vector<1x16xf32>,
      %swap3A_728 = vector.shape_cast %swap3A_727 : vector<1x16xf32> to vector<16xf32>
      %swap3A_729 = vector.shape_cast %broadcast_in_dim3A_720 : vector<16xf32> to vector<1x16xf32>
      tpu.vector_store %arg8[%swap3A_725, %swap3A_726], %swap3A_729 {strides = array<i32>} : memref<128x128xf32, #tpu.memory_space<vmem>>, vector<1x16xf32>,
      %broadcast_in_dim3A_730 = arith.constant 0.000000e+00 : f32
      %broadcast_in_dim3A_731 = vector.broadcast %broadcast_in_dim3A_730 : f32 to vector<16xf32>
      %mul3A_732 = arith.constant 16 : i32
      %mul3A_733 = arith.muli %scan3A_71, %mul3A_732 : i32
      %add3A_734 = arith.constant 7 : i32
      %add3A_735 = arith.addi %mul3A_733, %add3A_734 : i32
      %swap3A_736 = arith.index_cast %add3A_735 : i32 to index
      %swap3A_737 = arith.constant 64 : index
      %swap3A_738 = tpu.vector_load %arg8[%swap3A_736, %swap3A_737] {strides = array<i32>} : memref<128x128xf32, #tpu.memory_space<vmem>>, vector<1x16xf32>,
      %swap3A_739 = vector.shape_cast %swap3A_738 : vector<1x16xf32> to vector<16xf32>
      %swap3A_740 = vector.shape_cast %broadcast_in_dim3A_731 : vector<16xf32> to vector<1x16xf32>
      tpu.vector_store %arg8[%swap3A_736, %swap3A_737], %swap3A_740 {strides = array<i32>} : memref<128x128xf32, #tpu.memory_space<vmem>>, vector<1x16xf32>,
      %broadcast_in_dim3A_741 = arith.constant 0.000000e+00 : f32
      %broadcast_in_dim3A_742 = vector.broadcast %broadcast_in_dim3A_741 : f32 to vector<16xf32>
      %mul3A_743 = arith.constant 16 : i32
      %mul3A_744 = arith.muli %scan3A_71, %mul3A_743 : i32
      %add3A_745 = arith.constant 7 : i32
      %add3A_746 = arith.addi %mul3A_744, %add3A_745 : i32
      %swap3A_747 = arith.index_cast %add3A_746 : i32 to index
      %swap3A_748 = arith.constant 80 : index
      %swap3A_749 = tpu.vector_load %arg8[%swap3A_747, %swap3A_748] {strides = array<i32>} : memref<128x128xf32, #tpu.memory_space<vmem>>, vector<1x16xf32>,
      %swap3A_750 = vector.shape_cast %swap3A_749 : vector<1x16xf32> to vector<16xf32>
      %swap3A_751 = vector.shape_cast %broadcast_in_dim3A_742 : vector<16xf32> to vector<1x16xf32>
      tpu.vector_store %arg8[%swap3A_747, %swap3A_748], %swap3A_751 {strides = array<i32>} : memref<128x128xf32, #tpu.memory_space<vmem>>, vector<1x16xf32>,
      %broadcast_in_dim3A_752 = arith.constant 0.000000e+00 : f32
      %broadcast_in_dim3A_753 = vector.broadcast %broadcast_in_dim3A_752 : f32 to vector<16xf32>
      %mul3A_754 = arith.constant 16 : i32
      %mul3A_755 = arith.muli %scan3A_71, %mul3A_754 : i32
      %add3A_756 = arith.constant 7 : i32
      %add3A_757 = arith.addi %mul3A_755, %add3A_756 : i32
      %swap3A_758 = arith.index_cast %add3A_757 : i32 to index
      %swap3A_759 = arith.constant 96 : index
      %swap3A_760 = tpu.vector_load %arg8[%swap3A_758, %swap3A_759] {strides = array<i32>} : memref<128x128xf32, #tpu.memory_space<vmem>>, vector<1x16xf32>,
      %swap3A_761 = vector.shape_cast %swap3A_760 : vector<1x16xf32> to vector<16xf32>
      %swap3A_762 = vector.shape_cast %broadcast_in_dim3A_753 : vector<16xf32> to vector<1x16xf32>
      tpu.vector_store %arg8[%swap3A_758, %swap3A_759], %swap3A_762 {strides = array<i32>} : memref<128x128xf32, #tpu.memory_space<vmem>>, vector<1x16xf32>,
      %broadcast_in_dim3A_763 = arith.constant 0.000000e+00 : f32
      %broadcast_in_dim3A_764 = vector.broadcast %broadcast_in_dim3A_763 : f32 to vector<16xf32>
      %mul3A_765 = arith.constant 16 : i32
      %mul3A_766 = arith.muli %scan3A_71, %mul3A_765 : i32
      %add3A_767 = arith.constant 7 : i32
      %add3A_768 = arith.addi %mul3A_766, %add3A_767 : i32
      %swap3A_769 = arith.index_cast %add3A_768 : i32 to index
      %swap3A_770 = arith.constant 112 : index
      %swap3A_771 = tpu.vector_load %arg8[%swap3A_769, %swap3A_770] {strides = array<i32>} : memref<128x128xf32, #tpu.memory_space<vmem>>, vector<1x16xf32>,
      %swap3A_772 = vector.shape_cast %swap3A_771 : vector<1x16xf32> to vector<16xf32>
      %swap3A_773 = vector.shape_cast %broadcast_in_dim3A_764 : vector<16xf32> to vector<1x16xf32>
      tpu.vector_store %arg8[%swap3A_769, %swap3A_770], %swap3A_773 {strides = array<i32>} : memref<128x128xf32, #tpu.memory_space<vmem>>, vector<1x16xf32>,
      %broadcast_in_dim3A_774 = arith.constant 0.000000e+00 : f32
      %broadcast_in_dim3A_775 = vector.broadcast %broadcast_in_dim3A_774 : f32 to vector<16xf32>
      %mul3A_776 = arith.constant 16 : i32
      %mul3A_777 = arith.muli %scan3A_71, %mul3A_776 : i32
      %add3A_778 = arith.constant 8 : i32
      %add3A_779 = arith.addi %mul3A_777, %add3A_778 : i32
      %swap3A_780 = arith.index_cast %add3A_779 : i32 to index
      %swap3A_781 = arith.constant 0 : index
      %swap3A_782 = tpu.vector_load %arg8[%swap3A_780, %swap3A_781] {strides = array<i32>} : memref<128x128xf32, #tpu.memory_space<vmem>>, vector<1x16xf32>,
      %swap3A_783 = vector.shape_cast %swap3A_782 : vector<1x16xf32> to vector<16xf32>
      %swap3A_784 = vector.shape_cast %broadcast_in_dim3A_775 : vector<16xf32> to vector<1x16xf32>
      tpu.vector_store %arg8[%swap3A_780, %swap3A_781], %swap3A_784 {strides = array<i32>} : memref<128x128xf32, #tpu.memory_space<vmem>>, vector<1x16xf32>,
      %broadcast_in_dim3A_785 = arith.constant 0.000000e+00 : f32
      %broadcast_in_dim3A_786 = vector.broadcast %broadcast_in_dim3A_785 : f32 to vector<16xf32>
      %mul3A_787 = arith.constant 16 : i32
      %mul3A_788 = arith.muli %scan3A_71, %mul3A_787 : i32
      %add3A_789 = arith.constant 8 : i32
      %add3A_790 = arith.addi %mul3A_788, %add3A_789 : i32
      %swap3A_791 = arith.index_cast %add3A_790 : i32 to index
      %swap3A_792 = arith.constant 16 : index
      %swap3A_793 = tpu.vector_load %arg8[%swap3A_791, %swap3A_792] {strides = array<i32>} : memref<128x128xf32, #tpu.memory_space<vmem>>, vector<1x16xf32>,
      %swap3A_794 = vector.shape_cast %swap3A_793 : vector<1x16xf32> to vector<16xf32>
      %swap3A_795 = vector.shape_cast %broadcast_in_dim3A_786 : vector<16xf32> to vector<1x16xf32>
      tpu.vector_store %arg8[%swap3A_791, %swap3A_792], %swap3A_795 {strides = array<i32>} : memref<128x128xf32, #tpu.memory_space<vmem>>, vector<1x16xf32>,
      %broadcast_in_dim3A_796 = arith.constant 0.000000e+00 : f32
      %broadcast_in_dim3A_797 = vector.broadcast %broadcast_in_dim3A_796 : f32 to vector<16xf32>
      %mul3A_798 = arith.constant 16 : i32
      %mul3A_799 = arith.muli %scan3A_71, %mul3A_798 : i32
      %add3A_800 = arith.constant 8 : i32
      %add3A_801 = arith.addi %mul3A_799, %add3A_800 : i32
      %swap3A_802 = arith.index_cast %add3A_801 : i32 to index
      %swap3A_803 = arith.constant 32 : index
      %swap3A_804 = tpu.vector_load %arg8[%swap3A_802, %swap3A_803] {strides = array<i32>} : memref<128x128xf32, #tpu.memory_space<vmem>>, vector<1x16xf32>,
      %swap3A_805 = vector.shape_cast %swap3A_804 : vector<1x16xf32> to vector<16xf32>
      %swap3A_806 = vector.shape_cast %broadcast_in_dim3A_797 : vector<16xf32> to vector<1x16xf32>
      tpu.vector_store %arg8[%swap3A_802, %swap3A_803], %swap3A_806 {strides = array<i32>} : memref<128x128xf32, #tpu.memory_space<vmem>>, vector<1x16xf32>,
      %broadcast_in_dim3A_807 = arith.constant 0.000000e+00 : f32
      %broadcast_in_dim3A_808 = vector.broadcast %broadcast_in_dim3A_807 : f32 to vector<16xf32>
      %mul3A_809 = arith.constant 16 : i32
      %mul3A_810 = arith.muli %scan3A_71, %mul3A_809 : i32
      %add3A_811 = arith.constant 8 : i32
      %add3A_812 = arith.addi %mul3A_810, %add3A_811 : i32
      %swap3A_813 = arith.index_cast %add3A_812 : i32 to index
      %swap3A_814 = arith.constant 48 : index
      %swap3A_815 = tpu.vector_load %arg8[%swap3A_813, %swap3A_814] {strides = array<i32>} : memref<128x128xf32, #tpu.memory_space<vmem>>, vector<1x16xf32>,
      %swap3A_816 = vector.shape_cast %swap3A_815 : vector<1x16xf32> to vector<16xf32>
      %swap3A_817 = vector.shape_cast %broadcast_in_dim3A_808 : vector<16xf32> to vector<1x16xf32>
      tpu.vector_store %arg8[%swap3A_813, %swap3A_814], %swap3A_817 {strides = array<i32>} : memref<128x128xf32, #tpu.memory_space<vmem>>, vector<1x16xf32>,
      %broadcast_in_dim3A_818 = arith.constant 0.000000e+00 : f32
      %broadcast_in_dim3A_819 = vector.broadcast %broadcast_in_dim3A_818 : f32 to vector<16xf32>
      %mul3A_820 = arith.constant 16 : i32
      %mul3A_821 = arith.muli %scan3A_71, %mul3A_820 : i32
      %add3A_822 = arith.constant 8 : i32
      %add3A_823 = arith.addi %mul3A_821, %add3A_822 : i32
      %swap3A_824 = arith.index_cast %add3A_823 : i32 to index
      %swap3A_825 = arith.constant 64 : index
      %swap3A_826 = tpu.vector_load %arg8[%swap3A_824, %swap3A_825] {strides = array<i32>} : memref<128x128xf32, #tpu.memory_space<vmem>>, vector<1x16xf32>,
      %swap3A_827 = vector.shape_cast %swap3A_826 : vector<1x16xf32> to vector<16xf32>
      %swap3A_828 = vector.shape_cast %broadcast_in_dim3A_819 : vector<16xf32> to vector<1x16xf32>
      tpu.vector_store %arg8[%swap3A_824, %swap3A_825], %swap3A_828 {strides = array<i32>} : memref<128x128xf32, #tpu.memory_space<vmem>>, vector<1x16xf32>,
      %broadcast_in_dim3A_829 = arith.constant 0.000000e+00 : f32
      %broadcast_in_dim3A_830 = vector.broadcast %broadcast_in_dim3A_829 : f32 to vector<16xf32>
      %mul3A_831 = arith.constant 16 : i32
      %mul3A_832 = arith.muli %scan3A_71, %mul3A_831 : i32
      %add3A_833 = arith.constant 8 : i32
      %add3A_834 = arith.addi %mul3A_832, %add3A_833 : i32
      %swap3A_835 = arith.index_cast %add3A_834 : i32 to index
      %swap3A_836 = arith.constant 80 : index
      %swap3A_837 = tpu.vector_load %arg8[%swap3A_835, %swap3A_836] {strides = array<i32>} : memref<128x128xf32, #tpu.memory_space<vmem>>, vector<1x16xf32>,
      %swap3A_838 = vector.shape_cast %swap3A_837 : vector<1x16xf32> to vector<16xf32>
      %swap3A_839 = vector.shape_cast %broadcast_in_dim3A_830 : vector<16xf32> to vector<1x16xf32>
      tpu.vector_store %arg8[%swap3A_835, %swap3A_836], %swap3A_839 {strides = array<i32>} : memref<128x128xf32, #tpu.memory_space<vmem>>, vector<1x16xf32>,
      %broadcast_in_dim3A_840 = arith.constant 0.000000e+00 : f32
      %broadcast_in_dim3A_841 = vector.broadcast %broadcast_in_dim3A_840 : f32 to vector<16xf32>
      %mul3A_842 = arith.constant 16 : i32
      %mul3A_843 = arith.muli %scan3A_71, %mul3A_842 : i32
      %add3A_844 = arith.constant 8 : i32
      %add3A_845 = arith.addi %mul3A_843, %add3A_844 : i32
      %swap3A_846 = arith.index_cast %add3A_845 : i32 to index
      %swap3A_847 = arith.constant 96 : index
      %swap3A_848 = tpu.vector_load %arg8[%swap3A_846, %swap3A_847] {strides = array<i32>} : memref<128x128xf32, #tpu.memory_space<vmem>>, vector<1x16xf32>,
      %swap3A_849 = vector.shape_cast %swap3A_848 : vector<1x16xf32> to vector<16xf32>
      %swap3A_850 = vector.shape_cast %broadcast_in_dim3A_841 : vector<16xf32> to vector<1x16xf32>
      tpu.vector_store %arg8[%swap3A_846, %swap3A_847], %swap3A_850 {strides = array<i32>} : memref<128x128xf32, #tpu.memory_space<vmem>>, vector<1x16xf32>,
      %broadcast_in_dim3A_851 = arith.constant 0.000000e+00 : f32
      %broadcast_in_dim3A_852 = vector.broadcast %broadcast_in_dim3A_851 : f32 to vector<16xf32>
      %mul3A_853 = arith.constant 16 : i32
      %mul3A_854 = arith.muli %scan3A_71, %mul3A_853 : i32
      %add3A_855 = arith.constant 8 : i32
      %add3A_856 = arith.addi %mul3A_854, %add3A_855 : i32
      %swap3A_857 = arith.index_cast %add3A_856 : i32 to index
      %swap3A_858 = arith.constant 112 : index
      %swap3A_859 = tpu.vector_load %arg8[%swap3A_857, %swap3A_858] {strides = array<i32>} : memref<128x128xf32, #tpu.memory_space<vmem>>, vector<1x16xf32>,
      %swap3A_860 = vector.shape_cast %swap3A_859 : vector<1x16xf32> to vector<16xf32>
      %swap3A_861 = vector.shape_cast %broadcast_in_dim3A_852 : vector<16xf32> to vector<1x16xf32>
      tpu.vector_store %arg8[%swap3A_857, %swap3A_858], %swap3A_861 {strides = array<i32>} : memref<128x128xf32, #tpu.memory_space<vmem>>, vector<1x16xf32>,
      %broadcast_in_dim3A_862 = arith.constant 0.000000e+00 : f32
      %broadcast_in_dim3A_863 = vector.broadcast %broadcast_in_dim3A_862 : f32 to vector<16xf32>
      %mul3A_864 = arith.constant 16 : i32
      %mul3A_865 = arith.muli %scan3A_71, %mul3A_864 : i32
      %add3A_866 = arith.constant 9 : i32
      %add3A_867 = arith.addi %mul3A_865, %add3A_866 : i32
      %swap3A_868 = arith.index_cast %add3A_867 : i32 to index
      %swap3A_869 = arith.constant 0 : index
      %swap3A_870 = tpu.vector_load %arg8[%swap3A_868, %swap3A_869] {strides = array<i32>} : memref<128x128xf32, #tpu.memory_space<vmem>>, vector<1x16xf32>,
      %swap3A_871 = vector.shape_cast %swap3A_870 : vector<1x16xf32> to vector<16xf32>
      %swap3A_872 = vector.shape_cast %broadcast_in_dim3A_863 : vector<16xf32> to vector<1x16xf32>
      tpu.vector_store %arg8[%swap3A_868, %swap3A_869], %swap3A_872 {strides = array<i32>} : memref<128x128xf32, #tpu.memory_space<vmem>>, vector<1x16xf32>,
      %broadcast_in_dim3A_873 = arith.constant 0.000000e+00 : f32
      %broadcast_in_dim3A_874 = vector.broadcast %broadcast_in_dim3A_873 : f32 to vector<16xf32>
      %mul3A_875 = arith.constant 16 : i32
      %mul3A_876 = arith.muli %scan3A_71, %mul3A_875 : i32
      %add3A_877 = arith.constant 9 : i32
      %add3A_878 = arith.addi %mul3A_876, %add3A_877 : i32
      %swap3A_879 = arith.index_cast %add3A_878 : i32 to index
      %swap3A_880 = arith.constant 16 : index
      %swap3A_881 = tpu.vector_load %arg8[%swap3A_879, %swap3A_880] {strides = array<i32>} : memref<128x128xf32, #tpu.memory_space<vmem>>, vector<1x16xf32>,
      %swap3A_882 = vector.shape_cast %swap3A_881 : vector<1x16xf32> to vector<16xf32>
      %swap3A_883 = vector.shape_cast %broadcast_in_dim3A_874 : vector<16xf32> to vector<1x16xf32>
      tpu.vector_store %arg8[%swap3A_879, %swap3A_880], %swap3A_883 {strides = array<i32>} : memref<128x128xf32, #tpu.memory_space<vmem>>, vector<1x16xf32>,
      %broadcast_in_dim3A_884 = arith.constant 0.000000e+00 : f32
      %broadcast_in_dim3A_885 = vector.broadcast %broadcast_in_dim3A_884 : f32 to vector<16xf32>
      %mul3A_886 = arith.constant 16 : i32
      %mul3A_887 = arith.muli %scan3A_71, %mul3A_886 : i32
      %add3A_888 = arith.constant 9 : i32
      %add3A_889 = arith.addi %mul3A_887, %add3A_888 : i32
      %swap3A_890 = arith.index_cast %add3A_889 : i32 to index
      %swap3A_891 = arith.constant 32 : index
      %swap3A_892 = tpu.vector_load %arg8[%swap3A_890, %swap3A_891] {strides = array<i32>} : memref<128x128xf32, #tpu.memory_space<vmem>>, vector<1x16xf32>,
      %swap3A_893 = vector.shape_cast %swap3A_892 : vector<1x16xf32> to vector<16xf32>
      %swap3A_894 = vector.shape_cast %broadcast_in_dim3A_885 : vector<16xf32> to vector<1x16xf32>
      tpu.vector_store %arg8[%swap3A_890, %swap3A_891], %swap3A_894 {strides = array<i32>} : memref<128x128xf32, #tpu.memory_space<vmem>>, vector<1x16xf32>,
      %broadcast_in_dim3A_895 = arith.constant 0.000000e+00 : f32
      %broadcast_in_dim3A_896 = vector.broadcast %broadcast_in_dim3A_895 : f32 to vector<16xf32>
      %mul3A_897 = arith.constant 16 : i32
      %mul3A_898 = arith.muli %scan3A_71, %mul3A_897 : i32
      %add3A_899 = arith.constant 9 : i32
      %add3A_900 = arith.addi %mul3A_898, %add3A_899 : i32
      %swap3A_901 = arith.index_cast %add3A_900 : i32 to index
      %swap3A_902 = arith.constant 48 : index
      %swap3A_903 = tpu.vector_load %arg8[%swap3A_901, %swap3A_902] {strides = array<i32>} : memref<128x128xf32, #tpu.memory_space<vmem>>, vector<1x16xf32>,
      %swap3A_904 = vector.shape_cast %swap3A_903 : vector<1x16xf32> to vector<16xf32>
      %swap3A_905 = vector.shape_cast %broadcast_in_dim3A_896 : vector<16xf32> to vector<1x16xf32>
      tpu.vector_store %arg8[%swap3A_901, %swap3A_902], %swap3A_905 {strides = array<i32>} : memref<128x128xf32, #tpu.memory_space<vmem>>, vector<1x16xf32>,
      %broadcast_in_dim3A_906 = arith.constant 0.000000e+00 : f32
      %broadcast_in_dim3A_907 = vector.broadcast %broadcast_in_dim3A_906 : f32 to vector<16xf32>
      %mul3A_908 = arith.constant 16 : i32
      %mul3A_909 = arith.muli %scan3A_71, %mul3A_908 : i32
      %add3A_910 = arith.constant 9 : i32
      %add3A_911 = arith.addi %mul3A_909, %add3A_910 : i32
      %swap3A_912 = arith.index_cast %add3A_911 : i32 to index
      %swap3A_913 = arith.constant 64 : index
      %swap3A_914 = tpu.vector_load %arg8[%swap3A_912, %swap3A_913] {strides = array<i32>} : memref<128x128xf32, #tpu.memory_space<vmem>>, vector<1x16xf32>,
      %swap3A_915 = vector.shape_cast %swap3A_914 : vector<1x16xf32> to vector<16xf32>
      %swap3A_916 = vector.shape_cast %broadcast_in_dim3A_907 : vector<16xf32> to vector<1x16xf32>
      tpu.vector_store %arg8[%swap3A_912, %swap3A_913], %swap3A_916 {strides = array<i32>} : memref<128x128xf32, #tpu.memory_space<vmem>>, vector<1x16xf32>,
      %broadcast_in_dim3A_917 = arith.constant 0.000000e+00 : f32
      %broadcast_in_dim3A_918 = vector.broadcast %broadcast_in_dim3A_917 : f32 to vector<16xf32>
      %mul3A_919 = arith.constant 16 : i32
      %mul3A_920 = arith.muli %scan3A_71, %mul3A_919 : i32
      %add3A_921 = arith.constant 9 : i32
      %add3A_922 = arith.addi %mul3A_920, %add3A_921 : i32
      %swap3A_923 = arith.index_cast %add3A_922 : i32 to index
      %swap3A_924 = arith.constant 80 : index
      %swap3A_925 = tpu.vector_load %arg8[%swap3A_923, %swap3A_924] {strides = array<i32>} : memref<128x128xf32, #tpu.memory_space<vmem>>, vector<1x16xf32>,
      %swap3A_926 = vector.shape_cast %swap3A_925 : vector<1x16xf32> to vector<16xf32>
      %swap3A_927 = vector.shape_cast %broadcast_in_dim3A_918 : vector<16xf32> to vector<1x16xf32>
      tpu.vector_store %arg8[%swap3A_923, %swap3A_924], %swap3A_927 {strides = array<i32>} : memref<128x128xf32, #tpu.memory_space<vmem>>, vector<1x16xf32>,
      %broadcast_in_dim3A_928 = arith.constant 0.000000e+00 : f32
      %broadcast_in_dim3A_929 = vector.broadcast %broadcast_in_dim3A_928 : f32 to vector<16xf32>
      %mul3A_930 = arith.constant 16 : i32
      %mul3A_931 = arith.muli %scan3A_71, %mul3A_930 : i32
      %add3A_932 = arith.constant 9 : i32
      %add3A_933 = arith.addi %mul3A_931, %add3A_932 : i32
      %swap3A_934 = arith.index_cast %add3A_933 : i32 to index
      %swap3A_935 = arith.constant 96 : index
      %swap3A_936 = tpu.vector_load %arg8[%swap3A_934, %swap3A_935] {strides = array<i32>} : memref<128x128xf32, #tpu.memory_space<vmem>>, vector<1x16xf32>,
      %swap3A_937 = vector.shape_cast %swap3A_936 : vector<1x16xf32> to vector<16xf32>
      %swap3A_938 = vector.shape_cast %broadcast_in_dim3A_929 : vector<16xf32> to vector<1x16xf32>
      tpu.vector_store %arg8[%swap3A_934, %swap3A_935], %swap3A_938 {strides = array<i32>} : memref<128x128xf32, #tpu.memory_space<vmem>>, vector<1x16xf32>,
      %broadcast_in_dim3A_939 = arith.constant 0.000000e+00 : f32
      %broadcast_in_dim3A_940 = vector.broadcast %broadcast_in_dim3A_939 : f32 to vector<16xf32>
      %mul3A_941 = arith.constant 16 : i32
      %mul3A_942 = arith.muli %scan3A_71, %mul3A_941 : i32
      %add3A_943 = arith.constant 9 : i32
      %add3A_944 = arith.addi %mul3A_942, %add3A_943 : i32
      %swap3A_945 = arith.index_cast %add3A_944 : i32 to index
      %swap3A_946 = arith.constant 112 : index
      %swap3A_947 = tpu.vector_load %arg8[%swap3A_945, %swap3A_946] {strides = array<i32>} : memref<128x128xf32, #tpu.memory_space<vmem>>, vector<1x16xf32>,
      %swap3A_948 = vector.shape_cast %swap3A_947 : vector<1x16xf32> to vector<16xf32>
      %swap3A_949 = vector.shape_cast %broadcast_in_dim3A_940 : vector<16xf32> to vector<1x16xf32>
      tpu.vector_store %arg8[%swap3A_945, %swap3A_946], %swap3A_949 {strides = array<i32>} : memref<128x128xf32, #tpu.memory_space<vmem>>, vector<1x16xf32>,
      %broadcast_in_dim3A_950 = arith.constant 0.000000e+00 : f32
      %broadcast_in_dim3A_951 = vector.broadcast %broadcast_in_dim3A_950 : f32 to vector<16xf32>
      %mul3A_952 = arith.constant 16 : i32
      %mul3A_953 = arith.muli %scan3A_71, %mul3A_952 : i32
      %add3A_954 = arith.constant 10 : i32
      %add3A_955 = arith.addi %mul3A_953, %add3A_954 : i32
      %swap3A_956 = arith.index_cast %add3A_955 : i32 to index
      %swap3A_957 = arith.constant 0 : index
      %swap3A_958 = tpu.vector_load %arg8[%swap3A_956, %swap3A_957] {strides = array<i32>} : memref<128x128xf32, #tpu.memory_space<vmem>>, vector<1x16xf32>,
      %swap3A_959 = vector.shape_cast %swap3A_958 : vector<1x16xf32> to vector<16xf32>
      %swap3A_960 = vector.shape_cast %broadcast_in_dim3A_951 : vector<16xf32> to vector<1x16xf32>
      tpu.vector_store %arg8[%swap3A_956, %swap3A_957], %swap3A_960 {strides = array<i32>} : memref<128x128xf32, #tpu.memory_space<vmem>>, vector<1x16xf32>,
      %broadcast_in_dim3A_961 = arith.constant 0.000000e+00 : f32
      %broadcast_in_dim3A_962 = vector.broadcast %broadcast_in_dim3A_961 : f32 to vector<16xf32>
      %mul3A_963 = arith.constant 16 : i32
      %mul3A_964 = arith.muli %scan3A_71, %mul3A_963 : i32
      %add3A_965 = arith.constant 10 : i32
      %add3A_966 = arith.addi %mul3A_964, %add3A_965 : i32
      %swap3A_967 = arith.index_cast %add3A_966 : i32 to index
      %swap3A_968 = arith.constant 16 : index
      %swap3A_969 = tpu.vector_load %arg8[%swap3A_967, %swap3A_968] {strides = array<i32>} : memref<128x128xf32, #tpu.memory_space<vmem>>, vector<1x16xf32>,
      %swap3A_970 = vector.shape_cast %swap3A_969 : vector<1x16xf32> to vector<16xf32>
      %swap3A_971 = vector.shape_cast %broadcast_in_dim3A_962 : vector<16xf32> to vector<1x16xf32>
      tpu.vector_store %arg8[%swap3A_967, %swap3A_968], %swap3A_971 {strides = array<i32>} : memref<128x128xf32, #tpu.memory_space<vmem>>, vector<1x16xf32>,
      %broadcast_in_dim3A_972 = arith.constant 0.000000e+00 : f32
      %broadcast_in_dim3A_973 = vector.broadcast %broadcast_in_dim3A_972 : f32 to vector<16xf32>
      %mul3A_974 = arith.constant 16 : i32
      %mul3A_975 = arith.muli %scan3A_71, %mul3A_974 : i32
      %add3A_976 = arith.constant 10 : i32
      %add3A_977 = arith.addi %mul3A_975, %add3A_976 : i32
      %swap3A_978 = arith.index_cast %add3A_977 : i32 to index
      %swap3A_979 = arith.constant 32 : index
      %swap3A_980 = tpu.vector_load %arg8[%swap3A_978, %swap3A_979] {strides = array<i32>} : memref<128x128xf32, #tpu.memory_space<vmem>>, vector<1x16xf32>,
      %swap3A_981 = vector.shape_cast %swap3A_980 : vector<1x16xf32> to vector<16xf32>
      %swap3A_982 = vector.shape_cast %broadcast_in_dim3A_973 : vector<16xf32> to vector<1x16xf32>
      tpu.vector_store %arg8[%swap3A_978, %swap3A_979], %swap3A_982 {strides = array<i32>} : memref<128x128xf32, #tpu.memory_space<vmem>>, vector<1x16xf32>,
      %broadcast_in_dim3A_983 = arith.constant 0.000000e+00 : f32
      %broadcast_in_dim3A_984 = vector.broadcast %broadcast_in_dim3A_983 : f32 to vector<16xf32>
      %mul3A_985 = arith.constant 16 : i32
      %mul3A_986 = arith.muli %scan3A_71, %mul3A_985 : i32
      %add3A_987 = arith.constant 10 : i32
      %add3A_988 = arith.addi %mul3A_986, %add3A_987 : i32
      %swap3A_989 = arith.index_cast %add3A_988 : i32 to index
      %swap3A_990 = arith.constant 48 : index
      %swap3A_991 = tpu.vector_load %arg8[%swap3A_989, %swap3A_990] {strides = array<i32>} : memref<128x128xf32, #tpu.memory_space<vmem>>, vector<1x16xf32>,
      %swap3A_992 = vector.shape_cast %swap3A_991 : vector<1x16xf32> to vector<16xf32>
      %swap3A_993 = vector.shape_cast %broadcast_in_dim3A_984 : vector<16xf32> to vector<1x16xf32>
      tpu.vector_store %arg8[%swap3A_989, %swap3A_990], %swap3A_993 {strides = array<i32>} : memref<128x128xf32, #tpu.memory_space<vmem>>, vector<1x16xf32>,
      %broadcast_in_dim3A_994 = arith.constant 0.000000e+00 : f32
      %broadcast_in_dim3A_995 = vector.broadcast %broadcast_in_dim3A_994 : f32 to vector<16xf32>
      %mul3A_996 = arith.constant 16 : i32
      %mul3A_997 = arith.muli %scan3A_71, %mul3A_996 : i32
      %add3A_998 = arith.constant 10 : i32
      %add3A_999 = arith.addi %mul3A_997, %add3A_998 : i32
      %swap3A_1000 = arith.index_cast %add3A_999 : i32 to index
      %swap3A_1001 = arith.constant 64 : index
      %swap3A_1002 = tpu.vector_load %arg8[%swap3A_1000, %swap3A_1001] {strides = array<i32>} : memref<128x128xf32, #tpu.memory_space<vmem>>, vector<1x16xf32>,
      %swap3A_1003 = vector.shape_cast %swap3A_1002 : vector<1x16xf32> to vector<16xf32>
      %swap3A_1004 = vector.shape_cast %broadcast_in_dim3A_995 : vector<16xf32> to vector<1x16xf32>
      tpu.vector_store %arg8[%swap3A_1000, %swap3A_1001], %swap3A_1004 {strides = array<i32>} : memref<128x128xf32, #tpu.memory_space<vmem>>, vector<1x16xf32>,
      %broadcast_in_dim3A_1005 = arith.constant 0.000000e+00 : f32
      %broadcast_in_dim3A_1006 = vector.broadcast %broadcast_in_dim3A_1005 : f32 to vector<16xf32>
      %mul3A_1007 = arith.constant 16 : i32
      %mul3A_1008 = arith.muli %scan3A_71, %mul3A_1007 : i32
      %add3A_1009 = arith.constant 10 : i32
      %add3A_1010 = arith.addi %mul3A_1008, %add3A_1009 : i32
      %swap3A_1011 = arith.index_cast %add3A_1010 : i32 to index
      %swap3A_1012 = arith.constant 80 : index
      %swap3A_1013 = tpu.vector_load %arg8[%swap3A_1011, %swap3A_1012] {strides = array<i32>} : memref<128x128xf32, #tpu.memory_space<vmem>>, vector<1x16xf32>,
      %swap3A_1014 = vector.shape_cast %swap3A_1013 : vector<1x16xf32> to vector<16xf32>
      %swap3A_1015 = vector.shape_cast %broadcast_in_dim3A_1006 : vector<16xf32> to vector<1x16xf32>
      tpu.vector_store %arg8[%swap3A_1011, %swap3A_1012], %swap3A_1015 {strides = array<i32>} : memref<128x128xf32, #tpu.memory_space<vmem>>, vector<1x16xf32>,
      %broadcast_in_dim3A_1016 = arith.constant 0.000000e+00 : f32
      %broadcast_in_dim3A_1017 = vector.broadcast %broadcast_in_dim3A_1016 : f32 to vector<16xf32>
      %mul3A_1018 = arith.constant 16 : i32
      %mul3A_1019 = arith.muli %scan3A_71, %mul3A_1018 : i32
      %add3A_1020 = arith.constant 10 : i32
      %add3A_1021 = arith.addi %mul3A_1019, %add3A_1020 : i32
      %swap3A_1022 = arith.index_cast %add3A_1021 : i32 to index
      %swap3A_1023 = arith.constant 96 : index
      %swap3A_1024 = tpu.vector_load %arg8[%swap3A_1022, %swap3A_1023] {strides = array<i32>} : memref<128x128xf32, #tpu.memory_space<vmem>>, vector<1x16xf32>,
      %swap3A_1025 = vector.shape_cast %swap3A_1024 : vector<1x16xf32> to vector<16xf32>
      %swap3A_1026 = vector.shape_cast %broadcast_in_dim3A_1017 : vector<16xf32> to vector<1x16xf32>
      tpu.vector_store %arg8[%swap3A_1022, %swap3A_1023], %swap3A_1026 {strides = array<i32>} : memref<128x128xf32, #tpu.memory_space<vmem>>, vector<1x16xf32>,
      %broadcast_in_dim3A_1027 = arith.constant 0.000000e+00 : f32
      %broadcast_in_dim3A_1028 = vector.broadcast %broadcast_in_dim3A_1027 : f32 to vector<16xf32>
      %mul3A_1029 = arith.constant 16 : i32
      %mul3A_1030 = arith.muli %scan3A_71, %mul3A_1029 : i32
      %add3A_1031 = arith.constant 10 : i32
      %add3A_1032 = arith.addi %mul3A_1030, %add3A_1031 : i32
      %swap3A_1033 = arith.index_cast %add3A_1032 : i32 to index
      %swap3A_1034 = arith.constant 112 : index
      %swap3A_1035 = tpu.vector_load %arg8[%swap3A_1033, %swap3A_1034] {strides = array<i32>} : memref<128x128xf32, #tpu.memory_space<vmem>>, vector<1x16xf32>,
      %swap3A_1036 = vector.shape_cast %swap3A_1035 : vector<1x16xf32> to vector<16xf32>
      %swap3A_1037 = vector.shape_cast %broadcast_in_dim3A_1028 : vector<16xf32> to vector<1x16xf32>
      tpu.vector_store %arg8[%swap3A_1033, %swap3A_1034], %swap3A_1037 {strides = array<i32>} : memref<128x128xf32, #tpu.memory_space<vmem>>, vector<1x16xf32>,
      %broadcast_in_dim3A_1038 = arith.constant 0.000000e+00 : f32
      %broadcast_in_dim3A_1039 = vector.broadcast %broadcast_in_dim3A_1038 : f32 to vector<16xf32>
      %mul3A_1040 = arith.constant 16 : i32
      %mul3A_1041 = arith.muli %scan3A_71, %mul3A_1040 : i32
      %add3A_1042 = arith.constant 11 : i32
      %add3A_1043 = arith.addi %mul3A_1041, %add3A_1042 : i32
      %swap3A_1044 = arith.index_cast %add3A_1043 : i32 to index
      %swap3A_1045 = arith.constant 0 : index
      %swap3A_1046 = tpu.vector_load %arg8[%swap3A_1044, %swap3A_1045] {strides = array<i32>} : memref<128x128xf32, #tpu.memory_space<vmem>>, vector<1x16xf32>,
      %swap3A_1047 = vector.shape_cast %swap3A_1046 : vector<1x16xf32> to vector<16xf32>
      %swap3A_1048 = vector.shape_cast %broadcast_in_dim3A_1039 : vector<16xf32> to vector<1x16xf32>
      tpu.vector_store %arg8[%swap3A_1044, %swap3A_1045], %swap3A_1048 {strides = array<i32>} : memref<128x128xf32, #tpu.memory_space<vmem>>, vector<1x16xf32>,
      %broadcast_in_dim3A_1049 = arith.constant 0.000000e+00 : f32
      %broadcast_in_dim3A_1050 = vector.broadcast %broadcast_in_dim3A_1049 : f32 to vector<16xf32>
      %mul3A_1051 = arith.constant 16 : i32
      %mul3A_1052 = arith.muli %scan3A_71, %mul3A_1051 : i32
      %add3A_1053 = arith.constant 11 : i32
      %add3A_1054 = arith.addi %mul3A_1052, %add3A_1053 : i32
      %swap3A_1055 = arith.index_cast %add3A_1054 : i32 to index
      %swap3A_1056 = arith.constant 16 : index
      %swap3A_1057 = tpu.vector_load %arg8[%swap3A_1055, %swap3A_1056] {strides = array<i32>} : memref<128x128xf32, #tpu.memory_space<vmem>>, vector<1x16xf32>,
      %swap3A_1058 = vector.shape_cast %swap3A_1057 : vector<1x16xf32> to vector<16xf32>
      %swap3A_1059 = vector.shape_cast %broadcast_in_dim3A_1050 : vector<16xf32> to vector<1x16xf32>
      tpu.vector_store %arg8[%swap3A_1055, %swap3A_1056], %swap3A_1059 {strides = array<i32>} : memref<128x128xf32, #tpu.memory_space<vmem>>, vector<1x16xf32>,
      %broadcast_in_dim3A_1060 = arith.constant 0.000000e+00 : f32
      %broadcast_in_dim3A_1061 = vector.broadcast %broadcast_in_dim3A_1060 : f32 to vector<16xf32>
      %mul3A_1062 = arith.constant 16 : i32
      %mul3A_1063 = arith.muli %scan3A_71, %mul3A_1062 : i32
      %add3A_1064 = arith.constant 11 : i32
      %add3A_1065 = arith.addi %mul3A_1063, %add3A_1064 : i32
      %swap3A_1066 = arith.index_cast %add3A_1065 : i32 to index
      %swap3A_1067 = arith.constant 32 : index
      %swap3A_1068 = tpu.vector_load %arg8[%swap3A_1066, %swap3A_1067] {strides = array<i32>} : memref<128x128xf32, #tpu.memory_space<vmem>>, vector<1x16xf32>,
      %swap3A_1069 = vector.shape_cast %swap3A_1068 : vector<1x16xf32> to vector<16xf32>
      %swap3A_1070 = vector.shape_cast %broadcast_in_dim3A_1061 : vector<16xf32> to vector<1x16xf32>
      tpu.vector_store %arg8[%swap3A_1066, %swap3A_1067], %swap3A_1070 {strides = array<i32>} : memref<128x128xf32, #tpu.memory_space<vmem>>, vector<1x16xf32>,
      %broadcast_in_dim3A_1071 = arith.constant 0.000000e+00 : f32
      %broadcast_in_dim3A_1072 = vector.broadcast %broadcast_in_dim3A_1071 : f32 to vector<16xf32>
      %mul3A_1073 = arith.constant 16 : i32
      %mul3A_1074 = arith.muli %scan3A_71, %mul3A_1073 : i32
      %add3A_1075 = arith.constant 11 : i32
      %add3A_1076 = arith.addi %mul3A_1074, %add3A_1075 : i32
      %swap3A_1077 = arith.index_cast %add3A_1076 : i32 to index
      %swap3A_1078 = arith.constant 48 : index
      %swap3A_1079 = tpu.vector_load %arg8[%swap3A_1077, %swap3A_1078] {strides = array<i32>} : memref<128x128xf32, #tpu.memory_space<vmem>>, vector<1x16xf32>,
      %swap3A_1080 = vector.shape_cast %swap3A_1079 : vector<1x16xf32> to vector<16xf32>
      %swap3A_1081 = vector.shape_cast %broadcast_in_dim3A_1072 : vector<16xf32> to vector<1x16xf32>
      tpu.vector_store %arg8[%swap3A_1077, %swap3A_1078], %swap3A_1081 {strides = array<i32>} : memref<128x128xf32, #tpu.memory_space<vmem>>, vector<1x16xf32>,
      %broadcast_in_dim3A_1082 = arith.constant 0.000000e+00 : f32
      %broadcast_in_dim3A_1083 = vector.broadcast %broadcast_in_dim3A_1082 : f32 to vector<16xf32>
      %mul3A_1084 = arith.constant 16 : i32
      %mul3A_1085 = arith.muli %scan3A_71, %mul3A_1084 : i32
      %add3A_1086 = arith.constant 11 : i32
      %add3A_1087 = arith.addi %mul3A_1085, %add3A_1086 : i32
      %swap3A_1088 = arith.index_cast %add3A_1087 : i32 to index
      %swap3A_1089 = arith.constant 64 : index
      %swap3A_1090 = tpu.vector_load %arg8[%swap3A_1088, %swap3A_1089] {strides = array<i32>} : memref<128x128xf32, #tpu.memory_space<vmem>>, vector<1x16xf32>,
      %swap3A_1091 = vector.shape_cast %swap3A_1090 : vector<1x16xf32> to vector<16xf32>
      %swap3A_1092 = vector.shape_cast %broadcast_in_dim3A_1083 : vector<16xf32> to vector<1x16xf32>
      tpu.vector_store %arg8[%swap3A_1088, %swap3A_1089], %swap3A_1092 {strides = array<i32>} : memref<128x128xf32, #tpu.memory_space<vmem>>, vector<1x16xf32>,
      %broadcast_in_dim3A_1093 = arith.constant 0.000000e+00 : f32
      %broadcast_in_dim3A_1094 = vector.broadcast %broadcast_in_dim3A_1093 : f32 to vector<16xf32>
      %mul3A_1095 = arith.constant 16 : i32
      %mul3A_1096 = arith.muli %scan3A_71, %mul3A_1095 : i32
      %add3A_1097 = arith.constant 11 : i32
      %add3A_1098 = arith.addi %mul3A_1096, %add3A_1097 : i32
      %swap3A_1099 = arith.index_cast %add3A_1098 : i32 to index
      %swap3A_1100 = arith.constant 80 : index
      %swap3A_1101 = tpu.vector_load %arg8[%swap3A_1099, %swap3A_1100] {strides = array<i32>} : memref<128x128xf32, #tpu.memory_space<vmem>>, vector<1x16xf32>,
      %swap3A_1102 = vector.shape_cast %swap3A_1101 : vector<1x16xf32> to vector<16xf32>
      %swap3A_1103 = vector.shape_cast %broadcast_in_dim3A_1094 : vector<16xf32> to vector<1x16xf32>
      tpu.vector_store %arg8[%swap3A_1099, %swap3A_1100], %swap3A_1103 {strides = array<i32>} : memref<128x128xf32, #tpu.memory_space<vmem>>, vector<1x16xf32>,
      %broadcast_in_dim3A_1104 = arith.constant 0.000000e+00 : f32
      %broadcast_in_dim3A_1105 = vector.broadcast %broadcast_in_dim3A_1104 : f32 to vector<16xf32>
      %mul3A_1106 = arith.constant 16 : i32
      %mul3A_1107 = arith.muli %scan3A_71, %mul3A_1106 : i32
      %add3A_1108 = arith.constant 11 : i32
      %add3A_1109 = arith.addi %mul3A_1107, %add3A_1108 : i32
      %swap3A_1110 = arith.index_cast %add3A_1109 : i32 to index
      %swap3A_1111 = arith.constant 96 : index
      %swap3A_1112 = tpu.vector_load %arg8[%swap3A_1110, %swap3A_1111] {strides = array<i32>} : memref<128x128xf32, #tpu.memory_space<vmem>>, vector<1x16xf32>,
      %swap3A_1113 = vector.shape_cast %swap3A_1112 : vector<1x16xf32> to vector<16xf32>
      %swap3A_1114 = vector.shape_cast %broadcast_in_dim3A_1105 : vector<16xf32> to vector<1x16xf32>
      tpu.vector_store %arg8[%swap3A_1110, %swap3A_1111], %swap3A_1114 {strides = array<i32>} : memref<128x128xf32, #tpu.memory_space<vmem>>, vector<1x16xf32>,
      %broadcast_in_dim3A_1115 = arith.constant 0.000000e+00 : f32
      %broadcast_in_dim3A_1116 = vector.broadcast %broadcast_in_dim3A_1115 : f32 to vector<16xf32>
      %mul3A_1117 = arith.constant 16 : i32
      %mul3A_1118 = arith.muli %scan3A_71, %mul3A_1117 : i32
      %add3A_1119 = arith.constant 11 : i32
      %add3A_1120 = arith.addi %mul3A_1118, %add3A_1119 : i32
      %swap3A_1121 = arith.index_cast %add3A_1120 : i32 to index
      %swap3A_1122 = arith.constant 112 : index
      %swap3A_1123 = tpu.vector_load %arg8[%swap3A_1121, %swap3A_1122] {strides = array<i32>} : memref<128x128xf32, #tpu.memory_space<vmem>>, vector<1x16xf32>,
      %swap3A_1124 = vector.shape_cast %swap3A_1123 : vector<1x16xf32> to vector<16xf32>
      %swap3A_1125 = vector.shape_cast %broadcast_in_dim3A_1116 : vector<16xf32> to vector<1x16xf32>
      tpu.vector_store %arg8[%swap3A_1121, %swap3A_1122], %swap3A_1125 {strides = array<i32>} : memref<128x128xf32, #tpu.memory_space<vmem>>, vector<1x16xf32>,
      %broadcast_in_dim3A_1126 = arith.constant 0.000000e+00 : f32
      %broadcast_in_dim3A_1127 = vector.broadcast %broadcast_in_dim3A_1126 : f32 to vector<16xf32>
      %mul3A_1128 = arith.constant 16 : i32
      %mul3A_1129 = arith.muli %scan3A_71, %mul3A_1128 : i32
      %add3A_1130 = arith.constant 12 : i32
      %add3A_1131 = arith.addi %mul3A_1129, %add3A_1130 : i32
      %swap3A_1132 = arith.index_cast %add3A_1131 : i32 to index
      %swap3A_1133 = arith.constant 0 : index
      %swap3A_1134 = tpu.vector_load %arg8[%swap3A_1132, %swap3A_1133] {strides = array<i32>} : memref<128x128xf32, #tpu.memory_space<vmem>>, vector<1x16xf32>,
      %swap3A_1135 = vector.shape_cast %swap3A_1134 : vector<1x16xf32> to vector<16xf32>
      %swap3A_1136 = vector.shape_cast %broadcast_in_dim3A_1127 : vector<16xf32> to vector<1x16xf32>
      tpu.vector_store %arg8[%swap3A_1132, %swap3A_1133], %swap3A_1136 {strides = array<i32>} : memref<128x128xf32, #tpu.memory_space<vmem>>, vector<1x16xf32>,
      %broadcast_in_dim3A_1137 = arith.constant 0.000000e+00 : f32
      %broadcast_in_dim3A_1138 = vector.broadcast %broadcast_in_dim3A_1137 : f32 to vector<16xf32>
      %mul3A_1139 = arith.constant 16 : i32
      %mul3A_1140 = arith.muli %scan3A_71, %mul3A_1139 : i32
      %add3A_1141 = arith.constant 12 : i32
      %add3A_1142 = arith.addi %mul3A_1140, %add3A_1141 : i32
      %swap3A_1143 = arith.index_cast %add3A_1142 : i32 to index
      %swap3A_1144 = arith.constant 16 : index
      %swap3A_1145 = tpu.vector_load %arg8[%swap3A_1143, %swap3A_1144] {strides = array<i32>} : memref<128x128xf32, #tpu.memory_space<vmem>>, vector<1x16xf32>,
      %swap3A_1146 = vector.shape_cast %swap3A_1145 : vector<1x16xf32> to vector<16xf32>
      %swap3A_1147 = vector.shape_cast %broadcast_in_dim3A_1138 : vector<16xf32> to vector<1x16xf32>
      tpu.vector_store %arg8[%swap3A_1143, %swap3A_1144], %swap3A_1147 {strides = array<i32>} : memref<128x128xf32, #tpu.memory_space<vmem>>, vector<1x16xf32>,
      %broadcast_in_dim3A_1148 = arith.constant 0.000000e+00 : f32
      %broadcast_in_dim3A_1149 = vector.broadcast %broadcast_in_dim3A_1148 : f32 to vector<16xf32>
      %mul3A_1150 = arith.constant 16 : i32
      %mul3A_1151 = arith.muli %scan3A_71, %mul3A_1150 : i32
      %add3A_1152 = arith.constant 12 : i32
      %add3A_1153 = arith.addi %mul3A_1151, %add3A_1152 : i32
      %swap3A_1154 = arith.index_cast %add3A_1153 : i32 to index
      %swap3A_1155 = arith.constant 32 : index
      %swap3A_1156 = tpu.vector_load %arg8[%swap3A_1154, %swap3A_1155] {strides = array<i32>} : memref<128x128xf32, #tpu.memory_space<vmem>>, vector<1x16xf32>,
      %swap3A_1157 = vector.shape_cast %swap3A_1156 : vector<1x16xf32> to vector<16xf32>
      %swap3A_1158 = vector.shape_cast %broadcast_in_dim3A_1149 : vector<16xf32> to vector<1x16xf32>
      tpu.vector_store %arg8[%swap3A_1154, %swap3A_1155], %swap3A_1158 {strides = array<i32>} : memref<128x128xf32, #tpu.memory_space<vmem>>, vector<1x16xf32>,
      %broadcast_in_dim3A_1159 = arith.constant 0.000000e+00 : f32
      %broadcast_in_dim3A_1160 = vector.broadcast %broadcast_in_dim3A_1159 : f32 to vector<16xf32>
      %mul3A_1161 = arith.constant 16 : i32
      %mul3A_1162 = arith.muli %scan3A_71, %mul3A_1161 : i32
      %add3A_1163 = arith.constant 12 : i32
      %add3A_1164 = arith.addi %mul3A_1162, %add3A_1163 : i32
      %swap3A_1165 = arith.index_cast %add3A_1164 : i32 to index
      %swap3A_1166 = arith.constant 48 : index
      %swap3A_1167 = tpu.vector_load %arg8[%swap3A_1165, %swap3A_1166] {strides = array<i32>} : memref<128x128xf32, #tpu.memory_space<vmem>>, vector<1x16xf32>,
      %swap3A_1168 = vector.shape_cast %swap3A_1167 : vector<1x16xf32> to vector<16xf32>
      %swap3A_1169 = vector.shape_cast %broadcast_in_dim3A_1160 : vector<16xf32> to vector<1x16xf32>
      tpu.vector_store %arg8[%swap3A_1165, %swap3A_1166], %swap3A_1169 {strides = array<i32>} : memref<128x128xf32, #tpu.memory_space<vmem>>, vector<1x16xf32>,
      %broadcast_in_dim3A_1170 = arith.constant 0.000000e+00 : f32
      %broadcast_in_dim3A_1171 = vector.broadcast %broadcast_in_dim3A_1170 : f32 to vector<16xf32>
      %mul3A_1172 = arith.constant 16 : i32
      %mul3A_1173 = arith.muli %scan3A_71, %mul3A_1172 : i32
      %add3A_1174 = arith.constant 12 : i32
      %add3A_1175 = arith.addi %mul3A_1173, %add3A_1174 : i32
      %swap3A_1176 = arith.index_cast %add3A_1175 : i32 to index
      %swap3A_1177 = arith.constant 64 : index
      %swap3A_1178 = tpu.vector_load %arg8[%swap3A_1176, %swap3A_1177] {strides = array<i32>} : memref<128x128xf32, #tpu.memory_space<vmem>>, vector<1x16xf32>,
      %swap3A_1179 = vector.shape_cast %swap3A_1178 : vector<1x16xf32> to vector<16xf32>
      %swap3A_1180 = vector.shape_cast %broadcast_in_dim3A_1171 : vector<16xf32> to vector<1x16xf32>
      tpu.vector_store %arg8[%swap3A_1176, %swap3A_1177], %swap3A_1180 {strides = array<i32>} : memref<128x128xf32, #tpu.memory_space<vmem>>, vector<1x16xf32>,
      %broadcast_in_dim3A_1181 = arith.constant 0.000000e+00 : f32
      %broadcast_in_dim3A_1182 = vector.broadcast %broadcast_in_dim3A_1181 : f32 to vector<16xf32>
      %mul3A_1183 = arith.constant 16 : i32
      %mul3A_1184 = arith.muli %scan3A_71, %mul3A_1183 : i32
      %add3A_1185 = arith.constant 12 : i32
      %add3A_1186 = arith.addi %mul3A_1184, %add3A_1185 : i32
      %swap3A_1187 = arith.index_cast %add3A_1186 : i32 to index
      %swap3A_1188 = arith.constant 80 : index
      %swap3A_1189 = tpu.vector_load %arg8[%swap3A_1187, %swap3A_1188] {strides = array<i32>} : memref<128x128xf32, #tpu.memory_space<vmem>>, vector<1x16xf32>,
      %swap3A_1190 = vector.shape_cast %swap3A_1189 : vector<1x16xf32> to vector<16xf32>
      %swap3A_1191 = vector.shape_cast %broadcast_in_dim3A_1182 : vector<16xf32> to vector<1x16xf32>
      tpu.vector_store %arg8[%swap3A_1187, %swap3A_1188], %swap3A_1191 {strides = array<i32>} : memref<128x128xf32, #tpu.memory_space<vmem>>, vector<1x16xf32>,
      %broadcast_in_dim3A_1192 = arith.constant 0.000000e+00 : f32
      %broadcast_in_dim3A_1193 = vector.broadcast %broadcast_in_dim3A_1192 : f32 to vector<16xf32>
      %mul3A_1194 = arith.constant 16 : i32
      %mul3A_1195 = arith.muli %scan3A_71, %mul3A_1194 : i32
      %add3A_1196 = arith.constant 12 : i32
      %add3A_1197 = arith.addi %mul3A_1195, %add3A_1196 : i32
      %swap3A_1198 = arith.index_cast %add3A_1197 : i32 to index
      %swap3A_1199 = arith.constant 96 : index
      %swap3A_1200 = tpu.vector_load %arg8[%swap3A_1198, %swap3A_1199] {strides = array<i32>} : memref<128x128xf32, #tpu.memory_space<vmem>>, vector<1x16xf32>,
      %swap3A_1201 = vector.shape_cast %swap3A_1200 : vector<1x16xf32> to vector<16xf32>
      %swap3A_1202 = vector.shape_cast %broadcast_in_dim3A_1193 : vector<16xf32> to vector<1x16xf32>
      tpu.vector_store %arg8[%swap3A_1198, %swap3A_1199], %swap3A_1202 {strides = array<i32>} : memref<128x128xf32, #tpu.memory_space<vmem>>, vector<1x16xf32>,
      %broadcast_in_dim3A_1203 = arith.constant 0.000000e+00 : f32
      %broadcast_in_dim3A_1204 = vector.broadcast %broadcast_in_dim3A_1203 : f32 to vector<16xf32>
      %mul3A_1205 = arith.constant 16 : i32
      %mul3A_1206 = arith.muli %scan3A_71, %mul3A_1205 : i32
      %add3A_1207 = arith.constant 12 : i32
      %add3A_1208 = arith.addi %mul3A_1206, %add3A_1207 : i32
      %swap3A_1209 = arith.index_cast %add3A_1208 : i32 to index
      %swap3A_1210 = arith.constant 112 : index
      %swap3A_1211 = tpu.vector_load %arg8[%swap3A_1209, %swap3A_1210] {strides = array<i32>} : memref<128x128xf32, #tpu.memory_space<vmem>>, vector<1x16xf32>,
      %swap3A_1212 = vector.shape_cast %swap3A_1211 : vector<1x16xf32> to vector<16xf32>
      %swap3A_1213 = vector.shape_cast %broadcast_in_dim3A_1204 : vector<16xf32> to vector<1x16xf32>
      tpu.vector_store %arg8[%swap3A_1209, %swap3A_1210], %swap3A_1213 {strides = array<i32>} : memref<128x128xf32, #tpu.memory_space<vmem>>, vector<1x16xf32>,
      %broadcast_in_dim3A_1214 = arith.constant 0.000000e+00 : f32
      %broadcast_in_dim3A_1215 = vector.broadcast %broadcast_in_dim3A_1214 : f32 to vector<16xf32>
      %mul3A_1216 = arith.constant 16 : i32
      %mul3A_1217 = arith.muli %scan3A_71, %mul3A_1216 : i32
      %add3A_1218 = arith.constant 13 : i32
      %add3A_1219 = arith.addi %mul3A_1217, %add3A_1218 : i32
      %swap3A_1220 = arith.index_cast %add3A_1219 : i32 to index
      %swap3A_1221 = arith.constant 0 : index
      %swap3A_1222 = tpu.vector_load %arg8[%swap3A_1220, %swap3A_1221] {strides = array<i32>} : memref<128x128xf32, #tpu.memory_space<vmem>>, vector<1x16xf32>,
      %swap3A_1223 = vector.shape_cast %swap3A_1222 : vector<1x16xf32> to vector<16xf32>
      %swap3A_1224 = vector.shape_cast %broadcast_in_dim3A_1215 : vector<16xf32> to vector<1x16xf32>
      tpu.vector_store %arg8[%swap3A_1220, %swap3A_1221], %swap3A_1224 {strides = array<i32>} : memref<128x128xf32, #tpu.memory_space<vmem>>, vector<1x16xf32>,
      %broadcast_in_dim3A_1225 = arith.constant 0.000000e+00 : f32
      %broadcast_in_dim3A_1226 = vector.broadcast %broadcast_in_dim3A_1225 : f32 to vector<16xf32>
      %mul3A_1227 = arith.constant 16 : i32
      %mul3A_1228 = arith.muli %scan3A_71, %mul3A_1227 : i32
      %add3A_1229 = arith.constant 13 : i32
      %add3A_1230 = arith.addi %mul3A_1228, %add3A_1229 : i32
      %swap3A_1231 = arith.index_cast %add3A_1230 : i32 to index
      %swap3A_1232 = arith.constant 16 : index
      %swap3A_1233 = tpu.vector_load %arg8[%swap3A_1231, %swap3A_1232] {strides = array<i32>} : memref<128x128xf32, #tpu.memory_space<vmem>>, vector<1x16xf32>,
      %swap3A_1234 = vector.shape_cast %swap3A_1233 : vector<1x16xf32> to vector<16xf32>
      %swap3A_1235 = vector.shape_cast %broadcast_in_dim3A_1226 : vector<16xf32> to vector<1x16xf32>
      tpu.vector_store %arg8[%swap3A_1231, %swap3A_1232], %swap3A_1235 {strides = array<i32>} : memref<128x128xf32, #tpu.memory_space<vmem>>, vector<1x16xf32>,
      %broadcast_in_dim3A_1236 = arith.constant 0.000000e+00 : f32
      %broadcast_in_dim3A_1237 = vector.broadcast %broadcast_in_dim3A_1236 : f32 to vector<16xf32>
      %mul3A_1238 = arith.constant 16 : i32
      %mul3A_1239 = arith.muli %scan3A_71, %mul3A_1238 : i32
      %add3A_1240 = arith.constant 13 : i32
      %add3A_1241 = arith.addi %mul3A_1239, %add3A_1240 : i32
      %swap3A_1242 = arith.index_cast %add3A_1241 : i32 to index
      %swap3A_1243 = arith.constant 32 : index
      %swap3A_1244 = tpu.vector_load %arg8[%swap3A_1242, %swap3A_1243] {strides = array<i32>} : memref<128x128xf32, #tpu.memory_space<vmem>>, vector<1x16xf32>,
      %swap3A_1245 = vector.shape_cast %swap3A_1244 : vector<1x16xf32> to vector<16xf32>
      %swap3A_1246 = vector.shape_cast %broadcast_in_dim3A_1237 : vector<16xf32> to vector<1x16xf32>
      tpu.vector_store %arg8[%swap3A_1242, %swap3A_1243], %swap3A_1246 {strides = array<i32>} : memref<128x128xf32, #tpu.memory_space<vmem>>, vector<1x16xf32>,
      %broadcast_in_dim3A_1247 = arith.constant 0.000000e+00 : f32
      %broadcast_in_dim3A_1248 = vector.broadcast %broadcast_in_dim3A_1247 : f32 to vector<16xf32>
      %mul3A_1249 = arith.constant 16 : i32
      %mul3A_1250 = arith.muli %scan3A_71, %mul3A_1249 : i32
      %add3A_1251 = arith.constant 13 : i32
      %add3A_1252 = arith.addi %mul3A_1250, %add3A_1251 : i32
      %swap3A_1253 = arith.index_cast %add3A_1252 : i32 to index
      %swap3A_1254 = arith.constant 48 : index
      %swap3A_1255 = tpu.vector_load %arg8[%swap3A_1253, %swap3A_1254] {strides = array<i32>} : memref<128x128xf32, #tpu.memory_space<vmem>>, vector<1x16xf32>,
      %swap3A_1256 = vector.shape_cast %swap3A_1255 : vector<1x16xf32> to vector<16xf32>
      %swap3A_1257 = vector.shape_cast %broadcast_in_dim3A_1248 : vector<16xf32> to vector<1x16xf32>
      tpu.vector_store %arg8[%swap3A_1253, %swap3A_1254], %swap3A_1257 {strides = array<i32>} : memref<128x128xf32, #tpu.memory_space<vmem>>, vector<1x16xf32>,
      %broadcast_in_dim3A_1258 = arith.constant 0.000000e+00 : f32
      %broadcast_in_dim3A_1259 = vector.broadcast %broadcast_in_dim3A_1258 : f32 to vector<16xf32>
      %mul3A_1260 = arith.constant 16 : i32
      %mul3A_1261 = arith.muli %scan3A_71, %mul3A_1260 : i32
      %add3A_1262 = arith.constant 13 : i32
      %add3A_1263 = arith.addi %mul3A_1261, %add3A_1262 : i32
      %swap3A_1264 = arith.index_cast %add3A_1263 : i32 to index
      %swap3A_1265 = arith.constant 64 : index
      %swap3A_1266 = tpu.vector_load %arg8[%swap3A_1264, %swap3A_1265] {strides = array<i32>} : memref<128x128xf32, #tpu.memory_space<vmem>>, vector<1x16xf32>,
      %swap3A_1267 = vector.shape_cast %swap3A_1266 : vector<1x16xf32> to vector<16xf32>
      %swap3A_1268 = vector.shape_cast %broadcast_in_dim3A_1259 : vector<16xf32> to vector<1x16xf32>
      tpu.vector_store %arg8[%swap3A_1264, %swap3A_1265], %swap3A_1268 {strides = array<i32>} : memref<128x128xf32, #tpu.memory_space<vmem>>, vector<1x16xf32>,
      %broadcast_in_dim3A_1269 = arith.constant 0.000000e+00 : f32
      %broadcast_in_dim3A_1270 = vector.broadcast %broadcast_in_dim3A_1269 : f32 to vector<16xf32>
      %mul3A_1271 = arith.constant 16 : i32
      %mul3A_1272 = arith.muli %scan3A_71, %mul3A_1271 : i32
      %add3A_1273 = arith.constant 13 : i32
      %add3A_1274 = arith.addi %mul3A_1272, %add3A_1273 : i32
      %swap3A_1275 = arith.index_cast %add3A_1274 : i32 to index
      %swap3A_1276 = arith.constant 80 : index
      %swap3A_1277 = tpu.vector_load %arg8[%swap3A_1275, %swap3A_1276] {strides = array<i32>} : memref<128x128xf32, #tpu.memory_space<vmem>>, vector<1x16xf32>,
      %swap3A_1278 = vector.shape_cast %swap3A_1277 : vector<1x16xf32> to vector<16xf32>
      %swap3A_1279 = vector.shape_cast %broadcast_in_dim3A_1270 : vector<16xf32> to vector<1x16xf32>
      tpu.vector_store %arg8[%swap3A_1275, %swap3A_1276], %swap3A_1279 {strides = array<i32>} : memref<128x128xf32, #tpu.memory_space<vmem>>, vector<1x16xf32>,
      %broadcast_in_dim3A_1280 = arith.constant 0.000000e+00 : f32
      %broadcast_in_dim3A_1281 = vector.broadcast %broadcast_in_dim3A_1280 : f32 to vector<16xf32>
      %mul3A_1282 = arith.constant 16 : i32
      %mul3A_1283 = arith.muli %scan3A_71, %mul3A_1282 : i32
      %add3A_1284 = arith.constant 13 : i32
      %add3A_1285 = arith.addi %mul3A_1283, %add3A_1284 : i32
      %swap3A_1286 = arith.index_cast %add3A_1285 : i32 to index
      %swap3A_1287 = arith.constant 96 : index
      %swap3A_1288 = tpu.vector_load %arg8[%swap3A_1286, %swap3A_1287] {strides = array<i32>} : memref<128x128xf32, #tpu.memory_space<vmem>>, vector<1x16xf32>,
      %swap3A_1289 = vector.shape_cast %swap3A_1288 : vector<1x16xf32> to vector<16xf32>
      %swap3A_1290 = vector.shape_cast %broadcast_in_dim3A_1281 : vector<16xf32> to vector<1x16xf32>
      tpu.vector_store %arg8[%swap3A_1286, %swap3A_1287], %swap3A_1290 {strides = array<i32>} : memref<128x128xf32, #tpu.memory_space<vmem>>, vector<1x16xf32>,
      %broadcast_in_dim3A_1291 = arith.constant 0.000000e+00 : f32
      %broadcast_in_dim3A_1292 = vector.broadcast %broadcast_in_dim3A_1291 : f32 to vector<16xf32>
      %mul3A_1293 = arith.constant 16 : i32
      %mul3A_1294 = arith.muli %scan3A_71, %mul3A_1293 : i32
      %add3A_1295 = arith.constant 13 : i32
      %add3A_1296 = arith.addi %mul3A_1294, %add3A_1295 : i32
      %swap3A_1297 = arith.index_cast %add3A_1296 : i32 to index
      %swap3A_1298 = arith.constant 112 : index
      %swap3A_1299 = tpu.vector_load %arg8[%swap3A_1297, %swap3A_1298] {strides = array<i32>} : memref<128x128xf32, #tpu.memory_space<vmem>>, vector<1x16xf32>,
      %swap3A_1300 = vector.shape_cast %swap3A_1299 : vector<1x16xf32> to vector<16xf32>
      %swap3A_1301 = vector.shape_cast %broadcast_in_dim3A_1292 : vector<16xf32> to vector<1x16xf32>
      tpu.vector_store %arg8[%swap3A_1297, %swap3A_1298], %swap3A_1301 {strides = array<i32>} : memref<128x128xf32, #tpu.memory_space<vmem>>, vector<1x16xf32>,
      %broadcast_in_dim3A_1302 = arith.constant 0.000000e+00 : f32
      %broadcast_in_dim3A_1303 = vector.broadcast %broadcast_in_dim3A_1302 : f32 to vector<16xf32>
      %mul3A_1304 = arith.constant 16 : i32
      %mul3A_1305 = arith.muli %scan3A_71, %mul3A_1304 : i32
      %add3A_1306 = arith.constant 14 : i32
      %add3A_1307 = arith.addi %mul3A_1305, %add3A_1306 : i32
      %swap3A_1308 = arith.index_cast %add3A_1307 : i32 to index
      %swap3A_1309 = arith.constant 0 : index
      %swap3A_1310 = tpu.vector_load %arg8[%swap3A_1308, %swap3A_1309] {strides = array<i32>} : memref<128x128xf32, #tpu.memory_space<vmem>>, vector<1x16xf32>,
      %swap3A_1311 = vector.shape_cast %swap3A_1310 : vector<1x16xf32> to vector<16xf32>
      %swap3A_1312 = vector.shape_cast %broadcast_in_dim3A_1303 : vector<16xf32> to vector<1x16xf32>
      tpu.vector_store %arg8[%swap3A_1308, %swap3A_1309], %swap3A_1312 {strides = array<i32>} : memref<128x128xf32, #tpu.memory_space<vmem>>, vector<1x16xf32>,
      %broadcast_in_dim3A_1313 = arith.constant 0.000000e+00 : f32
      %broadcast_in_dim3A_1314 = vector.broadcast %broadcast_in_dim3A_1313 : f32 to vector<16xf32>
      %mul3A_1315 = arith.constant 16 : i32
      %mul3A_1316 = arith.muli %scan3A_71, %mul3A_1315 : i32
      %add3A_1317 = arith.constant 14 : i32
      %add3A_1318 = arith.addi %mul3A_1316, %add3A_1317 : i32
      %swap3A_1319 = arith.index_cast %add3A_1318 : i32 to index
      %swap3A_1320 = arith.constant 16 : index
      %swap3A_1321 = tpu.vector_load %arg8[%swap3A_1319, %swap3A_1320] {strides = array<i32>} : memref<128x128xf32, #tpu.memory_space<vmem>>, vector<1x16xf32>,
      %swap3A_1322 = vector.shape_cast %swap3A_1321 : vector<1x16xf32> to vector<16xf32>
      %swap3A_1323 = vector.shape_cast %broadcast_in_dim3A_1314 : vector<16xf32> to vector<1x16xf32>
      tpu.vector_store %arg8[%swap3A_1319, %swap3A_1320], %swap3A_1323 {strides = array<i32>} : memref<128x128xf32, #tpu.memory_space<vmem>>, vector<1x16xf32>,
      %broadcast_in_dim3A_1324 = arith.constant 0.000000e+00 : f32
      %broadcast_in_dim3A_1325 = vector.broadcast %broadcast_in_dim3A_1324 : f32 to vector<16xf32>
      %mul3A_1326 = arith.constant 16 : i32
      %mul3A_1327 = arith.muli %scan3A_71, %mul3A_1326 : i32
      %add3A_1328 = arith.constant 14 : i32
      %add3A_1329 = arith.addi %mul3A_1327, %add3A_1328 : i32
      %swap3A_1330 = arith.index_cast %add3A_1329 : i32 to index
      %swap3A_1331 = arith.constant 32 : index
      %swap3A_1332 = tpu.vector_load %arg8[%swap3A_1330, %swap3A_1331] {strides = array<i32>} : memref<128x128xf32, #tpu.memory_space<vmem>>, vector<1x16xf32>,
      %swap3A_1333 = vector.shape_cast %swap3A_1332 : vector<1x16xf32> to vector<16xf32>
      %swap3A_1334 = vector.shape_cast %broadcast_in_dim3A_1325 : vector<16xf32> to vector<1x16xf32>
      tpu.vector_store %arg8[%swap3A_1330, %swap3A_1331], %swap3A_1334 {strides = array<i32>} : memref<128x128xf32, #tpu.memory_space<vmem>>, vector<1x16xf32>,
      %broadcast_in_dim3A_1335 = arith.constant 0.000000e+00 : f32
      %broadcast_in_dim3A_1336 = vector.broadcast %broadcast_in_dim3A_1335 : f32 to vector<16xf32>
      %mul3A_1337 = arith.constant 16 : i32
      %mul3A_1338 = arith.muli %scan3A_71, %mul3A_1337 : i32
      %add3A_1339 = arith.constant 14 : i32
      %add3A_1340 = arith.addi %mul3A_1338, %add3A_1339 : i32
      %swap3A_1341 = arith.index_cast %add3A_1340 : i32 to index
      %swap3A_1342 = arith.constant 48 : index
      %swap3A_1343 = tpu.vector_load %arg8[%swap3A_1341, %swap3A_1342] {strides = array<i32>} : memref<128x128xf32, #tpu.memory_space<vmem>>, vector<1x16xf32>,
      %swap3A_1344 = vector.shape_cast %swap3A_1343 : vector<1x16xf32> to vector<16xf32>
      %swap3A_1345 = vector.shape_cast %broadcast_in_dim3A_1336 : vector<16xf32> to vector<1x16xf32>
      tpu.vector_store %arg8[%swap3A_1341, %swap3A_1342], %swap3A_1345 {strides = array<i32>} : memref<128x128xf32, #tpu.memory_space<vmem>>, vector<1x16xf32>,
      %broadcast_in_dim3A_1346 = arith.constant 0.000000e+00 : f32
      %broadcast_in_dim3A_1347 = vector.broadcast %broadcast_in_dim3A_1346 : f32 to vector<16xf32>
      %mul3A_1348 = arith.constant 16 : i32
      %mul3A_1349 = arith.muli %scan3A_71, %mul3A_1348 : i32
      %add3A_1350 = arith.constant 14 : i32
      %add3A_1351 = arith.addi %mul3A_1349, %add3A_1350 : i32
      %swap3A_1352 = arith.index_cast %add3A_1351 : i32 to index
      %swap3A_1353 = arith.constant 64 : index
      %swap3A_1354 = tpu.vector_load %arg8[%swap3A_1352, %swap3A_1353] {strides = array<i32>} : memref<128x128xf32, #tpu.memory_space<vmem>>, vector<1x16xf32>,
      %swap3A_1355 = vector.shape_cast %swap3A_1354 : vector<1x16xf32> to vector<16xf32>
      %swap3A_1356 = vector.shape_cast %broadcast_in_dim3A_1347 : vector<16xf32> to vector<1x16xf32>
      tpu.vector_store %arg8[%swap3A_1352, %swap3A_1353], %swap3A_1356 {strides = array<i32>} : memref<128x128xf32, #tpu.memory_space<vmem>>, vector<1x16xf32>,
      %broadcast_in_dim3A_1357 = arith.constant 0.000000e+00 : f32
      %broadcast_in_dim3A_1358 = vector.broadcast %broadcast_in_dim3A_1357 : f32 to vector<16xf32>
      %mul3A_1359 = arith.constant 16 : i32
      %mul3A_1360 = arith.muli %scan3A_71, %mul3A_1359 : i32
      %add3A_1361 = arith.constant 14 : i32
      %add3A_1362 = arith.addi %mul3A_1360, %add3A_1361 : i32
      %swap3A_1363 = arith.index_cast %add3A_1362 : i32 to index
      %swap3A_1364 = arith.constant 80 : index
      %swap3A_1365 = tpu.vector_load %arg8[%swap3A_1363, %swap3A_1364] {strides = array<i32>} : memref<128x128xf32, #tpu.memory_space<vmem>>, vector<1x16xf32>,
      %swap3A_1366 = vector.shape_cast %swap3A_1365 : vector<1x16xf32> to vector<16xf32>
      %swap3A_1367 = vector.shape_cast %broadcast_in_dim3A_1358 : vector<16xf32> to vector<1x16xf32>
      tpu.vector_store %arg8[%swap3A_1363, %swap3A_1364], %swap3A_1367 {strides = array<i32>} : memref<128x128xf32, #tpu.memory_space<vmem>>, vector<1x16xf32>,
      %broadcast_in_dim3A_1368 = arith.constant 0.000000e+00 : f32
      %broadcast_in_dim3A_1369 = vector.broadcast %broadcast_in_dim3A_1368 : f32 to vector<16xf32>
      %mul3A_1370 = arith.constant 16 : i32
      %mul3A_1371 = arith.muli %scan3A_71, %mul3A_1370 : i32
      %add3A_1372 = arith.constant 14 : i32
      %add3A_1373 = arith.addi %mul3A_1371, %add3A_1372 : i32
      %swap3A_1374 = arith.index_cast %add3A_1373 : i32 to index
      %swap3A_1375 = arith.constant 96 : index
      %swap3A_1376 = tpu.vector_load %arg8[%swap3A_1374, %swap3A_1375] {strides = array<i32>} : memref<128x128xf32, #tpu.memory_space<vmem>>, vector<1x16xf32>,
      %swap3A_1377 = vector.shape_cast %swap3A_1376 : vector<1x16xf32> to vector<16xf32>
      %swap3A_1378 = vector.shape_cast %broadcast_in_dim3A_1369 : vector<16xf32> to vector<1x16xf32>
      tpu.vector_store %arg8[%swap3A_1374, %swap3A_1375], %swap3A_1378 {strides = array<i32>} : memref<128x128xf32, #tpu.memory_space<vmem>>, vector<1x16xf32>,
      %broadcast_in_dim3A_1379 = arith.constant 0.000000e+00 : f32
      %broadcast_in_dim3A_1380 = vector.broadcast %broadcast_in_dim3A_1379 : f32 to vector<16xf32>
      %mul3A_1381 = arith.constant 16 : i32
      %mul3A_1382 = arith.muli %scan3A_71, %mul3A_1381 : i32
      %add3A_1383 = arith.constant 14 : i32
      %add3A_1384 = arith.addi %mul3A_1382, %add3A_1383 : i32
      %swap3A_1385 = arith.index_cast %add3A_1384 : i32 to index
      %swap3A_1386 = arith.constant 112 : index
      %swap3A_1387 = tpu.vector_load %arg8[%swap3A_1385, %swap3A_1386] {strides = array<i32>} : memref<128x128xf32, #tpu.memory_space<vmem>>, vector<1x16xf32>,
      %swap3A_1388 = vector.shape_cast %swap3A_1387 : vector<1x16xf32> to vector<16xf32>
      %swap3A_1389 = vector.shape_cast %broadcast_in_dim3A_1380 : vector<16xf32> to vector<1x16xf32>
      tpu.vector_store %arg8[%swap3A_1385, %swap3A_1386], %swap3A_1389 {strides = array<i32>} : memref<128x128xf32, #tpu.memory_space<vmem>>, vector<1x16xf32>,
      %broadcast_in_dim3A_1390 = arith.constant 0.000000e+00 : f32
      %broadcast_in_dim3A_1391 = vector.broadcast %broadcast_in_dim3A_1390 : f32 to vector<16xf32>
      %mul3A_1392 = arith.constant 16 : i32
      %mul3A_1393 = arith.muli %scan3A_71, %mul3A_1392 : i32
      %add3A_1394 = arith.constant 15 : i32
      %add3A_1395 = arith.addi %mul3A_1393, %add3A_1394 : i32
      %swap3A_1396 = arith.index_cast %add3A_1395 : i32 to index
      %swap3A_1397 = arith.constant 0 : index
      %swap3A_1398 = tpu.vector_load %arg8[%swap3A_1396, %swap3A_1397] {strides = array<i32>} : memref<128x128xf32, #tpu.memory_space<vmem>>, vector<1x16xf32>,
      %swap3A_1399 = vector.shape_cast %swap3A_1398 : vector<1x16xf32> to vector<16xf32>
      %swap3A_1400 = vector.shape_cast %broadcast_in_dim3A_1391 : vector<16xf32> to vector<1x16xf32>
      tpu.vector_store %arg8[%swap3A_1396, %swap3A_1397], %swap3A_1400 {strides = array<i32>} : memref<128x128xf32, #tpu.memory_space<vmem>>, vector<1x16xf32>,
      %broadcast_in_dim3A_1401 = arith.constant 0.000000e+00 : f32
      %broadcast_in_dim3A_1402 = vector.broadcast %broadcast_in_dim3A_1401 : f32 to vector<16xf32>
      %mul3A_1403 = arith.constant 16 : i32
      %mul3A_1404 = arith.muli %scan3A_71, %mul3A_1403 : i32
      %add3A_1405 = arith.constant 15 : i32
      %add3A_1406 = arith.addi %mul3A_1404, %add3A_1405 : i32
      %swap3A_1407 = arith.index_cast %add3A_1406 : i32 to index
      %swap3A_1408 = arith.constant 16 : index
      %swap3A_1409 = tpu.vector_load %arg8[%swap3A_1407, %swap3A_1408] {strides = array<i32>} : memref<128x128xf32, #tpu.memory_space<vmem>>, vector<1x16xf32>,
      %swap3A_1410 = vector.shape_cast %swap3A_1409 : vector<1x16xf32> to vector<16xf32>
      %swap3A_1411 = vector.shape_cast %broadcast_in_dim3A_1402 : vector<16xf32> to vector<1x16xf32>
      tpu.vector_store %arg8[%swap3A_1407, %swap3A_1408], %swap3A_1411 {strides = array<i32>} : memref<128x128xf32, #tpu.memory_space<vmem>>, vector<1x16xf32>,
      %broadcast_in_dim3A_1412 = arith.constant 0.000000e+00 : f32
      %broadcast_in_dim3A_1413 = vector.broadcast %broadcast_in_dim3A_1412 : f32 to vector<16xf32>
      %mul3A_1414 = arith.constant 16 : i32
      %mul3A_1415 = arith.muli %scan3A_71, %mul3A_1414 : i32
      %add3A_1416 = arith.constant 15 : i32
      %add3A_1417 = arith.addi %mul3A_1415, %add3A_1416 : i32
      %swap3A_1418 = arith.index_cast %add3A_1417 : i32 to index
      %swap3A_1419 = arith.constant 32 : index
      %swap3A_1420 = tpu.vector_load %arg8[%swap3A_1418, %swap3A_1419] {strides = array<i32>} : memref<128x128xf32, #tpu.memory_space<vmem>>, vector<1x16xf32>,
      %swap3A_1421 = vector.shape_cast %swap3A_1420 : vector<1x16xf32> to vector<16xf32>
      %swap3A_1422 = vector.shape_cast %broadcast_in_dim3A_1413 : vector<16xf32> to vector<1x16xf32>
      tpu.vector_store %arg8[%swap3A_1418, %swap3A_1419], %swap3A_1422 {strides = array<i32>} : memref<128x128xf32, #tpu.memory_space<vmem>>, vector<1x16xf32>,
      %broadcast_in_dim3A_1423 = arith.constant 0.000000e+00 : f32
      %broadcast_in_dim3A_1424 = vector.broadcast %broadcast_in_dim3A_1423 : f32 to vector<16xf32>
      %mul3A_1425 = arith.constant 16 : i32
      %mul3A_1426 = arith.muli %scan3A_71, %mul3A_1425 : i32
      %add3A_1427 = arith.constant 15 : i32
      %add3A_1428 = arith.addi %mul3A_1426, %add3A_1427 : i32
      %swap3A_1429 = arith.index_cast %add3A_1428 : i32 to index
      %swap3A_1430 = arith.constant 48 : index
      %swap3A_1431 = tpu.vector_load %arg8[%swap3A_1429, %swap3A_1430] {strides = array<i32>} : memref<128x128xf32, #tpu.memory_space<vmem>>, vector<1x16xf32>,
      %swap3A_1432 = vector.shape_cast %swap3A_1431 : vector<1x16xf32> to vector<16xf32>
      %swap3A_1433 = vector.shape_cast %broadcast_in_dim3A_1424 : vector<16xf32> to vector<1x16xf32>
      tpu.vector_store %arg8[%swap3A_1429, %swap3A_1430], %swap3A_1433 {strides = array<i32>} : memref<128x128xf32, #tpu.memory_space<vmem>>, vector<1x16xf32>,
      %broadcast_in_dim3A_1434 = arith.constant 0.000000e+00 : f32
      %broadcast_in_dim3A_1435 = vector.broadcast %broadcast_in_dim3A_1434 : f32 to vector<16xf32>
      %mul3A_1436 = arith.constant 16 : i32
      %mul3A_1437 = arith.muli %scan3A_71, %mul3A_1436 : i32
      %add3A_1438 = arith.constant 15 : i32
      %add3A_1439 = arith.addi %mul3A_1437, %add3A_1438 : i32
      %swap3A_1440 = arith.index_cast %add3A_1439 : i32 to index
      %swap3A_1441 = arith.constant 64 : index
      %swap3A_1442 = tpu.vector_load %arg8[%swap3A_1440, %swap3A_1441] {strides = array<i32>} : memref<128x128xf32, #tpu.memory_space<vmem>>, vector<1x16xf32>,
      %swap3A_1443 = vector.shape_cast %swap3A_1442 : vector<1x16xf32> to vector<16xf32>
      %swap3A_1444 = vector.shape_cast %broadcast_in_dim3A_1435 : vector<16xf32> to vector<1x16xf32>
      tpu.vector_store %arg8[%swap3A_1440, %swap3A_1441], %swap3A_1444 {strides = array<i32>} : memref<128x128xf32, #tpu.memory_space<vmem>>, vector<1x16xf32>,
      %broadcast_in_dim3A_1445 = arith.constant 0.000000e+00 : f32
      %broadcast_in_dim3A_1446 = vector.broadcast %broadcast_in_dim3A_1445 : f32 to vector<16xf32>
      %mul3A_1447 = arith.constant 16 : i32
      %mul3A_1448 = arith.muli %scan3A_71, %mul3A_1447 : i32
      %add3A_1449 = arith.constant 15 : i32
      %add3A_1450 = arith.addi %mul3A_1448, %add3A_1449 : i32
      %swap3A_1451 = arith.index_cast %add3A_1450 : i32 to index
      %swap3A_1452 = arith.constant 80 : index
      %swap3A_1453 = tpu.vector_load %arg8[%swap3A_1451, %swap3A_1452] {strides = array<i32>} : memref<128x128xf32, #tpu.memory_space<vmem>>, vector<1x16xf32>,
      %swap3A_1454 = vector.shape_cast %swap3A_1453 : vector<1x16xf32> to vector<16xf32>
      %swap3A_1455 = vector.shape_cast %broadcast_in_dim3A_1446 : vector<16xf32> to vector<1x16xf32>
      tpu.vector_store %arg8[%swap3A_1451, %swap3A_1452], %swap3A_1455 {strides = array<i32>} : memref<128x128xf32, #tpu.memory_space<vmem>>, vector<1x16xf32>,
      %broadcast_in_dim3A_1456 = arith.constant 0.000000e+00 : f32
      %broadcast_in_dim3A_1457 = vector.broadcast %broadcast_in_dim3A_1456 : f32 to vector<16xf32>
      %mul3A_1458 = arith.constant 16 : i32
      %mul3A_1459 = arith.muli %scan3A_71, %mul3A_1458 : i32
      %add3A_1460 = arith.constant 15 : i32
      %add3A_1461 = arith.addi %mul3A_1459, %add3A_1460 : i32
      %swap3A_1462 = arith.index_cast %add3A_1461 : i32 to index
      %swap3A_1463 = arith.constant 96 : index
      %swap3A_1464 = tpu.vector_load %arg8[%swap3A_1462, %swap3A_1463] {strides = array<i32>} : memref<128x128xf32, #tpu.memory_space<vmem>>, vector<1x16xf32>,
      %swap3A_1465 = vector.shape_cast %swap3A_1464 : vector<1x16xf32> to vector<16xf32>
      %swap3A_1466 = vector.shape_cast %broadcast_in_dim3A_1457 : vector<16xf32> to vector<1x16xf32>
      tpu.vector_store %arg8[%swap3A_1462, %swap3A_1463], %swap3A_1466 {strides = array<i32>} : memref<128x128xf32, #tpu.memory_space<vmem>>, vector<1x16xf32>,
      %broadcast_in_dim3A_1467 = arith.constant 0.000000e+00 : f32
      %broadcast_in_dim3A_1468 = vector.broadcast %broadcast_in_dim3A_1467 : f32 to vector<16xf32>
      %mul3A_1469 = arith.constant 16 : i32
      %mul3A_1470 = arith.muli %scan3A_71, %mul3A_1469 : i32
      %add3A_1471 = arith.constant 15 : i32
      %add3A_1472 = arith.addi %mul3A_1470, %add3A_1471 : i32
      %swap3A_1473 = arith.index_cast %add3A_1472 : i32 to index
      %swap3A_1474 = arith.constant 112 : index
      %swap3A_1475 = tpu.vector_load %arg8[%swap3A_1473, %swap3A_1474] {strides = array<i32>} : memref<128x128xf32, #tpu.memory_space<vmem>>, vector<1x16xf32>,
      %swap3A_1476 = vector.shape_cast %swap3A_1475 : vector<1x16xf32> to vector<16xf32>
      %swap3A_1477 = vector.shape_cast %broadcast_in_dim3A_1468 : vector<16xf32> to vector<1x16xf32>
      tpu.vector_store %arg8[%swap3A_1473, %swap3A_1474], %swap3A_1477 {strides = array<i32>} : memref<128x128xf32, #tpu.memory_space<vmem>>, vector<1x16xf32>,
    }
    %scan3A_17 = arith.constant 8 : i32
    %mul3A_18 = arith.constant 624 : i32
    %mul3A_19 = arith.muli %arg1, %mul3A_18 : i32
    %add3A_20 = arith.constant 0 : i32
    %add3A_21 = arith.addi %mul3A_19, %add3A_20 : i32
    "tpu.region"() ({
      %run_scoped3A_71 = tpu.sem_alloc : memref<!tpu.dma_semaphore, #tpu.memory_space<semaphore_mem>>
      %dma_start3A_72 = arith.constant 0 : i32
      %dma_start3A_73 = tpu.memref_slice %arg9[%add3A_21, %dma_start3A_72] : memref<10008x128xf32, #tpu.memory_space<vmem_shared>> -> memref<128x128xf32, #tpu.memory_space<vmem_shared>>
      %dma_start3A_74 = arith.constant 0 : i32
      %dma_start3A_75 = tpu.memref_slice %arg9[%add3A_21, %dma_start3A_74] : memref<10008x128xf32, #tpu.memory_space<vmem_shared>> -> memref<128x128xf32, #tpu.memory_space<vmem_shared>>
      tpu.enqueue_dma source(%arg8 : memref<128x128xf32, #tpu.memory_space<vmem>>) target(%dma_start3A_75 : memref<128x128xf32, #tpu.memory_space<vmem_shared>>) target_semaphore(%run_scoped3A_71 : memref<!tpu.dma_semaphore, #tpu.memory_space<semaphore_mem>>)
      %dma_wait3A_76 = arith.constant 0 : i32
      %dma_wait3A_77 = tpu.memref_slice %arg9[%add3A_21, %dma_wait3A_76] : memref<10008x128xf32, #tpu.memory_space<vmem_shared>> -> memref<128x128xf32, #tpu.memory_space<vmem_shared>>
      %dma_wait3A_78 = arith.constant 0 : i32
      %dma_wait3A_79 = tpu.memref_slice %arg9[%add3A_21, %dma_wait3A_78] : memref<10008x128xf32, #tpu.memory_space<vmem_shared>> -> memref<128x128xf32, #tpu.memory_space<vmem_shared>>
      tpu.wait_dma2 semaphore(%run_scoped3A_71 : memref<!tpu.dma_semaphore, #tpu.memory_space<semaphore_mem>>) src(%arg8 : memref<128x128xf32, #tpu.memory_space<vmem>>) dst(%dma_wait3A_79 : memref<128x128xf32, #tpu.memory_space<vmem_shared>>)
      tpu.yield
    }) : () -> ()
    %add3A_22 = arith.constant 128 : i32
    %add3A_23 = arith.addi %mul3A_19, %add3A_22 : i32
    "tpu.region"() ({
      %run_scoped3A_71 = tpu.sem_alloc : memref<!tpu.dma_semaphore, #tpu.memory_space<semaphore_mem>>
      %dma_start3A_72 = arith.constant 0 : i32
      %dma_start3A_73 = tpu.memref_slice %arg9[%add3A_23, %dma_start3A_72] : memref<10008x128xf32, #tpu.memory_space<vmem_shared>> -> memref<128x128xf32, #tpu.memory_space<vmem_shared>>
      %dma_start3A_74 = arith.constant 0 : i32
      %dma_start3A_75 = tpu.memref_slice %arg9[%add3A_23, %dma_start3A_74] : memref<10008x128xf32, #tpu.memory_space<vmem_shared>> -> memref<128x128xf32, #tpu.memory_space<vmem_shared>>
      tpu.enqueue_dma source(%arg8 : memref<128x128xf32, #tpu.memory_space<vmem>>) target(%dma_start3A_75 : memref<128x128xf32, #tpu.memory_space<vmem_shared>>) target_semaphore(%run_scoped3A_71 : memref<!tpu.dma_semaphore, #tpu.memory_space<semaphore_mem>>)
      %dma_wait3A_76 = arith.constant 0 : i32
      %dma_wait3A_77 = tpu.memref_slice %arg9[%add3A_23, %dma_wait3A_76] : memref<10008x128xf32, #tpu.memory_space<vmem_shared>> -> memref<128x128xf32, #tpu.memory_space<vmem_shared>>
      %dma_wait3A_78 = arith.constant 0 : i32
      %dma_wait3A_79 = tpu.memref_slice %arg9[%add3A_23, %dma_wait3A_78] : memref<10008x128xf32, #tpu.memory_space<vmem_shared>> -> memref<128x128xf32, #tpu.memory_space<vmem_shared>>
      tpu.wait_dma2 semaphore(%run_scoped3A_71 : memref<!tpu.dma_semaphore, #tpu.memory_space<semaphore_mem>>) src(%arg8 : memref<128x128xf32, #tpu.memory_space<vmem>>) dst(%dma_wait3A_79 : memref<128x128xf32, #tpu.memory_space<vmem_shared>>)
      tpu.yield
    }) : () -> ()
    %add3A_24 = arith.constant 256 : i32
    %add3A_25 = arith.addi %mul3A_19, %add3A_24 : i32
    "tpu.region"() ({
      %run_scoped3A_71 = tpu.sem_alloc : memref<!tpu.dma_semaphore, #tpu.memory_space<semaphore_mem>>
      %dma_start3A_72 = arith.constant 0 : i32
      %dma_start3A_73 = tpu.memref_slice %arg9[%add3A_25, %dma_start3A_72] : memref<10008x128xf32, #tpu.memory_space<vmem_shared>> -> memref<128x128xf32, #tpu.memory_space<vmem_shared>>
      %dma_start3A_74 = arith.constant 0 : i32
      %dma_start3A_75 = tpu.memref_slice %arg9[%add3A_25, %dma_start3A_74] : memref<10008x128xf32, #tpu.memory_space<vmem_shared>> -> memref<128x128xf32, #tpu.memory_space<vmem_shared>>
      tpu.enqueue_dma source(%arg8 : memref<128x128xf32, #tpu.memory_space<vmem>>) target(%dma_start3A_75 : memref<128x128xf32, #tpu.memory_space<vmem_shared>>) target_semaphore(%run_scoped3A_71 : memref<!tpu.dma_semaphore, #tpu.memory_space<semaphore_mem>>)
      %dma_wait3A_76 = arith.constant 0 : i32
      %dma_wait3A_77 = tpu.memref_slice %arg9[%add3A_25, %dma_wait3A_76] : memref<10008x128xf32, #tpu.memory_space<vmem_shared>> -> memref<128x128xf32, #tpu.memory_space<vmem_shared>>
      %dma_wait3A_78 = arith.constant 0 : i32
      %dma_wait3A_79 = tpu.memref_slice %arg9[%add3A_25, %dma_wait3A_78] : memref<10008x128xf32, #tpu.memory_space<vmem_shared>> -> memref<128x128xf32, #tpu.memory_space<vmem_shared>>
      tpu.wait_dma2 semaphore(%run_scoped3A_71 : memref<!tpu.dma_semaphore, #tpu.memory_space<semaphore_mem>>) src(%arg8 : memref<128x128xf32, #tpu.memory_space<vmem>>) dst(%dma_wait3A_79 : memref<128x128xf32, #tpu.memory_space<vmem_shared>>)
      tpu.yield
    }) : () -> ()
    %add3A_26 = arith.constant 384 : i32
    %add3A_27 = arith.addi %mul3A_19, %add3A_26 : i32
    "tpu.region"() ({
      %run_scoped3A_71 = tpu.sem_alloc : memref<!tpu.dma_semaphore, #tpu.memory_space<semaphore_mem>>
      %dma_start3A_72 = arith.constant 0 : i32
      %dma_start3A_73 = tpu.memref_slice %arg9[%add3A_27, %dma_start3A_72] : memref<10008x128xf32, #tpu.memory_space<vmem_shared>> -> memref<128x128xf32, #tpu.memory_space<vmem_shared>>
      %dma_start3A_74 = arith.constant 0 : i32
      %dma_start3A_75 = tpu.memref_slice %arg9[%add3A_27, %dma_start3A_74] : memref<10008x128xf32, #tpu.memory_space<vmem_shared>> -> memref<128x128xf32, #tpu.memory_space<vmem_shared>>
      tpu.enqueue_dma source(%arg8 : memref<128x128xf32, #tpu.memory_space<vmem>>) target(%dma_start3A_75 : memref<128x128xf32, #tpu.memory_space<vmem_shared>>) target_semaphore(%run_scoped3A_71 : memref<!tpu.dma_semaphore, #tpu.memory_space<semaphore_mem>>)
      %dma_wait3A_76 = arith.constant 0 : i32
      %dma_wait3A_77 = tpu.memref_slice %arg9[%add3A_27, %dma_wait3A_76] : memref<10008x128xf32, #tpu.memory_space<vmem_shared>> -> memref<128x128xf32, #tpu.memory_space<vmem_shared>>
      %dma_wait3A_78 = arith.constant 0 : i32
      %dma_wait3A_79 = tpu.memref_slice %arg9[%add3A_27, %dma_wait3A_78] : memref<10008x128xf32, #tpu.memory_space<vmem_shared>> -> memref<128x128xf32, #tpu.memory_space<vmem_shared>>
      tpu.wait_dma2 semaphore(%run_scoped3A_71 : memref<!tpu.dma_semaphore, #tpu.memory_space<semaphore_mem>>) src(%arg8 : memref<128x128xf32, #tpu.memory_space<vmem>>) dst(%dma_wait3A_79 : memref<128x128xf32, #tpu.memory_space<vmem_shared>>)
      tpu.yield
    }) : () -> ()
    %add3A_28 = arith.constant 624 : i32
    %add3A_29 = arith.addi %mul3A_19, %add3A_28 : i32
    %sub3A = arith.constant 112 : i32
    %sub3A_30 = arith.subi %add3A_29, %sub3A : i32
    "tpu.region"() ({
      %run_scoped3A_71 = tpu.sem_alloc : memref<!tpu.dma_semaphore, #tpu.memory_space<semaphore_mem>>
      %dma_start3A_72 = arith.constant 0 : i32
      %dma_start3A_73 = arith.constant 0 : i32
      %dma_start3A_74 = tpu.memref_slice %arg8[%dma_start3A_72, %dma_start3A_73] : memref<128x128xf32, #tpu.memory_space<vmem>> -> memref<112x128xf32, #tpu.memory_space<vmem>>
      %dma_start3A_75 = arith.constant 0 : i32
      %dma_start3A_76 = tpu.memref_slice %arg9[%sub3A_30, %dma_start3A_75] : memref<10008x128xf32, #tpu.memory_space<vmem_shared>> -> memref<112x128xf32, #tpu.memory_space<vmem_shared>>
      %dma_start3A_77 = arith.constant 0 : i32
      %dma_start3A_78 = tpu.memref_slice %arg9[%sub3A_30, %dma_start3A_77] : memref<10008x128xf32, #tpu.memory_space<vmem_shared>> -> memref<112x128xf32, #tpu.memory_space<vmem_shared>>
      %dma_start3A_79 = arith.constant 0 : i32
      %dma_start3A_80 = arith.constant 0 : i32
      %dma_start3A_81 = tpu.memref_slice %arg8[%dma_start3A_79, %dma_start3A_80] : memref<128x128xf32, #tpu.memory_space<vmem>> -> memref<112x128xf32, #tpu.memory_space<vmem>>
      tpu.enqueue_dma source(%dma_start3A_81 : memref<112x128xf32, #tpu.memory_space<vmem>>) target(%dma_start3A_78 : memref<112x128xf32, #tpu.memory_space<vmem_shared>>) target_semaphore(%run_scoped3A_71 : memref<!tpu.dma_semaphore, #tpu.memory_space<semaphore_mem>>)
      %dma_wait3A_82 = arith.constant 0 : i32
      %dma_wait3A_83 = arith.constant 0 : i32
      %dma_wait3A_84 = tpu.memref_slice %arg8[%dma_wait3A_82, %dma_wait3A_83] : memref<128x128xf32, #tpu.memory_space<vmem>> -> memref<112x128xf32, #tpu.memory_space<vmem>>
      %dma_wait3A_85 = arith.constant 0 : i32
      %dma_wait3A_86 = tpu.memref_slice %arg9[%sub3A_30, %dma_wait3A_85] : memref<10008x128xf32, #tpu.memory_space<vmem_shared>> -> memref<112x128xf32, #tpu.memory_space<vmem_shared>>
      %dma_wait3A_87 = arith.constant 0 : i32
      %dma_wait3A_88 = tpu.memref_slice %arg9[%sub3A_30, %dma_wait3A_87] : memref<10008x128xf32, #tpu.memory_space<vmem_shared>> -> memref<112x128xf32, #tpu.memory_space<vmem_shared>>
      %dma_wait3A_89 = arith.constant 0 : i32
      %dma_wait3A_90 = arith.constant 0 : i32
      %dma_wait3A_91 = tpu.memref_slice %arg8[%dma_wait3A_89, %dma_wait3A_90] : memref<128x128xf32, #tpu.memory_space<vmem>> -> memref<112x128xf32, #tpu.memory_space<vmem>>
      tpu.wait_dma2 semaphore(%run_scoped3A_71 : memref<!tpu.dma_semaphore, #tpu.memory_space<semaphore_mem>>) src(%dma_wait3A_91 : memref<112x128xf32, #tpu.memory_space<vmem>>) dst(%dma_wait3A_88 : memref<112x128xf32, #tpu.memory_space<vmem_shared>>)
      tpu.yield
    }) : () -> ()
    %eq3A = arith.constant 15 : i32
    %eq3A_31 = arith.cmpi eq, %arg1, %eq3A : i32
    %convert_element_type3A = arith.extui %eq3A_31 : i1 to i32
    %cond3A = arith.constant 0 : i32
    %cond3A_32 = arith.cmpi ne, %convert_element_type3A, %cond3A : i32
    scf.if %cond3A_32 {
      "tpu.region"() ({
        %run_scoped3A_71 = tpu.sem_alloc : memref<!tpu.dma_semaphore, #tpu.memory_space<semaphore_mem>>
        %dma_start3A_72 = arith.constant 0 : i32
        %dma_start3A_73 = arith.constant 0 : i32
        %dma_start3A_74 = tpu.memref_slice %arg8[%dma_start3A_72, %dma_start3A_73] : memref<128x128xf32, #tpu.memory_space<vmem>> -> memref<24x128xf32, #tpu.memory_space<vmem>>
        %dma_start3A_75 = arith.constant 9984 : i32
        %dma_start3A_76 = arith.constant 0 : i32
        %dma_start3A_77 = tpu.memref_slice %arg9[%dma_start3A_75, %dma_start3A_76] : memref<10008x128xf32, #tpu.memory_space<vmem_shared>> -> memref<24x128xf32, #tpu.memory_space<vmem_shared>>
        %dma_start3A_78 = arith.constant 9984 : i32
        %dma_start3A_79 = arith.constant 0 : i32
        %dma_start3A_80 = tpu.memref_slice %arg9[%dma_start3A_78, %dma_start3A_79] : memref<10008x128xf32, #tpu.memory_space<vmem_shared>> -> memref<24x128xf32, #tpu.memory_space<vmem_shared>>
        %dma_start3A_81 = arith.constant 0 : i32
        %dma_start3A_82 = arith.constant 0 : i32
        %dma_start3A_83 = tpu.memref_slice %arg8[%dma_start3A_81, %dma_start3A_82] : memref<128x128xf32, #tpu.memory_space<vmem>> -> memref<24x128xf32, #tpu.memory_space<vmem>>
        tpu.enqueue_dma source(%dma_start3A_83 : memref<24x128xf32, #tpu.memory_space<vmem>>) target(%dma_start3A_80 : memref<24x128xf32, #tpu.memory_space<vmem_shared>>) target_semaphore(%run_scoped3A_71 : memref<!tpu.dma_semaphore, #tpu.memory_space<semaphore_mem>>)
        %dma_wait3A_84 = arith.constant 0 : i32
        %dma_wait3A_85 = arith.constant 0 : i32
        %dma_wait3A_86 = tpu.memref_slice %arg8[%dma_wait3A_84, %dma_wait3A_85] : memref<128x128xf32, #tpu.memory_space<vmem>> -> memref<24x128xf32, #tpu.memory_space<vmem>>
        %dma_wait3A_87 = arith.constant 9984 : i32
        %dma_wait3A_88 = arith.constant 0 : i32
        %dma_wait3A_89 = tpu.memref_slice %arg9[%dma_wait3A_87, %dma_wait3A_88] : memref<10008x128xf32, #tpu.memory_space<vmem_shared>> -> memref<24x128xf32, #tpu.memory_space<vmem_shared>>
        %dma_wait3A_90 = arith.constant 9984 : i32
        %dma_wait3A_91 = arith.constant 0 : i32
        %dma_wait3A_92 = tpu.memref_slice %arg9[%dma_wait3A_90, %dma_wait3A_91] : memref<10008x128xf32, #tpu.memory_space<vmem_shared>> -> memref<24x128xf32, #tpu.memory_space<vmem_shared>>
        %dma_wait3A_93 = arith.constant 0 : i32
        %dma_wait3A_94 = arith.constant 0 : i32
        %dma_wait3A_95 = tpu.memref_slice %arg8[%dma_wait3A_93, %dma_wait3A_94] : memref<128x128xf32, #tpu.memory_space<vmem>> -> memref<24x128xf32, #tpu.memory_space<vmem>>
        tpu.wait_dma2 semaphore(%run_scoped3A_71 : memref<!tpu.dma_semaphore, #tpu.memory_space<semaphore_mem>>) src(%dma_wait3A_95 : memref<24x128xf32, #tpu.memory_space<vmem>>) dst(%dma_wait3A_92 : memref<24x128xf32, #tpu.memory_space<vmem_shared>>)
        tpu.yield
      }) : () -> ()
    } else {
    }
    %dma_start3A_33 = arith.constant 1 : i32
    %dma_start3A_34 = arith.constant 0 : i32
    %dma_start3A_35 = tpu.memref_slice %arg6[%dma_start3A_33, %dma_start3A_34] : memref<40x128xi32, #tpu.memory_space<vmem>> -> memref<1x128xi32, #tpu.memory_space<vmem>>
    %dma_start3A_36 = tpu.memref_squeeze %dma_start3A_35 : memref<1x128xi32, #tpu.memory_space<vmem>> -> memref<128xi32, #tpu.memory_space<vmem>>
    %dma_start3A_37 = arith.constant 0 : i32
    %dma_start3A_38 = arith.constant 0 : i32
    %dma_start3A_39 = tpu.memref_slice %arg2[%arg0, %dma_start3A_37, %dma_start3A_38] : memref<2x10000x128xf32, #tpu.memory_space<hbm>> -> memref<1x10000x128xf32, #tpu.memory_space<hbm>>
    %dma_start3A_40 = tpu.memref_squeeze %dma_start3A_39 : memref<1x10000x128xf32, #tpu.memory_space<hbm>> -> memref<10000x128xf32, #tpu.memory_space<hbm>>
    %dma_start3A_41 = arith.constant 0 : i32
    %dma_start3A_42 = arith.constant 0 : i32
    %dma_start3A_43 = tpu.memref_slice %dma_start3A_40[%dma_start3A_41, %dma_start3A_42] : memref<10000x128xf32, #tpu.memory_space<hbm>> -> memref<10000x128xf32, #tpu.memory_space<hbm>>
    tpu.enqueue_indirect_dma source(%dma_start3A_43 : memref<10000x128xf32, #tpu.memory_space<hbm>>) target(%arg8 : memref<128x128xf32, #tpu.memory_space<vmem>>) offsets(%dma_start3A_36 : memref<128xi32, #tpu.memory_space<vmem>>) semaphore(%arg11 : memref<!tpu.dma_semaphore, #tpu.memory_space<semaphore_mem>>)
    %barrier3A = arith.constant 0 : index
    tpu.barrier barrier_id(%barrier3A)
    %scan3A_44 = arith.constant 0 : i32
    %scan3A_45 = arith.constant 0 : i32
    %scan3A_46 = arith.constant 20 : i32
    %scan3A_47 = arith.addi %scan3A_45, %scan3A_46 : i32
    %scan3A_48 = arith.constant 1 : i32
    scf.for %scan3A_71 = %scan3A_45 to %scan3A_47 step %scan3A_48  : i32 {
      %mul3A_72 = arith.constant 2 : i32
      %mul3A_73 = arith.muli %mul3A_72, %scan3A_71 : i32
      %mul3A_74 = arith.constant 2 : i32
      %mul3A_75 = arith.muli %mul3A_74, %scan3A_71 : i32
      %add3A_76 = arith.constant 1 : i32
      %add3A_77 = arith.addi %mul3A_75, %add3A_76 : i32
      %gt3A = arith.constant 0 : i32
      %gt3A_78 = arith.cmpi sgt, %scan3A_71, %gt3A : i32
      %convert_element_type3A_79 = arith.extui %gt3A_78 : i1 to i32
      %cond3A_80 = arith.constant 0 : i32
      %cond3A_81 = arith.cmpi ne, %convert_element_type3A_79, %cond3A_80 : i32
      scf.if %cond3A_81 {
        %dma_wait3A_130 = arith.constant 0 : i32
        %dma_wait3A_131 = tpu.memref_slice %arg5[%add3A_77, %dma_wait3A_130] : memref<40x128xi32, #tpu.memory_space<vmem>> -> memref<1x128xi32, #tpu.memory_space<vmem>>
        %dma_wait3A_132 = tpu.memref_squeeze %dma_wait3A_131 : memref<1x128xi32, #tpu.memory_space<vmem>> -> memref<128xi32, #tpu.memory_space<vmem>>
        %dma_wait3A_133 = arith.constant 0 : i32
        %dma_wait3A_134 = arith.constant 0 : i32
        %dma_wait3A_135 = tpu.memref_slice %arg9[%dma_wait3A_133, %dma_wait3A_134] : memref<10008x128xf32, #tpu.memory_space<vmem_shared>> -> memref<10008x128xf32, #tpu.memory_space<vmem_shared>>
        tpu.wait_indirect_dma semaphore(%arg13 : memref<!tpu.dma_semaphore, #tpu.memory_space<semaphore_mem>>) src(%arg8 : memref<128x128xf32, #tpu.memory_space<vmem>>) dst(%dma_wait3A_135 : memref<10008x128xf32, #tpu.memory_space<vmem_shared>>)
      } else {
      }
      %gt3A_82 = arith.constant 0 : i32
      %gt3A_83 = arith.cmpi sgt, %scan3A_71, %gt3A_82 : i32
      %convert_element_type3A_84 = arith.extui %gt3A_83 : i1 to i32
      %cond3A_85 = arith.constant 0 : i32
      %cond3A_86 = arith.cmpi ne, %convert_element_type3A_84, %cond3A_85 : i32
      scf.if %cond3A_86 {
        %dma_start3A_130 = arith.constant 0 : i32
        %dma_start3A_131 = tpu.memref_slice %arg6[%add3A_77, %dma_start3A_130] : memref<40x128xi32, #tpu.memory_space<vmem>> -> memref<1x128xi32, #tpu.memory_space<vmem>>
        %dma_start3A_132 = tpu.memref_squeeze %dma_start3A_131 : memref<1x128xi32, #tpu.memory_space<vmem>> -> memref<128xi32, #tpu.memory_space<vmem>>
        %dma_start3A_133 = arith.constant 0 : i32
        %dma_start3A_134 = arith.constant 0 : i32
        %dma_start3A_135 = tpu.memref_slice %arg2[%arg0, %dma_start3A_133, %dma_start3A_134] : memref<2x10000x128xf32, #tpu.memory_space<hbm>> -> memref<1x10000x128xf32, #tpu.memory_space<hbm>>
        %dma_start3A_136 = tpu.memref_squeeze %dma_start3A_135 : memref<1x10000x128xf32, #tpu.memory_space<hbm>> -> memref<10000x128xf32, #tpu.memory_space<hbm>>
        %dma_start3A_137 = arith.constant 0 : i32
        %dma_start3A_138 = arith.constant 0 : i32
        %dma_start3A_139 = tpu.memref_slice %dma_start3A_136[%dma_start3A_137, %dma_start3A_138] : memref<10000x128xf32, #tpu.memory_space<hbm>> -> memref<10000x128xf32, #tpu.memory_space<hbm>>
        tpu.enqueue_indirect_dma source(%dma_start3A_139 : memref<10000x128xf32, #tpu.memory_space<hbm>>) target(%arg8 : memref<128x128xf32, #tpu.memory_space<vmem>>) offsets(%dma_start3A_132 : memref<128xi32, #tpu.memory_space<vmem>>) semaphore(%arg11 : memref<!tpu.dma_semaphore, #tpu.memory_space<semaphore_mem>>)
      } else {
      }
      %dma_wait3A_87 = arith.constant 0 : i32
      %dma_wait3A_88 = tpu.memref_slice %arg6[%mul3A_73, %dma_wait3A_87] : memref<40x128xi32, #tpu.memory_space<vmem>> -> memref<1x128xi32, #tpu.memory_space<vmem>>
      %dma_wait3A_89 = tpu.memref_squeeze %dma_wait3A_88 : memref<1x128xi32, #tpu.memory_space<vmem>> -> memref<128xi32, #tpu.memory_space<vmem>>
      %dma_wait3A_90 = arith.constant 0 : i32
      %dma_wait3A_91 = arith.constant 0 : i32
      %dma_wait3A_92 = tpu.memref_slice %arg2[%arg0, %dma_wait3A_90, %dma_wait3A_91] : memref<2x10000x128xf32, #tpu.memory_space<hbm>> -> memref<1x10000x128xf32, #tpu.memory_space<hbm>>
      %dma_wait3A_93 = tpu.memref_squeeze %dma_wait3A_92 : memref<1x10000x128xf32, #tpu.memory_space<hbm>> -> memref<10000x128xf32, #tpu.memory_space<hbm>>
      %dma_wait3A_94 = arith.constant 0 : i32
      %dma_wait3A_95 = arith.constant 0 : i32
      %dma_wait3A_96 = tpu.memref_slice %dma_wait3A_93[%dma_wait3A_94, %dma_wait3A_95] : memref<10000x128xf32, #tpu.memory_space<hbm>> -> memref<10000x128xf32, #tpu.memory_space<hbm>>
      tpu.wait_indirect_dma semaphore(%arg10 : memref<!tpu.dma_semaphore, #tpu.memory_space<semaphore_mem>>) src(%dma_wait3A_96 : memref<10000x128xf32, #tpu.memory_space<hbm>>) dst(%arg7 : memref<128x128xf32, #tpu.memory_space<vmem>>)
      %dma_start3A_97 = arith.constant 0 : i32
      %dma_start3A_98 = tpu.memref_slice %arg5[%mul3A_73, %dma_start3A_97] : memref<40x128xi32, #tpu.memory_space<vmem>> -> memref<1x128xi32, #tpu.memory_space<vmem>>
      %dma_start3A_99 = tpu.memref_squeeze %dma_start3A_98 : memref<1x128xi32, #tpu.memory_space<vmem>> -> memref<128xi32, #tpu.memory_space<vmem>>
      %dma_start3A_100 = arith.constant 0 : i32
      %dma_start3A_101 = arith.constant 0 : i32
      %dma_start3A_102 = tpu.memref_slice %arg9[%dma_start3A_100, %dma_start3A_101] : memref<10008x128xf32, #tpu.memory_space<vmem_shared>> -> memref<10008x128xf32, #tpu.memory_space<vmem_shared>>
      tpu.enqueue_indirect_dma source(%arg7 : memref<128x128xf32, #tpu.memory_space<vmem>>) target(%dma_start3A_102 : memref<10008x128xf32, #tpu.memory_space<vmem_shared>>) offsets(%dma_start3A_99 : memref<128xi32, #tpu.memory_space<vmem>>) semaphore(%arg12 : memref<!tpu.dma_semaphore, #tpu.memory_space<semaphore_mem>>) {add = true}
      %dma_wait3A_103 = arith.constant 0 : i32
      %dma_wait3A_104 = tpu.memref_slice %arg5[%mul3A_73, %dma_wait3A_103] : memref<40x128xi32, #tpu.memory_space<vmem>> -> memref<1x128xi32, #tpu.memory_space<vmem>>
      %dma_wait3A_105 = tpu.memref_squeeze %dma_wait3A_104 : memref<1x128xi32, #tpu.memory_space<vmem>> -> memref<128xi32, #tpu.memory_space<vmem>>
      %dma_wait3A_106 = arith.constant 0 : i32
      %dma_wait3A_107 = arith.constant 0 : i32
      %dma_wait3A_108 = tpu.memref_slice %arg9[%dma_wait3A_106, %dma_wait3A_107] : memref<10008x128xf32, #tpu.memory_space<vmem_shared>> -> memref<10008x128xf32, #tpu.memory_space<vmem_shared>>
      tpu.wait_indirect_dma semaphore(%arg12 : memref<!tpu.dma_semaphore, #tpu.memory_space<semaphore_mem>>) src(%arg7 : memref<128x128xf32, #tpu.memory_space<vmem>>) dst(%dma_wait3A_108 : memref<10008x128xf32, #tpu.memory_space<vmem_shared>>)
      %lt3A_109 = arith.constant 19 : i32
      %lt3A_110 = arith.cmpi slt, %scan3A_71, %lt3A_109 : i32
      %convert_element_type3A_111 = arith.extui %lt3A_110 : i1 to i32
      %cond3A_112 = arith.constant 0 : i32
      %cond3A_113 = arith.cmpi ne, %convert_element_type3A_111, %cond3A_112 : i32
      scf.if %cond3A_113 {
        %add3A_130 = arith.constant 2 : i32
        %add3A_131 = arith.addi %mul3A_73, %add3A_130 : i32
        %dma_start3A_132 = arith.constant 0 : i32
        %dma_start3A_133 = tpu.memref_slice %arg6[%add3A_131, %dma_start3A_132] : memref<40x128xi32, #tpu.memory_space<vmem>> -> memref<1x128xi32, #tpu.memory_space<vmem>>
        %dma_start3A_134 = tpu.memref_squeeze %dma_start3A_133 : memref<1x128xi32, #tpu.memory_space<vmem>> -> memref<128xi32, #tpu.memory_space<vmem>>
        %dma_start3A_135 = arith.constant 0 : i32
        %dma_start3A_136 = arith.constant 0 : i32
        %dma_start3A_137 = tpu.memref_slice %arg2[%arg0, %dma_start3A_135, %dma_start3A_136] : memref<2x10000x128xf32, #tpu.memory_space<hbm>> -> memref<1x10000x128xf32, #tpu.memory_space<hbm>>
        %dma_start3A_138 = tpu.memref_squeeze %dma_start3A_137 : memref<1x10000x128xf32, #tpu.memory_space<hbm>> -> memref<10000x128xf32, #tpu.memory_space<hbm>>
        %dma_start3A_139 = arith.constant 0 : i32
        %dma_start3A_140 = arith.constant 0 : i32
        %dma_start3A_141 = tpu.memref_slice %dma_start3A_138[%dma_start3A_139, %dma_start3A_140] : memref<10000x128xf32, #tpu.memory_space<hbm>> -> memref<10000x128xf32, #tpu.memory_space<hbm>>
        tpu.enqueue_indirect_dma source(%dma_start3A_141 : memref<10000x128xf32, #tpu.memory_space<hbm>>) target(%arg7 : memref<128x128xf32, #tpu.memory_space<vmem>>) offsets(%dma_start3A_134 : memref<128xi32, #tpu.memory_space<vmem>>) semaphore(%arg10 : memref<!tpu.dma_semaphore, #tpu.memory_space<semaphore_mem>>)
      } else {
      }
      %dma_wait3A_114 = arith.constant 0 : i32
      %dma_wait3A_115 = tpu.memref_slice %arg6[%add3A_77, %dma_wait3A_114] : memref<40x128xi32, #tpu.memory_space<vmem>> -> memref<1x128xi32, #tpu.memory_space<vmem>>
      %dma_wait3A_116 = tpu.memref_squeeze %dma_wait3A_115 : memref<1x128xi32, #tpu.memory_space<vmem>> -> memref<128xi32, #tpu.memory_space<vmem>>
      %dma_wait3A_117 = arith.constant 0 : i32
      %dma_wait3A_118 = arith.constant 0 : i32
      %dma_wait3A_119 = tpu.memref_slice %arg2[%arg0, %dma_wait3A_117, %dma_wait3A_118] : memref<2x10000x128xf32, #tpu.memory_space<hbm>> -> memref<1x10000x128xf32, #tpu.memory_space<hbm>>
      %dma_wait3A_120 = tpu.memref_squeeze %dma_wait3A_119 : memref<1x10000x128xf32, #tpu.memory_space<hbm>> -> memref<10000x128xf32, #tpu.memory_space<hbm>>
      %dma_wait3A_121 = arith.constant 0 : i32
      %dma_wait3A_122 = arith.constant 0 : i32
      %dma_wait3A_123 = tpu.memref_slice %dma_wait3A_120[%dma_wait3A_121, %dma_wait3A_122] : memref<10000x128xf32, #tpu.memory_space<hbm>> -> memref<10000x128xf32, #tpu.memory_space<hbm>>
      tpu.wait_indirect_dma semaphore(%arg11 : memref<!tpu.dma_semaphore, #tpu.memory_space<semaphore_mem>>) src(%dma_wait3A_123 : memref<10000x128xf32, #tpu.memory_space<hbm>>) dst(%arg8 : memref<128x128xf32, #tpu.memory_space<vmem>>)
      %dma_start3A_124 = arith.constant 0 : i32
      %dma_start3A_125 = tpu.memref_slice %arg5[%add3A_77, %dma_start3A_124] : memref<40x128xi32, #tpu.memory_space<vmem>> -> memref<1x128xi32, #tpu.memory_space<vmem>>
      %dma_start3A_126 = tpu.memref_squeeze %dma_start3A_125 : memref<1x128xi32, #tpu.memory_space<vmem>> -> memref<128xi32, #tpu.memory_space<vmem>>
      %dma_start3A_127 = arith.constant 0 : i32
      %dma_start3A_128 = arith.constant 0 : i32
      %dma_start3A_129 = tpu.memref_slice %arg9[%dma_start3A_127, %dma_start3A_128] : memref<10008x128xf32, #tpu.memory_space<vmem_shared>> -> memref<10008x128xf32, #tpu.memory_space<vmem_shared>>
      tpu.enqueue_indirect_dma source(%arg8 : memref<128x128xf32, #tpu.memory_space<vmem>>) target(%dma_start3A_129 : memref<10008x128xf32, #tpu.memory_space<vmem_shared>>) offsets(%dma_start3A_126 : memref<128xi32, #tpu.memory_space<vmem>>) semaphore(%arg13 : memref<!tpu.dma_semaphore, #tpu.memory_space<semaphore_mem>>) {add = true}
    }
    %scan3A_49 = arith.constant 20 : i32
    %dma_wait3A = arith.constant 39 : i32
    %dma_wait3A_50 = arith.constant 0 : i32
    %dma_wait3A_51 = tpu.memref_slice %arg5[%dma_wait3A, %dma_wait3A_50] : memref<40x128xi32, #tpu.memory_space<vmem>> -> memref<1x128xi32, #tpu.memory_space<vmem>>
    %dma_wait3A_52 = tpu.memref_squeeze %dma_wait3A_51 : memref<1x128xi32, #tpu.memory_space<vmem>> -> memref<128xi32, #tpu.memory_space<vmem>>
    %dma_wait3A_53 = arith.constant 0 : i32
    %dma_wait3A_54 = arith.constant 0 : i32
    %dma_wait3A_55 = tpu.memref_slice %arg9[%dma_wait3A_53, %dma_wait3A_54] : memref<10008x128xf32, #tpu.memory_space<vmem_shared>> -> memref<10008x128xf32, #tpu.memory_space<vmem_shared>>
    tpu.wait_indirect_dma semaphore(%arg13 : memref<!tpu.dma_semaphore, #tpu.memory_space<semaphore_mem>>) src(%arg8 : memref<128x128xf32, #tpu.memory_space<vmem>>) dst(%dma_wait3A_55 : memref<10008x128xf32, #tpu.memory_space<vmem_shared>>)
    %lt3A = arith.constant 15 : i32
    %lt3A_56 = arith.cmpi slt, %arg1, %lt3A : i32
    %convert_element_type3A_57 = arith.extui %lt3A_56 : i1 to i32
    %cond3A_58 = arith.constant 0 : i32
    %cond3A_59 = arith.cmpi ne, %convert_element_type3A_57, %cond3A_58 : i32
    scf.if %cond3A_59 {
      %mul3A_71 = arith.constant 80 : i32
      %mul3A_72 = arith.muli %arg1, %mul3A_71 : i32
      %add3A_73 = arith.constant 40 : i32
      %add3A_74 = arith.addi %mul3A_72, %add3A_73 : i32
      %multiple_of3A_75 = tpu.assume_multiple %add3A_74, 8 : i32
      %run_scoped3A_76 = arith.constant 0 : i32
      "tpu.region"() ({
        %run_scoped3A_102 = tpu.sem_alloc : memref<!tpu.dma_semaphore, #tpu.memory_space<semaphore_mem>>
        %dma_start3A_103 = arith.constant 0 : i32
        %dma_start3A_104 = arith.constant 0 : i32
        %dma_start3A_105 = tpu.memref_slice %arg5[%dma_start3A_103, %dma_start3A_104] : memref<40x128xi32, #tpu.memory_space<vmem>> -> memref<40x128xi32, #tpu.memory_space<vmem>>
        %dma_start3A_106 = arith.constant 0 : i32
        %dma_start3A_107 = tpu.memref_slice %arg3[%run_scoped3A_76, %multiple_of3A_75, %dma_start3A_106] : memref<2x1256x128xi32, #tpu.memory_space<hbm>> -> memref<1x40x128xi32, #tpu.memory_space<hbm>>
        %dma_start3A_108 = tpu.memref_squeeze %dma_start3A_107 : memref<1x40x128xi32, #tpu.memory_space<hbm>> -> memref<40x128xi32, #tpu.memory_space<hbm>>
        %dma_start3A_109 = arith.constant 0 : i32
        %dma_start3A_110 = arith.constant 0 : i32
        %dma_start3A_111 = tpu.memref_slice %arg5[%dma_start3A_109, %dma_start3A_110] : memref<40x128xi32, #tpu.memory_space<vmem>> -> memref<40x128xi32, #tpu.memory_space<vmem>>
        %dma_start3A_112 = arith.constant 0 : i32
        %dma_start3A_113 = tpu.memref_slice %arg3[%run_scoped3A_76, %multiple_of3A_75, %dma_start3A_112] : memref<2x1256x128xi32, #tpu.memory_space<hbm>> -> memref<1x40x128xi32, #tpu.memory_space<hbm>>
        %dma_start3A_114 = tpu.memref_squeeze %dma_start3A_113 : memref<1x40x128xi32, #tpu.memory_space<hbm>> -> memref<40x128xi32, #tpu.memory_space<hbm>>
        tpu.enqueue_dma source(%dma_start3A_114 : memref<40x128xi32, #tpu.memory_space<hbm>>) target(%dma_start3A_111 : memref<40x128xi32, #tpu.memory_space<vmem>>) target_semaphore(%run_scoped3A_102 : memref<!tpu.dma_semaphore, #tpu.memory_space<semaphore_mem>>)
        %dma_wait3A_115 = arith.constant 0 : i32
        %dma_wait3A_116 = arith.constant 0 : i32
        %dma_wait3A_117 = tpu.memref_slice %arg5[%dma_wait3A_115, %dma_wait3A_116] : memref<40x128xi32, #tpu.memory_space<vmem>> -> memref<40x128xi32, #tpu.memory_space<vmem>>
        %dma_wait3A_118 = arith.constant 0 : i32
        %dma_wait3A_119 = tpu.memref_slice %arg3[%run_scoped3A_76, %multiple_of3A_75, %dma_wait3A_118] : memref<2x1256x128xi32, #tpu.memory_space<hbm>> -> memref<1x40x128xi32, #tpu.memory_space<hbm>>
        %dma_wait3A_120 = tpu.memref_squeeze %dma_wait3A_119 : memref<1x40x128xi32, #tpu.memory_space<hbm>> -> memref<40x128xi32, #tpu.memory_space<hbm>>
        %dma_wait3A_121 = arith.constant 0 : i32
        %dma_wait3A_122 = arith.constant 0 : i32
        %dma_wait3A_123 = tpu.memref_slice %arg5[%dma_wait3A_121, %dma_wait3A_122] : memref<40x128xi32, #tpu.memory_space<vmem>> -> memref<40x128xi32, #tpu.memory_space<vmem>>
        %dma_wait3A_124 = arith.constant 0 : i32
        %dma_wait3A_125 = tpu.memref_slice %arg3[%run_scoped3A_76, %multiple_of3A_75, %dma_wait3A_124] : memref<2x1256x128xi32, #tpu.memory_space<hbm>> -> memref<1x40x128xi32, #tpu.memory_space<hbm>>
        %dma_wait3A_126 = tpu.memref_squeeze %dma_wait3A_125 : memref<1x40x128xi32, #tpu.memory_space<hbm>> -> memref<40x128xi32, #tpu.memory_space<hbm>>
        tpu.wait_dma2 semaphore(%run_scoped3A_102 : memref<!tpu.dma_semaphore, #tpu.memory_space<semaphore_mem>>) src(%dma_wait3A_126 : memref<40x128xi32, #tpu.memory_space<hbm>>) dst(%dma_wait3A_123 : memref<40x128xi32, #tpu.memory_space<vmem>>)
        tpu.yield
      }) : () -> ()
      %run_scoped3A_77 = arith.constant 1 : i32
      "tpu.region"() ({
        %run_scoped3A_102 = tpu.sem_alloc : memref<!tpu.dma_semaphore, #tpu.memory_space<semaphore_mem>>
        %dma_start3A_103 = arith.constant 0 : i32
        %dma_start3A_104 = arith.constant 0 : i32
        %dma_start3A_105 = tpu.memref_slice %arg6[%dma_start3A_103, %dma_start3A_104] : memref<40x128xi32, #tpu.memory_space<vmem>> -> memref<40x128xi32, #tpu.memory_space<vmem>>
        %dma_start3A_106 = arith.constant 0 : i32
        %dma_start3A_107 = tpu.memref_slice %arg3[%run_scoped3A_77, %multiple_of3A_75, %dma_start3A_106] : memref<2x1256x128xi32, #tpu.memory_space<hbm>> -> memref<1x40x128xi32, #tpu.memory_space<hbm>>
        %dma_start3A_108 = tpu.memref_squeeze %dma_start3A_107 : memref<1x40x128xi32, #tpu.memory_space<hbm>> -> memref<40x128xi32, #tpu.memory_space<hbm>>
        %dma_start3A_109 = arith.constant 0 : i32
        %dma_start3A_110 = arith.constant 0 : i32
        %dma_start3A_111 = tpu.memref_slice %arg6[%dma_start3A_109, %dma_start3A_110] : memref<40x128xi32, #tpu.memory_space<vmem>> -> memref<40x128xi32, #tpu.memory_space<vmem>>
        %dma_start3A_112 = arith.constant 0 : i32
        %dma_start3A_113 = tpu.memref_slice %arg3[%run_scoped3A_77, %multiple_of3A_75, %dma_start3A_112] : memref<2x1256x128xi32, #tpu.memory_space<hbm>> -> memref<1x40x128xi32, #tpu.memory_space<hbm>>
        %dma_start3A_114 = tpu.memref_squeeze %dma_start3A_113 : memref<1x40x128xi32, #tpu.memory_space<hbm>> -> memref<40x128xi32, #tpu.memory_space<hbm>>
        tpu.enqueue_dma source(%dma_start3A_114 : memref<40x128xi32, #tpu.memory_space<hbm>>) target(%dma_start3A_111 : memref<40x128xi32, #tpu.memory_space<vmem>>) target_semaphore(%run_scoped3A_102 : memref<!tpu.dma_semaphore, #tpu.memory_space<semaphore_mem>>)
        %dma_wait3A_115 = arith.constant 0 : i32
        %dma_wait3A_116 = arith.constant 0 : i32
        %dma_wait3A_117 = tpu.memref_slice %arg6[%dma_wait3A_115, %dma_wait3A_116] : memref<40x128xi32, #tpu.memory_space<vmem>> -> memref<40x128xi32, #tpu.memory_space<vmem>>
        %dma_wait3A_118 = arith.constant 0 : i32
        %dma_wait3A_119 = tpu.memref_slice %arg3[%run_scoped3A_77, %multiple_of3A_75, %dma_wait3A_118] : memref<2x1256x128xi32, #tpu.memory_space<hbm>> -> memref<1x40x128xi32, #tpu.memory_space<hbm>>
        %dma_wait3A_120 = tpu.memref_squeeze %dma_wait3A_119 : memref<1x40x128xi32, #tpu.memory_space<hbm>> -> memref<40x128xi32, #tpu.memory_space<hbm>>
        %dma_wait3A_121 = arith.constant 0 : i32
        %dma_wait3A_122 = arith.constant 0 : i32
        %dma_wait3A_123 = tpu.memref_slice %arg6[%dma_wait3A_121, %dma_wait3A_122] : memref<40x128xi32, #tpu.memory_space<vmem>> -> memref<40x128xi32, #tpu.memory_space<vmem>>
        %dma_wait3A_124 = arith.constant 0 : i32
        %dma_wait3A_125 = tpu.memref_slice %arg3[%run_scoped3A_77, %multiple_of3A_75, %dma_wait3A_124] : memref<2x1256x128xi32, #tpu.memory_space<hbm>> -> memref<1x40x128xi32, #tpu.memory_space<hbm>>
        %dma_wait3A_126 = tpu.memref_squeeze %dma_wait3A_125 : memref<1x40x128xi32, #tpu.memory_space<hbm>> -> memref<40x128xi32, #tpu.memory_space<hbm>>
        tpu.wait_dma2 semaphore(%run_scoped3A_102 : memref<!tpu.dma_semaphore, #tpu.memory_space<semaphore_mem>>) src(%dma_wait3A_126 : memref<40x128xi32, #tpu.memory_space<hbm>>) dst(%dma_wait3A_123 : memref<40x128xi32, #tpu.memory_space<vmem>>)
        tpu.yield
      }) : () -> ()
      %dma_start3A_78 = arith.constant 0 : i32
      %dma_start3A_79 = arith.constant 0 : i32
      %dma_start3A_80 = tpu.memref_slice %arg6[%dma_start3A_78, %dma_start3A_79] : memref<40x128xi32, #tpu.memory_space<vmem>> -> memref<1x128xi32, #tpu.memory_space<vmem>>
      %dma_start3A_81 = tpu.memref_squeeze %dma_start3A_80 : memref<1x128xi32, #tpu.memory_space<vmem>> -> memref<128xi32, #tpu.memory_space<vmem>>
      %dma_start3A_82 = arith.constant 0 : i32
      %dma_start3A_83 = arith.constant 0 : i32
      %dma_start3A_84 = tpu.memref_slice %arg2[%arg0, %dma_start3A_82, %dma_start3A_83] : memref<2x10000x128xf32, #tpu.memory_space<hbm>> -> memref<1x10000x128xf32, #tpu.memory_space<hbm>>
      %dma_start3A_85 = tpu.memref_squeeze %dma_start3A_84 : memref<1x10000x128xf32, #tpu.memory_space<hbm>> -> memref<10000x128xf32, #tpu.memory_space<hbm>>
      %dma_start3A_86 = arith.constant 0 : i32
      %dma_start3A_87 = arith.constant 0 : i32
      %dma_start3A_88 = tpu.memref_slice %dma_start3A_85[%dma_start3A_86, %dma_start3A_87] : memref<10000x128xf32, #tpu.memory_space<hbm>> -> memref<10000x128xf32, #tpu.memory_space<hbm>>
      tpu.enqueue_indirect_dma source(%dma_start3A_88 : memref<10000x128xf32, #tpu.memory_space<hbm>>) target(%arg7 : memref<128x128xf32, #tpu.memory_space<vmem>>) offsets(%dma_start3A_81 : memref<128xi32, #tpu.memory_space<vmem>>) semaphore(%arg10 : memref<!tpu.dma_semaphore, #tpu.memory_space<semaphore_mem>>)
      %scan3A_89 = arith.constant 0 : i32
      %scan3A_90 = arith.constant 0 : i32
      %scan3A_91 = arith.constant 20 : i32
      %scan3A_92 = arith.addi %scan3A_90, %scan3A_91 : i32
      %scan3A_93 = arith.constant 1 : i32
      scf.for %scan3A_102 = %scan3A_90 to %scan3A_92 step %scan3A_93  : i32 {
        %mul3A_103 = arith.constant 2 : i32
        %mul3A_104 = arith.muli %mul3A_103, %scan3A_102 : i32
        %mul3A_105 = arith.constant 2 : i32
        %mul3A_106 = arith.muli %mul3A_105, %scan3A_102 : i32
        %add3A_107 = arith.constant 1 : i32
        %add3A_108 = arith.addi %mul3A_106, %add3A_107 : i32
        %gt3A = arith.constant 0 : i32
        %gt3A_109 = arith.cmpi sgt, %scan3A_102, %gt3A : i32
        %convert_element_type3A_110 = arith.extui %gt3A_109 : i1 to i32
        %cond3A_111 = arith.constant 0 : i32
        %cond3A_112 = arith.cmpi ne, %convert_element_type3A_110, %cond3A_111 : i32
        scf.if %cond3A_112 {
          %dma_wait3A_166 = arith.constant 0 : i32
          %dma_wait3A_167 = tpu.memref_slice %arg5[%add3A_108, %dma_wait3A_166] : memref<40x128xi32, #tpu.memory_space<vmem>> -> memref<1x128xi32, #tpu.memory_space<vmem>>
          %dma_wait3A_168 = tpu.memref_squeeze %dma_wait3A_167 : memref<1x128xi32, #tpu.memory_space<vmem>> -> memref<128xi32, #tpu.memory_space<vmem>>
          %dma_wait3A_169 = arith.constant 0 : i32
          %dma_wait3A_170 = arith.constant 0 : i32
          %dma_wait3A_171 = tpu.memref_slice %arg9[%dma_wait3A_169, %dma_wait3A_170] : memref<10008x128xf32, #tpu.memory_space<vmem_shared>> -> memref<10008x128xf32, #tpu.memory_space<vmem_shared>>
          tpu.wait_indirect_dma semaphore(%arg13 : memref<!tpu.dma_semaphore, #tpu.memory_space<semaphore_mem>>) src(%arg8 : memref<128x128xf32, #tpu.memory_space<vmem>>) dst(%dma_wait3A_171 : memref<10008x128xf32, #tpu.memory_space<vmem_shared>>)
        } else {
        }
        %dma_start3A_113 = arith.constant 0 : i32
        %dma_start3A_114 = tpu.memref_slice %arg6[%add3A_108, %dma_start3A_113] : memref<40x128xi32, #tpu.memory_space<vmem>> -> memref<1x128xi32, #tpu.memory_space<vmem>>
        %dma_start3A_115 = tpu.memref_squeeze %dma_start3A_114 : memref<1x128xi32, #tpu.memory_space<vmem>> -> memref<128xi32, #tpu.memory_space<vmem>>
        %dma_start3A_116 = arith.constant 0 : i32
        %dma_start3A_117 = arith.constant 0 : i32
        %dma_start3A_118 = tpu.memref_slice %arg2[%arg0, %dma_start3A_116, %dma_start3A_117] : memref<2x10000x128xf32, #tpu.memory_space<hbm>> -> memref<1x10000x128xf32, #tpu.memory_space<hbm>>
        %dma_start3A_119 = tpu.memref_squeeze %dma_start3A_118 : memref<1x10000x128xf32, #tpu.memory_space<hbm>> -> memref<10000x128xf32, #tpu.memory_space<hbm>>
        %dma_start3A_120 = arith.constant 0 : i32
        %dma_start3A_121 = arith.constant 0 : i32
        %dma_start3A_122 = tpu.memref_slice %dma_start3A_119[%dma_start3A_120, %dma_start3A_121] : memref<10000x128xf32, #tpu.memory_space<hbm>> -> memref<10000x128xf32, #tpu.memory_space<hbm>>
        tpu.enqueue_indirect_dma source(%dma_start3A_122 : memref<10000x128xf32, #tpu.memory_space<hbm>>) target(%arg8 : memref<128x128xf32, #tpu.memory_space<vmem>>) offsets(%dma_start3A_115 : memref<128xi32, #tpu.memory_space<vmem>>) semaphore(%arg11 : memref<!tpu.dma_semaphore, #tpu.memory_space<semaphore_mem>>)
        %dma_wait3A_123 = arith.constant 0 : i32
        %dma_wait3A_124 = tpu.memref_slice %arg6[%mul3A_104, %dma_wait3A_123] : memref<40x128xi32, #tpu.memory_space<vmem>> -> memref<1x128xi32, #tpu.memory_space<vmem>>
        %dma_wait3A_125 = tpu.memref_squeeze %dma_wait3A_124 : memref<1x128xi32, #tpu.memory_space<vmem>> -> memref<128xi32, #tpu.memory_space<vmem>>
        %dma_wait3A_126 = arith.constant 0 : i32
        %dma_wait3A_127 = arith.constant 0 : i32
        %dma_wait3A_128 = tpu.memref_slice %arg2[%arg0, %dma_wait3A_126, %dma_wait3A_127] : memref<2x10000x128xf32, #tpu.memory_space<hbm>> -> memref<1x10000x128xf32, #tpu.memory_space<hbm>>
        %dma_wait3A_129 = tpu.memref_squeeze %dma_wait3A_128 : memref<1x10000x128xf32, #tpu.memory_space<hbm>> -> memref<10000x128xf32, #tpu.memory_space<hbm>>
        %dma_wait3A_130 = arith.constant 0 : i32
        %dma_wait3A_131 = arith.constant 0 : i32
        %dma_wait3A_132 = tpu.memref_slice %dma_wait3A_129[%dma_wait3A_130, %dma_wait3A_131] : memref<10000x128xf32, #tpu.memory_space<hbm>> -> memref<10000x128xf32, #tpu.memory_space<hbm>>
        tpu.wait_indirect_dma semaphore(%arg10 : memref<!tpu.dma_semaphore, #tpu.memory_space<semaphore_mem>>) src(%dma_wait3A_132 : memref<10000x128xf32, #tpu.memory_space<hbm>>) dst(%arg7 : memref<128x128xf32, #tpu.memory_space<vmem>>)
        %dma_start3A_133 = arith.constant 0 : i32
        %dma_start3A_134 = tpu.memref_slice %arg5[%mul3A_104, %dma_start3A_133] : memref<40x128xi32, #tpu.memory_space<vmem>> -> memref<1x128xi32, #tpu.memory_space<vmem>>
        %dma_start3A_135 = tpu.memref_squeeze %dma_start3A_134 : memref<1x128xi32, #tpu.memory_space<vmem>> -> memref<128xi32, #tpu.memory_space<vmem>>
        %dma_start3A_136 = arith.constant 0 : i32
        %dma_start3A_137 = arith.constant 0 : i32
        %dma_start3A_138 = tpu.memref_slice %arg9[%dma_start3A_136, %dma_start3A_137] : memref<10008x128xf32, #tpu.memory_space<vmem_shared>> -> memref<10008x128xf32, #tpu.memory_space<vmem_shared>>
        tpu.enqueue_indirect_dma source(%arg7 : memref<128x128xf32, #tpu.memory_space<vmem>>) target(%dma_start3A_138 : memref<10008x128xf32, #tpu.memory_space<vmem_shared>>) offsets(%dma_start3A_135 : memref<128xi32, #tpu.memory_space<vmem>>) semaphore(%arg12 : memref<!tpu.dma_semaphore, #tpu.memory_space<semaphore_mem>>) {add = true}
        %dma_wait3A_139 = arith.constant 0 : i32
        %dma_wait3A_140 = tpu.memref_slice %arg5[%mul3A_104, %dma_wait3A_139] : memref<40x128xi32, #tpu.memory_space<vmem>> -> memref<1x128xi32, #tpu.memory_space<vmem>>
        %dma_wait3A_141 = tpu.memref_squeeze %dma_wait3A_140 : memref<1x128xi32, #tpu.memory_space<vmem>> -> memref<128xi32, #tpu.memory_space<vmem>>
        %dma_wait3A_142 = arith.constant 0 : i32
        %dma_wait3A_143 = arith.constant 0 : i32
        %dma_wait3A_144 = tpu.memref_slice %arg9[%dma_wait3A_142, %dma_wait3A_143] : memref<10008x128xf32, #tpu.memory_space<vmem_shared>> -> memref<10008x128xf32, #tpu.memory_space<vmem_shared>>
        tpu.wait_indirect_dma semaphore(%arg12 : memref<!tpu.dma_semaphore, #tpu.memory_space<semaphore_mem>>) src(%arg7 : memref<128x128xf32, #tpu.memory_space<vmem>>) dst(%dma_wait3A_144 : memref<10008x128xf32, #tpu.memory_space<vmem_shared>>)
        %lt3A_145 = arith.constant 19 : i32
        %lt3A_146 = arith.cmpi slt, %scan3A_102, %lt3A_145 : i32
        %convert_element_type3A_147 = arith.extui %lt3A_146 : i1 to i32
        %cond3A_148 = arith.constant 0 : i32
        %cond3A_149 = arith.cmpi ne, %convert_element_type3A_147, %cond3A_148 : i32
        scf.if %cond3A_149 {
          %add3A_166 = arith.constant 2 : i32
          %add3A_167 = arith.addi %mul3A_104, %add3A_166 : i32
          %dma_start3A_168 = arith.constant 0 : i32
          %dma_start3A_169 = tpu.memref_slice %arg6[%add3A_167, %dma_start3A_168] : memref<40x128xi32, #tpu.memory_space<vmem>> -> memref<1x128xi32, #tpu.memory_space<vmem>>
          %dma_start3A_170 = tpu.memref_squeeze %dma_start3A_169 : memref<1x128xi32, #tpu.memory_space<vmem>> -> memref<128xi32, #tpu.memory_space<vmem>>
          %dma_start3A_171 = arith.constant 0 : i32
          %dma_start3A_172 = arith.constant 0 : i32
          %dma_start3A_173 = tpu.memref_slice %arg2[%arg0, %dma_start3A_171, %dma_start3A_172] : memref<2x10000x128xf32, #tpu.memory_space<hbm>> -> memref<1x10000x128xf32, #tpu.memory_space<hbm>>
          %dma_start3A_174 = tpu.memref_squeeze %dma_start3A_173 : memref<1x10000x128xf32, #tpu.memory_space<hbm>> -> memref<10000x128xf32, #tpu.memory_space<hbm>>
          %dma_start3A_175 = arith.constant 0 : i32
          %dma_start3A_176 = arith.constant 0 : i32
          %dma_start3A_177 = tpu.memref_slice %dma_start3A_174[%dma_start3A_175, %dma_start3A_176] : memref<10000x128xf32, #tpu.memory_space<hbm>> -> memref<10000x128xf32, #tpu.memory_space<hbm>>
          tpu.enqueue_indirect_dma source(%dma_start3A_177 : memref<10000x128xf32, #tpu.memory_space<hbm>>) target(%arg7 : memref<128x128xf32, #tpu.memory_space<vmem>>) offsets(%dma_start3A_170 : memref<128xi32, #tpu.memory_space<vmem>>) semaphore(%arg10 : memref<!tpu.dma_semaphore, #tpu.memory_space<semaphore_mem>>)
        } else {
        }
        %dma_wait3A_150 = arith.constant 0 : i32
        %dma_wait3A_151 = tpu.memref_slice %arg6[%add3A_108, %dma_wait3A_150] : memref<40x128xi32, #tpu.memory_space<vmem>> -> memref<1x128xi32, #tpu.memory_space<vmem>>
        %dma_wait3A_152 = tpu.memref_squeeze %dma_wait3A_151 : memref<1x128xi32, #tpu.memory_space<vmem>> -> memref<128xi32, #tpu.memory_space<vmem>>
        %dma_wait3A_153 = arith.constant 0 : i32
        %dma_wait3A_154 = arith.constant 0 : i32
        %dma_wait3A_155 = tpu.memref_slice %arg2[%arg0, %dma_wait3A_153, %dma_wait3A_154] : memref<2x10000x128xf32, #tpu.memory_space<hbm>> -> memref<1x10000x128xf32, #tpu.memory_space<hbm>>
        %dma_wait3A_156 = tpu.memref_squeeze %dma_wait3A_155 : memref<1x10000x128xf32, #tpu.memory_space<hbm>> -> memref<10000x128xf32, #tpu.memory_space<hbm>>
        %dma_wait3A_157 = arith.constant 0 : i32
        %dma_wait3A_158 = arith.constant 0 : i32
        %dma_wait3A_159 = tpu.memref_slice %dma_wait3A_156[%dma_wait3A_157, %dma_wait3A_158] : memref<10000x128xf32, #tpu.memory_space<hbm>> -> memref<10000x128xf32, #tpu.memory_space<hbm>>
        tpu.wait_indirect_dma semaphore(%arg11 : memref<!tpu.dma_semaphore, #tpu.memory_space<semaphore_mem>>) src(%dma_wait3A_159 : memref<10000x128xf32, #tpu.memory_space<hbm>>) dst(%arg8 : memref<128x128xf32, #tpu.memory_space<vmem>>)
        %dma_start3A_160 = arith.constant 0 : i32
        %dma_start3A_161 = tpu.memref_slice %arg5[%add3A_108, %dma_start3A_160] : memref<40x128xi32, #tpu.memory_space<vmem>> -> memref<1x128xi32, #tpu.memory_space<vmem>>
        %dma_start3A_162 = tpu.memref_squeeze %dma_start3A_161 : memref<1x128xi32, #tpu.memory_space<vmem>> -> memref<128xi32, #tpu.memory_space<vmem>>
        %dma_start3A_163 = arith.constant 0 : i32
        %dma_start3A_164 = arith.constant 0 : i32
        %dma_start3A_165 = tpu.memref_slice %arg9[%dma_start3A_163, %dma_start3A_164] : memref<10008x128xf32, #tpu.memory_space<vmem_shared>> -> memref<10008x128xf32, #tpu.memory_space<vmem_shared>>
        tpu.enqueue_indirect_dma source(%arg8 : memref<128x128xf32, #tpu.memory_space<vmem>>) target(%dma_start3A_165 : memref<10008x128xf32, #tpu.memory_space<vmem_shared>>) offsets(%dma_start3A_162 : memref<128xi32, #tpu.memory_space<vmem>>) semaphore(%arg13 : memref<!tpu.dma_semaphore, #tpu.memory_space<semaphore_mem>>) {add = true}
      }
      %scan3A_94 = arith.constant 20 : i32
      %dma_wait3A_95 = arith.constant 39 : i32
      %dma_wait3A_96 = arith.constant 0 : i32
      %dma_wait3A_97 = tpu.memref_slice %arg5[%dma_wait3A_95, %dma_wait3A_96] : memref<40x128xi32, #tpu.memory_space<vmem>> -> memref<1x128xi32, #tpu.memory_space<vmem>>
      %dma_wait3A_98 = tpu.memref_squeeze %dma_wait3A_97 : memref<1x128xi32, #tpu.memory_space<vmem>> -> memref<128xi32, #tpu.memory_space<vmem>>
      %dma_wait3A_99 = arith.constant 0 : i32
      %dma_wait3A_100 = arith.constant 0 : i32
      %dma_wait3A_101 = tpu.memref_slice %arg9[%dma_wait3A_99, %dma_wait3A_100] : memref<10008x128xf32, #tpu.memory_space<vmem_shared>> -> memref<10008x128xf32, #tpu.memory_space<vmem_shared>>
      tpu.wait_indirect_dma semaphore(%arg13 : memref<!tpu.dma_semaphore, #tpu.memory_space<semaphore_mem>>) src(%arg8 : memref<128x128xf32, #tpu.memory_space<vmem>>) dst(%dma_wait3A_101 : memref<10008x128xf32, #tpu.memory_space<vmem_shared>>)
    } else {
    }
    %eq3A_60 = arith.constant 15 : i32
    %eq3A_61 = arith.cmpi eq, %arg1, %eq3A_60 : i32
    %convert_element_type3A_62 = arith.extui %eq3A_61 : i1 to i32
    %cond3A_63 = arith.constant 0 : i32
    %cond3A_64 = arith.cmpi ne, %convert_element_type3A_62, %cond3A_63 : i32
    scf.if %cond3A_64 {
      %mul3A_71 = arith.constant 80 : i32
      %mul3A_72 = arith.muli %arg1, %mul3A_71 : i32
      %add3A_73 = arith.constant 40 : i32
      %add3A_74 = arith.addi %mul3A_72, %add3A_73 : i32
      %multiple_of3A_75 = tpu.assume_multiple %add3A_74, 8 : i32
      %run_scoped3A_76 = arith.constant 0 : i32
      "tpu.region"() ({
        %run_scoped3A_102 = tpu.sem_alloc : memref<!tpu.dma_semaphore, #tpu.memory_space<semaphore_mem>>
        %dma_start3A_103 = arith.constant 0 : i32
        %dma_start3A_104 = arith.constant 0 : i32
        %dma_start3A_105 = tpu.memref_slice %arg5[%dma_start3A_103, %dma_start3A_104] : memref<40x128xi32, #tpu.memory_space<vmem>> -> memref<16x128xi32, #tpu.memory_space<vmem>>
        %dma_start3A_106 = arith.constant 0 : i32
        %dma_start3A_107 = tpu.memref_slice %arg3[%run_scoped3A_76, %multiple_of3A_75, %dma_start3A_106] : memref<2x1256x128xi32, #tpu.memory_space<hbm>> -> memref<1x16x128xi32, #tpu.memory_space<hbm>>
        %dma_start3A_108 = tpu.memref_squeeze %dma_start3A_107 : memref<1x16x128xi32, #tpu.memory_space<hbm>> -> memref<16x128xi32, #tpu.memory_space<hbm>>
        %dma_start3A_109 = arith.constant 0 : i32
        %dma_start3A_110 = arith.constant 0 : i32
        %dma_start3A_111 = tpu.memref_slice %arg5[%dma_start3A_109, %dma_start3A_110] : memref<40x128xi32, #tpu.memory_space<vmem>> -> memref<16x128xi32, #tpu.memory_space<vmem>>
        %dma_start3A_112 = arith.constant 0 : i32
        %dma_start3A_113 = tpu.memref_slice %arg3[%run_scoped3A_76, %multiple_of3A_75, %dma_start3A_112] : memref<2x1256x128xi32, #tpu.memory_space<hbm>> -> memref<1x16x128xi32, #tpu.memory_space<hbm>>
        %dma_start3A_114 = tpu.memref_squeeze %dma_start3A_113 : memref<1x16x128xi32, #tpu.memory_space<hbm>> -> memref<16x128xi32, #tpu.memory_space<hbm>>
        tpu.enqueue_dma source(%dma_start3A_114 : memref<16x128xi32, #tpu.memory_space<hbm>>) target(%dma_start3A_111 : memref<16x128xi32, #tpu.memory_space<vmem>>) target_semaphore(%run_scoped3A_102 : memref<!tpu.dma_semaphore, #tpu.memory_space<semaphore_mem>>)
        %dma_wait3A_115 = arith.constant 0 : i32
        %dma_wait3A_116 = arith.constant 0 : i32
        %dma_wait3A_117 = tpu.memref_slice %arg5[%dma_wait3A_115, %dma_wait3A_116] : memref<40x128xi32, #tpu.memory_space<vmem>> -> memref<16x128xi32, #tpu.memory_space<vmem>>
        %dma_wait3A_118 = arith.constant 0 : i32
        %dma_wait3A_119 = tpu.memref_slice %arg3[%run_scoped3A_76, %multiple_of3A_75, %dma_wait3A_118] : memref<2x1256x128xi32, #tpu.memory_space<hbm>> -> memref<1x16x128xi32, #tpu.memory_space<hbm>>
        %dma_wait3A_120 = tpu.memref_squeeze %dma_wait3A_119 : memref<1x16x128xi32, #tpu.memory_space<hbm>> -> memref<16x128xi32, #tpu.memory_space<hbm>>
        %dma_wait3A_121 = arith.constant 0 : i32
        %dma_wait3A_122 = arith.constant 0 : i32
        %dma_wait3A_123 = tpu.memref_slice %arg5[%dma_wait3A_121, %dma_wait3A_122] : memref<40x128xi32, #tpu.memory_space<vmem>> -> memref<16x128xi32, #tpu.memory_space<vmem>>
        %dma_wait3A_124 = arith.constant 0 : i32
        %dma_wait3A_125 = tpu.memref_slice %arg3[%run_scoped3A_76, %multiple_of3A_75, %dma_wait3A_124] : memref<2x1256x128xi32, #tpu.memory_space<hbm>> -> memref<1x16x128xi32, #tpu.memory_space<hbm>>
        %dma_wait3A_126 = tpu.memref_squeeze %dma_wait3A_125 : memref<1x16x128xi32, #tpu.memory_space<hbm>> -> memref<16x128xi32, #tpu.memory_space<hbm>>
        tpu.wait_dma2 semaphore(%run_scoped3A_102 : memref<!tpu.dma_semaphore, #tpu.memory_space<semaphore_mem>>) src(%dma_wait3A_126 : memref<16x128xi32, #tpu.memory_space<hbm>>) dst(%dma_wait3A_123 : memref<16x128xi32, #tpu.memory_space<vmem>>)
        tpu.yield
      }) : () -> ()
      %run_scoped3A_77 = arith.constant 1 : i32
      "tpu.region"() ({
        %run_scoped3A_102 = tpu.sem_alloc : memref<!tpu.dma_semaphore, #tpu.memory_space<semaphore_mem>>
        %dma_start3A_103 = arith.constant 0 : i32
        %dma_start3A_104 = arith.constant 0 : i32
        %dma_start3A_105 = tpu.memref_slice %arg6[%dma_start3A_103, %dma_start3A_104] : memref<40x128xi32, #tpu.memory_space<vmem>> -> memref<16x128xi32, #tpu.memory_space<vmem>>
        %dma_start3A_106 = arith.constant 0 : i32
        %dma_start3A_107 = tpu.memref_slice %arg3[%run_scoped3A_77, %multiple_of3A_75, %dma_start3A_106] : memref<2x1256x128xi32, #tpu.memory_space<hbm>> -> memref<1x16x128xi32, #tpu.memory_space<hbm>>
        %dma_start3A_108 = tpu.memref_squeeze %dma_start3A_107 : memref<1x16x128xi32, #tpu.memory_space<hbm>> -> memref<16x128xi32, #tpu.memory_space<hbm>>
        %dma_start3A_109 = arith.constant 0 : i32
        %dma_start3A_110 = arith.constant 0 : i32
        %dma_start3A_111 = tpu.memref_slice %arg6[%dma_start3A_109, %dma_start3A_110] : memref<40x128xi32, #tpu.memory_space<vmem>> -> memref<16x128xi32, #tpu.memory_space<vmem>>
        %dma_start3A_112 = arith.constant 0 : i32
        %dma_start3A_113 = tpu.memref_slice %arg3[%run_scoped3A_77, %multiple_of3A_75, %dma_start3A_112] : memref<2x1256x128xi32, #tpu.memory_space<hbm>> -> memref<1x16x128xi32, #tpu.memory_space<hbm>>
        %dma_start3A_114 = tpu.memref_squeeze %dma_start3A_113 : memref<1x16x128xi32, #tpu.memory_space<hbm>> -> memref<16x128xi32, #tpu.memory_space<hbm>>
        tpu.enqueue_dma source(%dma_start3A_114 : memref<16x128xi32, #tpu.memory_space<hbm>>) target(%dma_start3A_111 : memref<16x128xi32, #tpu.memory_space<vmem>>) target_semaphore(%run_scoped3A_102 : memref<!tpu.dma_semaphore, #tpu.memory_space<semaphore_mem>>)
        %dma_wait3A_115 = arith.constant 0 : i32
        %dma_wait3A_116 = arith.constant 0 : i32
        %dma_wait3A_117 = tpu.memref_slice %arg6[%dma_wait3A_115, %dma_wait3A_116] : memref<40x128xi32, #tpu.memory_space<vmem>> -> memref<16x128xi32, #tpu.memory_space<vmem>>
        %dma_wait3A_118 = arith.constant 0 : i32
        %dma_wait3A_119 = tpu.memref_slice %arg3[%run_scoped3A_77, %multiple_of3A_75, %dma_wait3A_118] : memref<2x1256x128xi32, #tpu.memory_space<hbm>> -> memref<1x16x128xi32, #tpu.memory_space<hbm>>
        %dma_wait3A_120 = tpu.memref_squeeze %dma_wait3A_119 : memref<1x16x128xi32, #tpu.memory_space<hbm>> -> memref<16x128xi32, #tpu.memory_space<hbm>>
        %dma_wait3A_121 = arith.constant 0 : i32
        %dma_wait3A_122 = arith.constant 0 : i32
        %dma_wait3A_123 = tpu.memref_slice %arg6[%dma_wait3A_121, %dma_wait3A_122] : memref<40x128xi32, #tpu.memory_space<vmem>> -> memref<16x128xi32, #tpu.memory_space<vmem>>
        %dma_wait3A_124 = arith.constant 0 : i32
        %dma_wait3A_125 = tpu.memref_slice %arg3[%run_scoped3A_77, %multiple_of3A_75, %dma_wait3A_124] : memref<2x1256x128xi32, #tpu.memory_space<hbm>> -> memref<1x16x128xi32, #tpu.memory_space<hbm>>
        %dma_wait3A_126 = tpu.memref_squeeze %dma_wait3A_125 : memref<1x16x128xi32, #tpu.memory_space<hbm>> -> memref<16x128xi32, #tpu.memory_space<hbm>>
        tpu.wait_dma2 semaphore(%run_scoped3A_102 : memref<!tpu.dma_semaphore, #tpu.memory_space<semaphore_mem>>) src(%dma_wait3A_126 : memref<16x128xi32, #tpu.memory_space<hbm>>) dst(%dma_wait3A_123 : memref<16x128xi32, #tpu.memory_space<vmem>>)
        tpu.yield
      }) : () -> ()
      %dma_start3A_78 = arith.constant 0 : i32
      %dma_start3A_79 = arith.constant 0 : i32
      %dma_start3A_80 = tpu.memref_slice %arg6[%dma_start3A_78, %dma_start3A_79] : memref<40x128xi32, #tpu.memory_space<vmem>> -> memref<1x128xi32, #tpu.memory_space<vmem>>
      %dma_start3A_81 = tpu.memref_squeeze %dma_start3A_80 : memref<1x128xi32, #tpu.memory_space<vmem>> -> memref<128xi32, #tpu.memory_space<vmem>>
      %dma_start3A_82 = arith.constant 0 : i32
      %dma_start3A_83 = arith.constant 0 : i32
      %dma_start3A_84 = tpu.memref_slice %arg2[%arg0, %dma_start3A_82, %dma_start3A_83] : memref<2x10000x128xf32, #tpu.memory_space<hbm>> -> memref<1x10000x128xf32, #tpu.memory_space<hbm>>
      %dma_start3A_85 = tpu.memref_squeeze %dma_start3A_84 : memref<1x10000x128xf32, #tpu.memory_space<hbm>> -> memref<10000x128xf32, #tpu.memory_space<hbm>>
      %dma_start3A_86 = arith.constant 0 : i32
      %dma_start3A_87 = arith.constant 0 : i32
      %dma_start3A_88 = tpu.memref_slice %dma_start3A_85[%dma_start3A_86, %dma_start3A_87] : memref<10000x128xf32, #tpu.memory_space<hbm>> -> memref<10000x128xf32, #tpu.memory_space<hbm>>
      tpu.enqueue_indirect_dma source(%dma_start3A_88 : memref<10000x128xf32, #tpu.memory_space<hbm>>) target(%arg7 : memref<128x128xf32, #tpu.memory_space<vmem>>) offsets(%dma_start3A_81 : memref<128xi32, #tpu.memory_space<vmem>>) semaphore(%arg10 : memref<!tpu.dma_semaphore, #tpu.memory_space<semaphore_mem>>)
      %scan3A_89 = arith.constant 0 : i32
      %scan3A_90 = arith.constant 0 : i32
      %scan3A_91 = arith.constant 8 : i32
      %scan3A_92 = arith.addi %scan3A_90, %scan3A_91 : i32
      %scan3A_93 = arith.constant 1 : i32
      scf.for %scan3A_102 = %scan3A_90 to %scan3A_92 step %scan3A_93  : i32 {
        %mul3A_103 = arith.constant 2 : i32
        %mul3A_104 = arith.muli %mul3A_103, %scan3A_102 : i32
        %mul3A_105 = arith.constant 2 : i32
        %mul3A_106 = arith.muli %mul3A_105, %scan3A_102 : i32
        %add3A_107 = arith.constant 1 : i32
        %add3A_108 = arith.addi %mul3A_106, %add3A_107 : i32
        %gt3A = arith.constant 0 : i32
        %gt3A_109 = arith.cmpi sgt, %scan3A_102, %gt3A : i32
        %convert_element_type3A_110 = arith.extui %gt3A_109 : i1 to i32
        %cond3A_111 = arith.constant 0 : i32
        %cond3A_112 = arith.cmpi ne, %convert_element_type3A_110, %cond3A_111 : i32
        scf.if %cond3A_112 {
          %dma_wait3A_166 = arith.constant 0 : i32
          %dma_wait3A_167 = tpu.memref_slice %arg5[%add3A_108, %dma_wait3A_166] : memref<40x128xi32, #tpu.memory_space<vmem>> -> memref<1x128xi32, #tpu.memory_space<vmem>>
          %dma_wait3A_168 = tpu.memref_squeeze %dma_wait3A_167 : memref<1x128xi32, #tpu.memory_space<vmem>> -> memref<128xi32, #tpu.memory_space<vmem>>
          %dma_wait3A_169 = arith.constant 0 : i32
          %dma_wait3A_170 = arith.constant 0 : i32
          %dma_wait3A_171 = tpu.memref_slice %arg9[%dma_wait3A_169, %dma_wait3A_170] : memref<10008x128xf32, #tpu.memory_space<vmem_shared>> -> memref<10008x128xf32, #tpu.memory_space<vmem_shared>>
          tpu.wait_indirect_dma semaphore(%arg13 : memref<!tpu.dma_semaphore, #tpu.memory_space<semaphore_mem>>) src(%arg8 : memref<128x128xf32, #tpu.memory_space<vmem>>) dst(%dma_wait3A_171 : memref<10008x128xf32, #tpu.memory_space<vmem_shared>>)
        } else {
        }
        %dma_start3A_113 = arith.constant 0 : i32
        %dma_start3A_114 = tpu.memref_slice %arg6[%add3A_108, %dma_start3A_113] : memref<40x128xi32, #tpu.memory_space<vmem>> -> memref<1x128xi32, #tpu.memory_space<vmem>>
        %dma_start3A_115 = tpu.memref_squeeze %dma_start3A_114 : memref<1x128xi32, #tpu.memory_space<vmem>> -> memref<128xi32, #tpu.memory_space<vmem>>
        %dma_start3A_116 = arith.constant 0 : i32
        %dma_start3A_117 = arith.constant 0 : i32
        %dma_start3A_118 = tpu.memref_slice %arg2[%arg0, %dma_start3A_116, %dma_start3A_117] : memref<2x10000x128xf32, #tpu.memory_space<hbm>> -> memref<1x10000x128xf32, #tpu.memory_space<hbm>>
        %dma_start3A_119 = tpu.memref_squeeze %dma_start3A_118 : memref<1x10000x128xf32, #tpu.memory_space<hbm>> -> memref<10000x128xf32, #tpu.memory_space<hbm>>
        %dma_start3A_120 = arith.constant 0 : i32
        %dma_start3A_121 = arith.constant 0 : i32
        %dma_start3A_122 = tpu.memref_slice %dma_start3A_119[%dma_start3A_120, %dma_start3A_121] : memref<10000x128xf32, #tpu.memory_space<hbm>> -> memref<10000x128xf32, #tpu.memory_space<hbm>>
        tpu.enqueue_indirect_dma source(%dma_start3A_122 : memref<10000x128xf32, #tpu.memory_space<hbm>>) target(%arg8 : memref<128x128xf32, #tpu.memory_space<vmem>>) offsets(%dma_start3A_115 : memref<128xi32, #tpu.memory_space<vmem>>) semaphore(%arg11 : memref<!tpu.dma_semaphore, #tpu.memory_space<semaphore_mem>>)
        %dma_wait3A_123 = arith.constant 0 : i32
        %dma_wait3A_124 = tpu.memref_slice %arg6[%mul3A_104, %dma_wait3A_123] : memref<40x128xi32, #tpu.memory_space<vmem>> -> memref<1x128xi32, #tpu.memory_space<vmem>>
        %dma_wait3A_125 = tpu.memref_squeeze %dma_wait3A_124 : memref<1x128xi32, #tpu.memory_space<vmem>> -> memref<128xi32, #tpu.memory_space<vmem>>
        %dma_wait3A_126 = arith.constant 0 : i32
        %dma_wait3A_127 = arith.constant 0 : i32
        %dma_wait3A_128 = tpu.memref_slice %arg2[%arg0, %dma_wait3A_126, %dma_wait3A_127] : memref<2x10000x128xf32, #tpu.memory_space<hbm>> -> memref<1x10000x128xf32, #tpu.memory_space<hbm>>
        %dma_wait3A_129 = tpu.memref_squeeze %dma_wait3A_128 : memref<1x10000x128xf32, #tpu.memory_space<hbm>> -> memref<10000x128xf32, #tpu.memory_space<hbm>>
        %dma_wait3A_130 = arith.constant 0 : i32
        %dma_wait3A_131 = arith.constant 0 : i32
        %dma_wait3A_132 = tpu.memref_slice %dma_wait3A_129[%dma_wait3A_130, %dma_wait3A_131] : memref<10000x128xf32, #tpu.memory_space<hbm>> -> memref<10000x128xf32, #tpu.memory_space<hbm>>
        tpu.wait_indirect_dma semaphore(%arg10 : memref<!tpu.dma_semaphore, #tpu.memory_space<semaphore_mem>>) src(%dma_wait3A_132 : memref<10000x128xf32, #tpu.memory_space<hbm>>) dst(%arg7 : memref<128x128xf32, #tpu.memory_space<vmem>>)
        %dma_start3A_133 = arith.constant 0 : i32
        %dma_start3A_134 = tpu.memref_slice %arg5[%mul3A_104, %dma_start3A_133] : memref<40x128xi32, #tpu.memory_space<vmem>> -> memref<1x128xi32, #tpu.memory_space<vmem>>
        %dma_start3A_135 = tpu.memref_squeeze %dma_start3A_134 : memref<1x128xi32, #tpu.memory_space<vmem>> -> memref<128xi32, #tpu.memory_space<vmem>>
        %dma_start3A_136 = arith.constant 0 : i32
        %dma_start3A_137 = arith.constant 0 : i32
        %dma_start3A_138 = tpu.memref_slice %arg9[%dma_start3A_136, %dma_start3A_137] : memref<10008x128xf32, #tpu.memory_space<vmem_shared>> -> memref<10008x128xf32, #tpu.memory_space<vmem_shared>>
        tpu.enqueue_indirect_dma source(%arg7 : memref<128x128xf32, #tpu.memory_space<vmem>>) target(%dma_start3A_138 : memref<10008x128xf32, #tpu.memory_space<vmem_shared>>) offsets(%dma_start3A_135 : memref<128xi32, #tpu.memory_space<vmem>>) semaphore(%arg12 : memref<!tpu.dma_semaphore, #tpu.memory_space<semaphore_mem>>) {add = true}
        %dma_wait3A_139 = arith.constant 0 : i32
        %dma_wait3A_140 = tpu.memref_slice %arg5[%mul3A_104, %dma_wait3A_139] : memref<40x128xi32, #tpu.memory_space<vmem>> -> memref<1x128xi32, #tpu.memory_space<vmem>>
        %dma_wait3A_141 = tpu.memref_squeeze %dma_wait3A_140 : memref<1x128xi32, #tpu.memory_space<vmem>> -> memref<128xi32, #tpu.memory_space<vmem>>
        %dma_wait3A_142 = arith.constant 0 : i32
        %dma_wait3A_143 = arith.constant 0 : i32
        %dma_wait3A_144 = tpu.memref_slice %arg9[%dma_wait3A_142, %dma_wait3A_143] : memref<10008x128xf32, #tpu.memory_space<vmem_shared>> -> memref<10008x128xf32, #tpu.memory_space<vmem_shared>>
        tpu.wait_indirect_dma semaphore(%arg12 : memref<!tpu.dma_semaphore, #tpu.memory_space<semaphore_mem>>) src(%arg7 : memref<128x128xf32, #tpu.memory_space<vmem>>) dst(%dma_wait3A_144 : memref<10008x128xf32, #tpu.memory_space<vmem_shared>>)
        %lt3A_145 = arith.constant 7 : i32
        %lt3A_146 = arith.cmpi slt, %scan3A_102, %lt3A_145 : i32
        %convert_element_type3A_147 = arith.extui %lt3A_146 : i1 to i32
        %cond3A_148 = arith.constant 0 : i32
        %cond3A_149 = arith.cmpi ne, %convert_element_type3A_147, %cond3A_148 : i32
        scf.if %cond3A_149 {
          %add3A_166 = arith.constant 2 : i32
          %add3A_167 = arith.addi %mul3A_104, %add3A_166 : i32
          %dma_start3A_168 = arith.constant 0 : i32
          %dma_start3A_169 = tpu.memref_slice %arg6[%add3A_167, %dma_start3A_168] : memref<40x128xi32, #tpu.memory_space<vmem>> -> memref<1x128xi32, #tpu.memory_space<vmem>>
          %dma_start3A_170 = tpu.memref_squeeze %dma_start3A_169 : memref<1x128xi32, #tpu.memory_space<vmem>> -> memref<128xi32, #tpu.memory_space<vmem>>
          %dma_start3A_171 = arith.constant 0 : i32
          %dma_start3A_172 = arith.constant 0 : i32
          %dma_start3A_173 = tpu.memref_slice %arg2[%arg0, %dma_start3A_171, %dma_start3A_172] : memref<2x10000x128xf32, #tpu.memory_space<hbm>> -> memref<1x10000x128xf32, #tpu.memory_space<hbm>>
          %dma_start3A_174 = tpu.memref_squeeze %dma_start3A_173 : memref<1x10000x128xf32, #tpu.memory_space<hbm>> -> memref<10000x128xf32, #tpu.memory_space<hbm>>
          %dma_start3A_175 = arith.constant 0 : i32
          %dma_start3A_176 = arith.constant 0 : i32
          %dma_start3A_177 = tpu.memref_slice %dma_start3A_174[%dma_start3A_175, %dma_start3A_176] : memref<10000x128xf32, #tpu.memory_space<hbm>> -> memref<10000x128xf32, #tpu.memory_space<hbm>>
          tpu.enqueue_indirect_dma source(%dma_start3A_177 : memref<10000x128xf32, #tpu.memory_space<hbm>>) target(%arg7 : memref<128x128xf32, #tpu.memory_space<vmem>>) offsets(%dma_start3A_170 : memref<128xi32, #tpu.memory_space<vmem>>) semaphore(%arg10 : memref<!tpu.dma_semaphore, #tpu.memory_space<semaphore_mem>>)
        } else {
        }
        %dma_wait3A_150 = arith.constant 0 : i32
        %dma_wait3A_151 = tpu.memref_slice %arg6[%add3A_108, %dma_wait3A_150] : memref<40x128xi32, #tpu.memory_space<vmem>> -> memref<1x128xi32, #tpu.memory_space<vmem>>
        %dma_wait3A_152 = tpu.memref_squeeze %dma_wait3A_151 : memref<1x128xi32, #tpu.memory_space<vmem>> -> memref<128xi32, #tpu.memory_space<vmem>>
        %dma_wait3A_153 = arith.constant 0 : i32
        %dma_wait3A_154 = arith.constant 0 : i32
        %dma_wait3A_155 = tpu.memref_slice %arg2[%arg0, %dma_wait3A_153, %dma_wait3A_154] : memref<2x10000x128xf32, #tpu.memory_space<hbm>> -> memref<1x10000x128xf32, #tpu.memory_space<hbm>>
        %dma_wait3A_156 = tpu.memref_squeeze %dma_wait3A_155 : memref<1x10000x128xf32, #tpu.memory_space<hbm>> -> memref<10000x128xf32, #tpu.memory_space<hbm>>
        %dma_wait3A_157 = arith.constant 0 : i32
        %dma_wait3A_158 = arith.constant 0 : i32
        %dma_wait3A_159 = tpu.memref_slice %dma_wait3A_156[%dma_wait3A_157, %dma_wait3A_158] : memref<10000x128xf32, #tpu.memory_space<hbm>> -> memref<10000x128xf32, #tpu.memory_space<hbm>>
        tpu.wait_indirect_dma semaphore(%arg11 : memref<!tpu.dma_semaphore, #tpu.memory_space<semaphore_mem>>) src(%dma_wait3A_159 : memref<10000x128xf32, #tpu.memory_space<hbm>>) dst(%arg8 : memref<128x128xf32, #tpu.memory_space<vmem>>)
        %dma_start3A_160 = arith.constant 0 : i32
        %dma_start3A_161 = tpu.memref_slice %arg5[%add3A_108, %dma_start3A_160] : memref<40x128xi32, #tpu.memory_space<vmem>> -> memref<1x128xi32, #tpu.memory_space<vmem>>
        %dma_start3A_162 = tpu.memref_squeeze %dma_start3A_161 : memref<1x128xi32, #tpu.memory_space<vmem>> -> memref<128xi32, #tpu.memory_space<vmem>>
        %dma_start3A_163 = arith.constant 0 : i32
        %dma_start3A_164 = arith.constant 0 : i32
        %dma_start3A_165 = tpu.memref_slice %arg9[%dma_start3A_163, %dma_start3A_164] : memref<10008x128xf32, #tpu.memory_space<vmem_shared>> -> memref<10008x128xf32, #tpu.memory_space<vmem_shared>>
        tpu.enqueue_indirect_dma source(%arg8 : memref<128x128xf32, #tpu.memory_space<vmem>>) target(%dma_start3A_165 : memref<10008x128xf32, #tpu.memory_space<vmem_shared>>) offsets(%dma_start3A_162 : memref<128xi32, #tpu.memory_space<vmem>>) semaphore(%arg13 : memref<!tpu.dma_semaphore, #tpu.memory_space<semaphore_mem>>) {add = true}
      }
      %scan3A_94 = arith.constant 8 : i32
      %dma_wait3A_95 = arith.constant 15 : i32
      %dma_wait3A_96 = arith.constant 0 : i32
      %dma_wait3A_97 = tpu.memref_slice %arg5[%dma_wait3A_95, %dma_wait3A_96] : memref<40x128xi32, #tpu.memory_space<vmem>> -> memref<1x128xi32, #tpu.memory_space<vmem>>
      %dma_wait3A_98 = tpu.memref_squeeze %dma_wait3A_97 : memref<1x128xi32, #tpu.memory_space<vmem>> -> memref<128xi32, #tpu.memory_space<vmem>>
      %dma_wait3A_99 = arith.constant 0 : i32
      %dma_wait3A_100 = arith.constant 0 : i32
      %dma_wait3A_101 = tpu.memref_slice %arg9[%dma_wait3A_99, %dma_wait3A_100] : memref<10008x128xf32, #tpu.memory_space<vmem_shared>> -> memref<10008x128xf32, #tpu.memory_space<vmem_shared>>
      tpu.wait_indirect_dma semaphore(%arg13 : memref<!tpu.dma_semaphore, #tpu.memory_space<semaphore_mem>>) src(%arg8 : memref<128x128xf32, #tpu.memory_space<vmem>>) dst(%dma_wait3A_101 : memref<10008x128xf32, #tpu.memory_space<vmem_shared>>)
    } else {
    }
    %barrier3A_65 = arith.constant 0 : index
    tpu.barrier barrier_id(%barrier3A_65)
    "tpu.region"() ({
      %run_scoped3A_71 = tpu.sem_alloc : memref<!tpu.dma_semaphore, #tpu.memory_space<semaphore_mem>>
      %dma_start3A_72 = arith.constant 0 : i32
      %dma_start3A_73 = tpu.memref_slice %arg4[%arg0, %mul3A_19, %dma_start3A_72] : memref<2x10000x128xf32, #tpu.memory_space<hbm>> -> memref<1x624x128xf32, #tpu.memory_space<hbm>>
      %dma_start3A_74 = tpu.memref_squeeze %dma_start3A_73 : memref<1x624x128xf32, #tpu.memory_space<hbm>> -> memref<624x128xf32, #tpu.memory_space<hbm>>
      %dma_start3A_75 = arith.constant 0 : i32
      %dma_start3A_76 = tpu.memref_slice %arg9[%mul3A_19, %dma_start3A_75] : memref<10008x128xf32, #tpu.memory_space<vmem_shared>> -> memref<624x128xf32, #tpu.memory_space<vmem_shared>>
      tpu.enqueue_dma source(%dma_start3A_76 : memref<624x128xf32, #tpu.memory_space<vmem_shared>>) target(%dma_start3A_74 : memref<624x128xf32, #tpu.memory_space<hbm>>) target_semaphore(%run_scoped3A_71 : memref<!tpu.dma_semaphore, #tpu.memory_space<semaphore_mem>>)
      %dma_wait3A_77 = arith.constant 0 : i32
      %dma_wait3A_78 = tpu.memref_slice %arg4[%arg0, %mul3A_19, %dma_wait3A_77] : memref<2x10000x128xf32, #tpu.memory_space<hbm>> -> memref<1x624x128xf32, #tpu.memory_space<hbm>>
      %dma_wait3A_79 = tpu.memref_squeeze %dma_wait3A_78 : memref<1x624x128xf32, #tpu.memory_space<hbm>> -> memref<624x128xf32, #tpu.memory_space<hbm>>
      %dma_wait3A_80 = arith.constant 0 : i32
      %dma_wait3A_81 = tpu.memref_slice %arg9[%mul3A_19, %dma_wait3A_80] : memref<10008x128xf32, #tpu.memory_space<vmem_shared>> -> memref<624x128xf32, #tpu.memory_space<vmem_shared>>
      tpu.wait_dma2 semaphore(%run_scoped3A_71 : memref<!tpu.dma_semaphore, #tpu.memory_space<semaphore_mem>>) src(%dma_wait3A_81 : memref<624x128xf32, #tpu.memory_space<vmem_shared>>) dst(%dma_wait3A_79 : memref<624x128xf32, #tpu.memory_space<hbm>>)
      tpu.yield
    }) : () -> ()
    %eq3A_66 = arith.constant 15 : i32
    %eq3A_67 = arith.cmpi eq, %arg1, %eq3A_66 : i32
    %convert_element_type3A_68 = arith.extui %eq3A_67 : i1 to i32
    %cond3A_69 = arith.constant 0 : i32
    %cond3A_70 = arith.cmpi ne, %convert_element_type3A_68, %cond3A_69 : i32
    scf.if %cond3A_70 {
      "tpu.region"() ({
        %run_scoped3A_71 = tpu.sem_alloc : memref<!tpu.dma_semaphore, #tpu.memory_space<semaphore_mem>>
        %dma_start3A_72 = arith.constant 9984 : i32
        %dma_start3A_73 = arith.constant 0 : i32
        %dma_start3A_74 = tpu.memref_slice %arg4[%arg0, %dma_start3A_72, %dma_start3A_73] : memref<2x10000x128xf32, #tpu.memory_space<hbm>> -> memref<1x16x128xf32, #tpu.memory_space<hbm>>
        %dma_start3A_75 = tpu.memref_squeeze %dma_start3A_74 : memref<1x16x128xf32, #tpu.memory_space<hbm>> -> memref<16x128xf32, #tpu.memory_space<hbm>>
        %dma_start3A_76 = arith.constant 9984 : i32
        %dma_start3A_77 = arith.constant 0 : i32
        %dma_start3A_78 = tpu.memref_slice %arg9[%dma_start3A_76, %dma_start3A_77] : memref<10008x128xf32, #tpu.memory_space<vmem_shared>> -> memref<16x128xf32, #tpu.memory_space<vmem_shared>>
        tpu.enqueue_dma source(%dma_start3A_78 : memref<16x128xf32, #tpu.memory_space<vmem_shared>>) target(%dma_start3A_75 : memref<16x128xf32, #tpu.memory_space<hbm>>) target_semaphore(%run_scoped3A_71 : memref<!tpu.dma_semaphore, #tpu.memory_space<semaphore_mem>>)
        %dma_wait3A_79 = arith.constant 9984 : i32
        %dma_wait3A_80 = arith.constant 0 : i32
        %dma_wait3A_81 = tpu.memref_slice %arg4[%arg0, %dma_wait3A_79, %dma_wait3A_80] : memref<2x10000x128xf32, #tpu.memory_space<hbm>> -> memref<1x16x128xf32, #tpu.memory_space<hbm>>
        %dma_wait3A_82 = tpu.memref_squeeze %dma_wait3A_81 : memref<1x16x128xf32, #tpu.memory_space<hbm>> -> memref<16x128xf32, #tpu.memory_space<hbm>>
        %dma_wait3A_83 = arith.constant 9984 : i32
        %dma_wait3A_84 = arith.constant 0 : i32
        %dma_wait3A_85 = tpu.memref_slice %arg9[%dma_wait3A_83, %dma_wait3A_84] : memref<10008x128xf32, #tpu.memory_space<vmem_shared>> -> memref<16x128xf32, #tpu.memory_space<vmem_shared>>
        tpu.wait_dma2 semaphore(%run_scoped3A_71 : memref<!tpu.dma_semaphore, #tpu.memory_space<semaphore_mem>>) src(%dma_wait3A_85 : memref<16x128xf32, #tpu.memory_space<vmem_shared>>) dst(%dma_wait3A_82 : memref<16x128xf32, #tpu.memory_space<hbm>>)
        tpu.yield
      }) : () -> ()
    } else {
    }
    return
  }
}

module attributes {stable_mosaic.version = 14 : i64} {
  func.func @_logmap_body(%arg0: i32, %arg1: memref<2000x256xf32, #tpu.memory_space<vmem>>, %arg2: memref<2x2000x128xf32, #tpu.memory_space<vmem>>) attributes {dimension_semantics = [#tpu.dimension_semantics<arbitrary>], iteration_bounds = array<i64: 5>, scalar_prefetch = 0 : i64, scratch_operands = 0 : i64, tpu.core_type = #tpu.core_type<tc>, window_params = [{transform_indices = @transform_0, window_bounds = array<i64: 2000, 256>}, {transform_indices = @transform_1, window_bounds = array<i64: 2, 2000, 128>}]} {
    %get3A = arith.constant 0 : index
    %get3A_0 = arith.constant 0 : index
    %get3A_1 = vector.load %arg1[%get3A, %get3A_0] : memref<2000x256xf32, #tpu.memory_space<vmem>>, vector<2000x256xf32>
    %mul3A = arith.mulf %get3A_1, %get3A_1 : vector<2000x256xf32>
    %reduce_sum3A = arith.constant dense<0.000000e+00> : vector<2000xf32>
    %reduce_sum3A_2 = vector.multi_reduction <add>, %mul3A, %reduce_sum3A [1] : vector<2000x256xf32> to vector<2000xf32>
    %broadcast_in_dim3A = vector.shape_cast %reduce_sum3A_2 : vector<2000xf32> to vector<2000x1xf32>
    %sqrt3A = math.sqrt %broadcast_in_dim3A : vector<2000x1xf32>
    %max3A = arith.constant 1.000000e-15 : f32
    %max3A_3 = vector.broadcast %max3A : f32 to vector<2000x1xf32>
    %max3A_4 = arith.maximumf %sqrt3A, %max3A_3 : vector<2000x1xf32>
    %jit3A = arith.constant -0.99999988 : f32
    %jit3A_5 = arith.constant 0.99999988 : f32
    %max3A_6 = vector.broadcast %jit3A : f32 to vector<2000x1xf32>
    %max3A_7 = arith.maximumf %max3A_6, %max3A_4 : vector<2000x1xf32>
    %min3A = vector.broadcast %jit3A_5 : f32 to vector<2000x1xf32>
    %min3A_8 = arith.minimumf %min3A, %max3A_7 : vector<2000x1xf32>
    %log1p3A = math.log1p %min3A_8 : vector<2000x1xf32>
    %neg3A = arith.constant 0.000000e+00 : f32
    %neg3A_9 = vector.broadcast %neg3A : f32 to vector<2000x1xf32>
    %neg3A_10 = arith.subf %neg3A_9, %min3A_8 : vector<2000x1xf32>
    %log1p3A_11 = math.log1p %neg3A_10 : vector<2000x1xf32>
    %sub3A = arith.subf %log1p3A, %log1p3A_11 : vector<2000x1xf32>
    %mul3A_12 = arith.constant 5.000000e-01 : f32
    %mul3A_13 = vector.broadcast %mul3A_12 : f32 to vector<2000x1xf32>
    %mul3A_14 = arith.mulf %mul3A_13, %sub3A : vector<2000x1xf32>
    %div3A = arith.divf %mul3A_14, %max3A_4 : vector<2000x1xf32>
    %mul3A_15 = vector.broadcast %div3A : vector<2000x1xf32> to vector<2000x256xf32>
    %mul3A_16 = arith.mulf %get3A_1, %mul3A_15 : vector<2000x256xf32>
    %slice3A = vector.extract_strided_slice %mul3A_16 {offsets = [0, 0], sizes = [2000, 128], strides = [1, 1]} : vector<2000x256xf32> to vector<2000x128xf32>
    %swap3A = arith.constant 0 : index
    %swap3A_17 = arith.constant 0 : index
    %swap3A_18 = arith.constant 0 : index
    %swap3A_19 = vector.load %arg2[%swap3A, %swap3A_17, %swap3A_18] : memref<2x2000x128xf32, #tpu.memory_space<vmem>>, vector<1x2000x128xf32>
    %swap3A_20 = vector.shape_cast %swap3A_19 : vector<1x2000x128xf32> to vector<2000x128xf32>
    %swap3A_21 = vector.shape_cast %slice3A : vector<2000x128xf32> to vector<1x2000x128xf32>
    tpu.vector_store %arg2[%swap3A, %swap3A_17, %swap3A_18], %swap3A_21 {strides = array<i32>} : memref<2x2000x128xf32, #tpu.memory_space<vmem>>, vector<1x2000x128xf32>,
    %slice3A_22 = vector.extract_strided_slice %mul3A_16 {offsets = [0, 128], sizes = [2000, 128], strides = [1, 1]} : vector<2000x256xf32> to vector<2000x128xf32>
    %swap3A_23 = arith.constant 1 : index
    %swap3A_24 = arith.constant 0 : index
    %swap3A_25 = arith.constant 0 : index
    %swap3A_26 = vector.load %arg2[%swap3A_23, %swap3A_24, %swap3A_25] : memref<2x2000x128xf32, #tpu.memory_space<vmem>>, vector<1x2000x128xf32>
    %swap3A_27 = vector.shape_cast %swap3A_26 : vector<1x2000x128xf32> to vector<2000x128xf32>
    %swap3A_28 = vector.shape_cast %slice3A_22 : vector<2000x128xf32> to vector<1x2000x128xf32>
    tpu.vector_store %arg2[%swap3A_23, %swap3A_24, %swap3A_25], %swap3A_28 {strides = array<i32>} : memref<2x2000x128xf32, #tpu.memory_space<vmem>>, vector<1x2000x128xf32>,
    return
  }
  func.func @transform_0(%arg0: i32) -> (i32, i32) {
    %c0_i32 = arith.constant 0 : i32
    %c0_i32_0 = arith.constant 0 : i32
    return %arg0, %c0_i32 : i32, i32
  }
  func.func @transform_1(%arg0: i32) -> (i32, i32, i32) {
    %c0_i32 = arith.constant 0 : i32
    %c0_i32_0 = arith.constant 0 : i32
    %c0_i32_1 = arith.constant 0 : i32
    return %c0_i32, %arg0, %c0_i32_0 : i32, i32, i32
  }
}

module attributes {stable_mosaic.version = 14 : i64} {
  func.func @_expmap_body(%arg0: i32, %arg1: memref<2x2000x128xf32, #tpu.memory_space<vmem>>, %arg2: memref<2000x256xf32, #tpu.memory_space<vmem>>) attributes {dimension_semantics = [#tpu.dimension_semantics<arbitrary>], iteration_bounds = array<i64: 5>, scalar_prefetch = 0 : i64, scratch_operands = 0 : i64, tpu.core_type = #tpu.core_type<tc>, window_params = [{transform_indices = @transform_0, window_bounds = array<i64: 2, 2000, 128>}, {transform_indices = @transform_1, window_bounds = array<i64: 2000, 256>}]} {
    %get3A = arith.constant 0 : index
    %get3A_0 = arith.constant 0 : index
    %get3A_1 = arith.constant 0 : index
    %get3A_2 = vector.load %arg1[%get3A, %get3A_0, %get3A_1] : memref<2x2000x128xf32, #tpu.memory_space<vmem>>, vector<1x2000x128xf32>
    %get3A_3 = vector.shape_cast %get3A_2 : vector<1x2000x128xf32> to vector<2000x128xf32>
    %get3A_4 = arith.constant 1 : index
    %get3A_5 = arith.constant 0 : index
    %get3A_6 = arith.constant 0 : index
    %get3A_7 = vector.load %arg1[%get3A_4, %get3A_5, %get3A_6] : memref<2x2000x128xf32, #tpu.memory_space<vmem>>, vector<1x2000x128xf32>
    %get3A_8 = vector.shape_cast %get3A_7 : vector<1x2000x128xf32> to vector<2000x128xf32>
    %mul3A = arith.mulf %get3A_3, %get3A_3 : vector<2000x128xf32>
    %reduce_sum3A = arith.constant dense<0.000000e+00> : vector<2000xf32>
    %reduce_sum3A_9 = vector.multi_reduction <add>, %mul3A, %reduce_sum3A [1] : vector<2000x128xf32> to vector<2000xf32>
    %broadcast_in_dim3A = vector.shape_cast %reduce_sum3A_9 : vector<2000xf32> to vector<2000x1xf32>
    %mul3A_10 = arith.mulf %get3A_8, %get3A_8 : vector<2000x128xf32>
    %reduce_sum3A_11 = arith.constant dense<0.000000e+00> : vector<2000xf32>
    %reduce_sum3A_12 = vector.multi_reduction <add>, %mul3A_10, %reduce_sum3A_11 [1] : vector<2000x128xf32> to vector<2000xf32>
    %broadcast_in_dim3A_13 = vector.shape_cast %reduce_sum3A_12 : vector<2000xf32> to vector<2000x1xf32>
    %add3A = arith.addf %broadcast_in_dim3A, %broadcast_in_dim3A_13 : vector<2000x1xf32>
    %sqrt3A = math.sqrt %add3A : vector<2000x1xf32>
    %max3A = arith.constant 1.000000e-15 : f32
    %max3A_14 = vector.broadcast %max3A : f32 to vector<2000x1xf32>
    %max3A_15 = arith.maximumf %sqrt3A, %max3A_14 : vector<2000x1xf32>
    %tanh3A = math.tanh %max3A_15 : vector<2000x1xf32>
    %div3A = arith.divf %tanh3A, %max3A_15 : vector<2000x1xf32>
    %mul3A_16 = vector.broadcast %div3A : vector<2000x1xf32> to vector<2000x128xf32>
    %mul3A_17 = arith.mulf %get3A_3, %mul3A_16 : vector<2000x128xf32>
    %mul3A_18 = vector.broadcast %div3A : vector<2000x1xf32> to vector<2000x128xf32>
    %mul3A_19 = arith.mulf %get3A_8, %mul3A_18 : vector<2000x128xf32>
    %mul3A_20 = arith.mulf %mul3A_17, %mul3A_17 : vector<2000x128xf32>
    %reduce_sum3A_21 = arith.constant dense<0.000000e+00> : vector<2000xf32>
    %reduce_sum3A_22 = vector.multi_reduction <add>, %mul3A_20, %reduce_sum3A_21 [1] : vector<2000x128xf32> to vector<2000xf32>
    %broadcast_in_dim3A_23 = vector.shape_cast %reduce_sum3A_22 : vector<2000xf32> to vector<2000x1xf32>
    %mul3A_24 = arith.mulf %mul3A_19, %mul3A_19 : vector<2000x128xf32>
    %reduce_sum3A_25 = arith.constant dense<0.000000e+00> : vector<2000xf32>
    %reduce_sum3A_26 = vector.multi_reduction <add>, %mul3A_24, %reduce_sum3A_25 [1] : vector<2000x128xf32> to vector<2000xf32>
    %broadcast_in_dim3A_27 = vector.shape_cast %reduce_sum3A_26 : vector<2000xf32> to vector<2000x1xf32>
    %add3A_28 = arith.addf %broadcast_in_dim3A_23, %broadcast_in_dim3A_27 : vector<2000x1xf32>
    %sqrt3A_29 = math.sqrt %add3A_28 : vector<2000x1xf32>
    %max3A_30 = arith.constant 1.000000e-15 : f32
    %max3A_31 = vector.broadcast %max3A_30 : f32 to vector<2000x1xf32>
    %max3A_32 = arith.maximumf %sqrt3A_29, %max3A_31 : vector<2000x1xf32>
    %gt3A = arith.constant 0.995999991 : f32
    %gt3A_33 = vector.broadcast %gt3A : f32 to vector<2000x1xf32>
    %gt3A_34 = arith.cmpf ogt, %max3A_32, %gt3A_33 : vector<2000x1xf32>
    %div3A_35 = arith.constant 0.995999991 : f32
    %div3A_36 = vector.broadcast %div3A_35 : f32 to vector<2000x1xf32>
    %div3A_37 = arith.divf %div3A_36, %max3A_32 : vector<2000x1xf32>
    %jit3A = arith.constant 1.000000e+00 : f32
    %broadcast_in_dim3A_38 = vector.broadcast %jit3A : f32 to vector<2000x1xf32>
    %select_n3A = arith.select %gt3A_34, %div3A_37, %broadcast_in_dim3A_38 : vector<2000x1xi1>, vector<2000x1xf32>
    %mul3A_39 = vector.broadcast %select_n3A : vector<2000x1xf32> to vector<2000x128xf32>
    %mul3A_40 = arith.mulf %mul3A_17, %mul3A_39 : vector<2000x128xf32>
    %swap3A = arith.constant 0 : index
    %swap3A_41 = arith.constant 0 : index
    %swap3A_42 = vector.load %arg2[%swap3A, %swap3A_41] : memref<2000x256xf32, #tpu.memory_space<vmem>>, vector<2000x128xf32>
    tpu.vector_store %arg2[%swap3A, %swap3A_41], %mul3A_40 {strides = array<i32>} : memref<2000x256xf32, #tpu.memory_space<vmem>>, vector<2000x128xf32>,
    %mul3A_43 = vector.broadcast %select_n3A : vector<2000x1xf32> to vector<2000x128xf32>
    %mul3A_44 = arith.mulf %mul3A_19, %mul3A_43 : vector<2000x128xf32>
    %swap3A_45 = arith.constant 0 : index
    %swap3A_46 = arith.constant 128 : index
    %swap3A_47 = vector.load %arg2[%swap3A_45, %swap3A_46] : memref<2000x256xf32, #tpu.memory_space<vmem>>, vector<2000x128xf32>
    tpu.vector_store %arg2[%swap3A_45, %swap3A_46], %mul3A_44 {strides = array<i32>} : memref<2000x256xf32, #tpu.memory_space<vmem>>, vector<2000x128xf32>,
    return
  }
  func.func @transform_0(%arg0: i32) -> (i32, i32, i32) {
    %c0_i32 = arith.constant 0 : i32
    %c0_i32_0 = arith.constant 0 : i32
    %c0_i32_1 = arith.constant 0 : i32
    return %c0_i32, %arg0, %c0_i32_0 : i32, i32, i32
  }
  func.func @transform_1(%arg0: i32) -> (i32, i32) {
    %c0_i32 = arith.constant 0 : i32
    %c0_i32_0 = arith.constant 0 : i32
    return %arg0, %c0_i32 : i32, i32
  }
}

</mosaic_0001>

<sc_bundles>
// kernel: kernel.5.cloned.1.call-start
scs
__scs_entry_jumppad:
0x0: {  	(pc) =	sbr.rel $0x88, $3  }
0x1: {  	(tag) =	ssettag $0x0;
	lr =	simm.s32 $0x1  }
0x2: {  	[smem:$0x3F9F] =	sst lr;
	_ =	strace $0xD0000000  }
0x3: {  	_ = 	snop  }
0x4: {  	_ = 	snop  }
0x5: {  	_ = 	snop  }
0x6: {  	_ = 	snop  }
0x7: {  	_ = 	snop  }
__scs_overlays_trampoline_lowered:
0x8: {  	[smem:$0x3FAE] =	sst s0  }
0x9: {  	[smem:$0x3FAF] =	sst s1  }
0xa: {  	[smem:$0x3FB0] =	sst s2  }
0xb: {  	[smem:$0x3FB1] =	sst s3  }
0xc: {  	[smem:$0x3FB2] =	sst s4  }
0xd: {  	[smem:$0x3FB3] =	sst s5  }
0xe: {  	[smem:$0x3FB4] =	sst s6  }
0xf: {  	[smem:$0x3FB5] =	sst s7  }
0x10: {  	[smem:$0x3FB6] =	sst s8  }
0x11: {  	[smem:$0x3FB7] =	sst s9;
	s0 =	simm.s32 @!p0 $0x0  }
0x12: {  	s1 =	sld [smem:$0x3F9D];
	s0 =	simm.s32 @p0 $0x1  }
0x13: {  	[smem:$0x3FB8] =	sst s0;
	s0 =	simm.s32 @!p1 $0x0  }
0x14: {  	s2 =	sld [smem:$0x3F9C];
	s0 =	simm.s32 @p1 $0x1  }
0x15: {  	[smem:$0x3FB9] =	sst s0;
	s0 =	simm.s32 @!p2 $0x0  }
0x16: {  	s3 =	sld [smem:$0x3FDB];
	s0 =	simm.s32 @p2 $0x1  }
0x17: {  	s4 =	simm.s32 $0x1BF5;
	[smem:$0x3FBB] =	sst s0  }
0x18: {  	s0 =	sld [smem:$0x3F9E];
	_ =	swait.ge [sflag:s4], $0x0  }
0x19: {  	s7 =	sld [smem:$0x3F9F]  }
0x1a: {  	s8 =	sadd.s32 $0xFFFFE003, lr  }
0x1b: {  	s9 =	sadd.s32 $0xFFFFFEF7, lr;
	s5 =	simm.s32 $0xFFFFFFFF;
	p2 =	slt.u32 s8, $0xFFFFF086  }
0x1c: {  	p1 =	slt.u32 s9, $0xF7A;
	s5 =	simm.s32 @!p2 $0x0  }
0x1d: {  	s5 =	simm.s32 @p1 $0x1;
	p0 =	seq.s32 s7, s2  }
0x1e: {  	s7 =	smul.u32 @!p0 $0xF7A, s2;
	p2 =	seq.s32 @!p0 s5, $0x0  }
0x1f: {  	s9 =	smul.u32 $0xF7A, s1;
	s8 =	simm.s32 @!p0 $0x1BF5;
	p2 =	por !p2, p0  }
0x20: {  	[sflag:s8] =	ssyncset.s32 @!p0 $0xFFFFF086;
	s6 =	sadd.s32 @!p0 s3, s7;
	s7 =	simm.s32 @!p0 $0x108  }
0x21: {  	s3 =	sadd.s32 s3, s9;
	s6 =	sadd.s32 @!p0 $0x88, s6;
	s7 =	simm.s32 @p2 $0x1082  }
0x22: {  	[simem:s7], [sflag:s8] =	dma.local @!p0 [hbm:s6], $0xF7A  }
0x23: {  	s9 =	sor.u32 $0xD0000000, s2;
	s6 =	simm.s32 $0x108;
	_ =	swait.ge @!p0 [sflag:s8], $0x0  }
0x24: {  	s3 =	sadd.s32 $0x88, s3;
	s6 =	simm.s32 @!p1 $0x1082;
	[sflag:s4] =	ssyncset.s32 $0xFFFFF086  }
0x25: {  	[simem:s6], [sflag:s4] =	dma.local [hbm:s3], $0xF7A  }
0x26: {  	[smem:$0x3F9F] =	sst s1;
	(tag) =	ssettag s2;
	_ =	strace s9  }
0x27: {  	s1 =	sld [smem:$0x3FAF]  }
0x28: {  	s2 =	sld [smem:$0x3FB0]  }
0x29: {  	s4 =	sld [smem:$0x3FB2]  }
0x2a: {  	p0 =	seq.s32 s5, $0x0;
	s5 =	sld [smem:$0x3FB3]  }
0x2b: {  	s6 =	sld [smem:$0x3FB4]  }
0x2c: {  	s7 =	sld [smem:$0x3FB5]  }
0x2d: {  	s3 =	simm.s32 $0x108;
	s8 =	sld [smem:$0x3FB6]  }
0x2e: {  	s3 =	simm.s32 @!p0 $0x1082;
	s9 =	sld [smem:$0x3FB7]  }
0x2f: {  	lr =	sadd.s32 s0, s3;
	s0 =	sld [smem:$0x3FAE]  }
0x30: {  	s3 =	sld [smem:$0x3FB1]  }
0x31: {  	[smem:$0x3FBA] =	sst s10  }
0x32: {  	s10 =	sld [smem:$0x3FB8];
	_ =	sdelay $0x3  }
0x33: {  	p0 =	seq.s32 s10, $0x1;
	s10 =	sld [smem:$0x3FBA];
	_ =	sdelay $0x3  }
0x34: {  	[smem:$0x3FBA] =	sst s10  }
0x35: {  	s10 =	sld [smem:$0x3FB9];
	_ =	sdelay $0x3  }
0x36: {  	p1 =	seq.s32 s10, $0x1;
	s10 =	sld [smem:$0x3FBA];
	_ =	sdelay $0x3  }
0x37: {  	[smem:$0x3FBA] =	sst s10  }
0x38: {  	s10 =	sld [smem:$0x3FBB]  }
0x39: {  	_ = 	snop;
	(pc) =	sbr.ind lr, $3  }
0x3a: {  	_ = 	snop  }
0x3b: {  	_ = 	snop  }
0x3c: {  	p2 =	seq.s32 s10, $0x1;
	s10 =	sld [smem:$0x3FBA]  }
0x3d: {  	_ =	shalt  }
0x3e: {  	_ =	shalt  }
0x3f: {  	_ =	shalt  }
0x40: {  	_ =	shalt  }
0x41: {  	_ =	shalt  }
0x42: {  	_ =	shalt  }
0x43: {  	_ =	shalt  }
0x44: {  	_ =	shalt  }
0x45: {  	_ =	shalt  }
0x46: {  	_ =	shalt  }
0x47: {  	_ =	shalt  }
0x48: {  	_ =	shalt  }
0x49: {  	_ =	shalt  }
0x4a: {  	_ =	shalt  }
0x4b: {  	_ =	shalt  }
0x4c: {  	_ =	shalt  }
0x4d: {  	_ =	shalt  }
0x4e: {  	_ =	shalt  }
0x4f: {  	_ =	shalt  }
0x50: {  	_ =	shalt  }
0x51: {  	_ =	shalt  }
0x52: {  	_ =	shalt  }
0x53: {  	_ =	shalt  }
0x54: {  	_ =	shalt  }
0x55: {  	_ =	shalt  }
0x56: {  	_ =	shalt  }
0x57: {  	_ =	shalt  }
0x58: {  	_ =	shalt  }
0x59: {  	_ =	shalt  }
0x5a: {  	_ =	shalt  }
0x5b: {  	_ =	shalt  }
0x5c: {  	_ =	shalt  }
0x5d: {  	_ =	shalt  }
0x5e: {  	_ =	shalt  }
0x5f: {  	_ =	shalt  }
0x60: {  	_ =	shalt  }
0x61: {  	_ =	shalt  }
0x62: {  	_ =	shalt  }
0x63: {  	_ =	shalt  }
0x64: {  	_ =	shalt  }
0x65: {  	_ =	shalt  }
0x66: {  	_ =	shalt  }
0x67: {  	_ =	shalt  }
0x68: {  	_ =	shalt  }
0x69: {  	_ =	shalt  }
0x6a: {  	_ =	shalt  }
0x6b: {  	_ =	shalt  }
0x6c: {  	_ =	shalt  }
0x6d: {  	_ =	shalt  }
0x6e: {  	_ =	shalt  }
0x6f: {  	_ =	shalt  }
0x70: {  	_ =	shalt  }
0x71: {  	_ =	shalt  }
0x72: {  	_ =	shalt  }
0x73: {  	_ =	shalt  }
0x74: {  	_ =	shalt  }
0x75: {  	_ =	shalt  }
0x76: {  	_ =	shalt  }
0x77: {  	_ =	shalt  }
0x78: {  	_ =	shalt  }
0x79: {  	_ =	shalt  }
0x7a: {  	_ =	shalt  }
0x7b: {  	_ =	shalt  }
0x7c: {  	_ =	shalt  }
0x7d: {  	_ =	shalt  }
0x7e: {  	_ =	shalt  }
0x7f: {  	_ =	shalt  }
0x80: {  	_ =	shalt  }
0x81: {  	_ =	shalt  }
0x82: {  	_ =	shalt  }
0x83: {  	_ =	shalt  }
0x84: {  	_ =	shalt  }
0x85: {  	_ =	shalt  }
0x86: {  	_ =	shalt  }
0x87: {  	_ =	shalt  }
.Lfunc_end0:
.L_simem_size_0:
called_computation_lowered:
.L_overlay_start_0:
0x88: {  	s2 =	sld [smem:$0x3FD9]  }
0x89: {  	s3 =	sld [smem:$0x3FFE];
	_ =	sdelay $0x1  }
0x8a: {  	s1 =	srdreg.scid  }
0x8b: {  	s0 =	sand.u32 $0x1, s1  }
0x8c: {  	s17 =	sshll.u32 s0, $0xA;
	s2 =	sadd.s32 s3, s2  }
0x8d: {  	s2 =	sadd.s32 s2, s17  }
0x8e: {  	[smem:$0x3FC6] =	sst s2  }
0x8f: {  	_ = 	snop  }
0x90: {  	s2 =	sld [smem:$0x3FD0];
	(tm) =	ssettm $0x1  }
0x91: {  	s18 =	sld [smem:$0x3FFB];
	_ =	sdelay $0x3  }
0x92: {  	_ =	strace s18  }
0x93: {  	s3 =	sld [smem:$0x3FFC];
	_ =	sdelay $0x3  }
0x94: {  	_ =	strace s3  }
0x95: {  	s3 =	sld [smem:$0x3FFD];
	_ =	sdelay $0x3  }
0x96: {  	_ =	strace s3  }
0x97: {  	_ =	strace $0x8FFFFFFF  }
0x98: {  	s19 =	sld [smem:$0x3FDB];
	_ =	sdelay $0x1  }
0x99: {  	s4 =	simm.s32 $_scs_section_size  }
0x9a: {  	s5 =	simm.s32 $_size__tile_overlayer_lowered;
	s6 =	simm.s32 $_tile_overlayer_lowered  }
0x9b: {  	s22 =	simm.s32 $0x1BFF;
	s21 =	sshll.u32 s6, $0x1;
	s3 =	sadd.s32 s4, s19  }
0x9c: {  	s7 =	simm.s32 $0x0;
	s20 =	sshll.u32 s5, $0x1;
	s5 =	sadd.s32 s21, s3  }
0x9d: {  	[timem:s7], [sflag:s22] =	dma.local [hbm:s5], s20  }
0x9e: {  	_ =	swait.ge [sflag:s22], s20  }
0x9f: {  	s4 =	ssub.s32 $0x0, s20;
	[sflag:s22] =	ssyncset.done $0x0  }
0xa0: {  	[sflag:s22] =	ssyncadd.s32 s4;
	_ =	sdelay $0x1  }
0xa1: {  	s23 =	simm.s32 $0x1B8B  }
0xa2: {  	_ =	swait.ge [sflag:s23], $0x1  }
0xa3: {  	[sflag:s23] =	ssyncset.done $0x0  }
0xa4: {  	s25 =	simm.s32 $0x1B8E;
	s24 =	sld [smem:$0x3FFE];
	[sflag:s23] =	ssyncadd.s32 $0xFFFFFFFF  }
0xa5: {  	s26 =	simm.s32 $execute0_lowered;
	[smem:$0x3FD2] =	sst s25  }
0xa6: {  	s5 =	sshll.u32 s26, $0x1;
	_ =	strace $0x80000046;
	[dreg:$0x1] =	wrdreg $0xFFFFFFFF  }
0xa7: {  	s28 =	simm.s32 $_size_execute0_lowered;
	s3 =	sadd.s32 s3, s5;
	[dreg:$0x0] =	wrdreg $0x0  }
0xa8: {  	s5 =	sshll.u32 s28, $0x1;
	[dreg:$0x2] =	wrdreg s3  }
0xa9: {  	[dreg:$0x3] =	wrdreg s5  }
0xaa: {  	[dreg:$0x4] =	wrdreg $0xC0  }
0xab: {  	_ =	task [dreg:s7], $0x5FFFF  }
0xac: {  	[dreg:$0x1] =	wrdreg $0xFFFFFFFF  }
0xad: {  	[dreg:$0x0] =	wrdreg $0x60  }
0xae: {  	[dreg:$0x2] =	wrdreg s2  }
0xaf: {  	[dreg:$0x3] =	wrdreg s24  }
0xb0: {  	[dreg:$0x4] =	wrdreg $0xA8000  }
0xb1: {  	[dreg:$0x5] =	wrdreg $0x9  }
0xb2: {  	_ =	task.clear_ibuf [dreg:s7], $0x6FFFF;
	_ =	strace $0x90000046  }
0xb3: {  	s29 =	simm.s32 $0x9;
	_ =	strace $0x80000048  }
0xb4: {  	_ =	swait.ge [sflag:s29], $0x1  }
0xb5: {  	[sflag:s29] =	ssyncadd.s32 $0xFFFFFFFF  }
0xb6: {  	_ =	strace $0x90000048  }
0xb7: {  	_ =	sfence  }
0xb8: {  	s30 =	sld [smem:$0x0];
	_ =	sdelay $0x2  }
0xb9: {  	s31 =	sshll.u32 s1, $0xD;
	s1 =	sshrl.u32 s1, $0x2  }
0xba: {  	s3 =	sand.u32 $0x4000, s31;
	s1 =	sadd.s32 s1, s30  }
0xbb: {  	s0 =	sor.u32 s3, s0;
	s1 =	sshll.u32 s1, $0x11  }
0xbc: {  	s0 =	sor.u32 s1, s0  }
0xbd: {  	s0 =	sadd.s32 $0x8F2B, s0  }
0xbe: {  	[sflag:s0] =	ssyncadd.remote.s32 $0x1  }
0xbf: {  	_ =	sfence.sel $0xFFFF  }
0xc0: {  	[dreg:$0x0] =	wrdreg $0xFFFFFFFF;
	(pc) =	sbr.abs _section_cstart, $3  }
0xc1: {  	[dreg:$0x1] =	wrdreg $0xFFFFFFFF  }
0xc2: {  	_ =	task.clear_ibuf [dreg:s7], $0x2FFFF;
	_ =	strace $0x9FFFFFFF  }
0xc3: {  	(tm) =	ssettm $0x7FFFFFFF  }
tec
execute0_lowered:
.L_overlay_start_1:
0x0: {  	(tag) =	ssettag $0x1  }
0x1: {  	s0 =	rddreg [dreg:$0x0]  }
0x2: {  	s1 =	rddreg [dreg:$0x1]  }
0x3: {  	s2 =	rddreg [dreg:$0x2];
	s3 =	simm.s32 $0x0  }
0x4: {  	s26 =	stileid.u32;
	s4 =	srdreg.scid;
	s20 =	simm.s32 $0x5  }
0x5: {  	s28 =	simm.s32 $0x3;
	s29 =	simm.s32 $0x1500;
	s30 =	simm.s32 $0x2  }
0x6: {  	s31 =	simm.s32 $0x4;
	[smem:$0x7FF] =	sst s3;
	s5 =	smul.u32 $0x2800, s26  }
0x7: {  	s4 =	sand.u32 $0x1, s4;
	s7 =	smul.u32 $0x4E000, s26;
	s15 =	sadd.s32 $0xA800, s1  }
0x8: {  	s23 =	smul.u32 $0x13800, s26;
	s12 =	sadd.s32 $0x138000, s2;
	s24 =	sadd.s32 $0x5780, s1  }
0x9: {  	p0 =	sne.s32 s26, $0xF;
	p1 =	seq.s32 s26, $0xF;
	s26 =	simm.s32 $0x1  }
0xa: {  	_ =	strace $0x80000047;
	s6 =	ssub.s32 $0x2, s4;
	s13 =	smul.u32 $0x138800, s4  }
0xb: {  	[dreg:$0x6] =	wrdreg s24;
	s24 =	simm.s32 $0x6800;
	s21 =	sshrl.u32 s5, $0x3  }
0xc: {  	s22 =	sshrl.u32 s6, $0x1;
	s7 =	sshrl.u32 s7, $0x2;
	s14 =	sadd.s32 s21, s1  }
0xd: {  	s16 =	ssub.s32 s6, s22;
	s17 =	sshrl.u32 s13, $0x3;
	s7 =	sadd.s32 s7, s2  }
0xe: {  	s1 =	sadd.s32 $0xA600, s1;
	s21 =	simm.s32 $0x1400;
	s22 =	simm.s32 $0x80  }
0xf: {  	s4 =	sadd.s32 $0xA00, s14;
	s5 =	sadd.s32 $0x5880, s14;
	s6 =	sadd.s32 s0, s17  }
0x10: {  	s8 =	sadd.s32 $0x4000, s7;
	s9 =	sadd.s32 $0x8000, s7;
	s10 =	sadd.s32 $0xC000, s7  }
0x11: {  	s11 =	sadd.s32 $0x10000, s7;
	s18 =	sadd.s32 $0xC80, s14;
	s14 =	sadd.s32 $0x5B00, s14  }
.Ltmp0:
0x12: {  	s0 =	sadd.s32 s23, s13;
	[dreg:$0x7] =	wrdreg s1;
	(pc) =	sbr.rel .LBB2_1-.Ltmp0, $4  }
0x13: {  	s25 =	sadd.s32 s15, s17;
	s19 =	smax.u32 s16, $0x1;
	[dreg:$0x4] =	wrdreg s18  }
0x14: {  	s23 =	simm.s32 $0x2800;
	s13 =	simm.s32 $0x1300;
	[dreg:$0x5] =	wrdreg s14  }
0x15: {  	s0 =	sshrl.u32 s0, $0x3;
	s18 =	sadd.s32 $0x27000, s25;
	s25 =	simm.s32 $0x1480  }
0x16: {  	v0 =	vimm.f32 $0.0e+00;
	s14 =	simm.s32 $0x1380;
	s17 =	sadd.s32 s15, s0;
	s15 =	simm.s32 $0x0  }
.LBB2_11:
0x17: {  	s0 =	rddreg [dreg:$0x6]  }
0x18: {  	[tilespmem:s3], [sflag:$0x5] =	stream.linear.gather [hbm4b:s0+s3], $0x800, $0x38;
	[tilespmem:$0x1E0C0] =	vst v63  }
0x19: {  	_ =	swait.ge [sflag:s20], $0x800  }
0x1a: {  	[sflag:s20] =	ssyncset.done $0x0  }
0x1b: {  	s1 =	rddreg [dreg:$0x7];
	[sflag:s20] =	ssyncadd.s32 $0xFFFFF800  }
0x1c: {  	[tilespmem:s21], [sflag:$0x5] =	stream.linear.gather [hbm4b:s1+s3], $0x800, $0x38;
	[tilespmem:$0x1E0C0] =	vst v63  }
0x1d: {  	_ =	swait.ge [sflag:s20], $0x800  }
0x1e: {  	[sflag:s20] =	ssyncset.done $0x0  }
0x1f: {  	[sflag:s20] =	ssyncadd.s32 $0xFFFFF800  }
0x20: {  	[tilespmem:s23], [sflag:$0x1] =	stream.indirect.gather [hbm4b:s6+s22], $0x80, s21, s22, $0xb8;
	[tilespmem:$0x1E0C0] =	vst v63  }
0x21: {  	_ = 	snop  }
0x22: {  	[tilespmem:s24], [sflag:$0x2] =	stream.indirect.gather [hbm4b:s6+s22], $0x80, s25, s22, $0xb8;
	[tilespmem:$0x1E0C0] =	vst v63  }
0x23: {  	_ =	swait.ge [sflag:s26], $0x4000  }
0x24: {  	[sflag:s26] =	ssyncset.done $0x0  }
0x25: {  	[sflag:s26] =	ssyncadd.s32 $0xFFFFC000  }
0x26: {  	[spmem:s2] =	stream.indirect.scatter.add.f32 [tilespmem:s23], [sflag:$0x3], $0x80, s3, s22, $0xb8;
	[tilespmem:$0x1E0C0] =	vst v63  }
0x27: {  	_ =	swait.ge [sflag:s28], $0x4000  }
0x28: {  	[sflag:s28] =	ssyncset.done $0x0  }
0x29: {  	[sflag:s28] =	ssyncadd.s32 $0xFFFFC000  }
0x2a: {  	[tilespmem:s23], [sflag:$0x1] =	stream.indirect.gather [hbm4b:s6+s22], $0x80, s29, s22, $0xb8;
	[tilespmem:$0x1E0C0] =	vst v63  }
0x2b: {  	_ =	swait.ge [sflag:s30], $0x4000  }
0x2c: {  	[sflag:s30] =	ssyncset.done $0x0  }
0x2d: {  	[sflag:s30] =	ssyncadd.s32 $0xFFFFC000  }
0x2e: {  	[spmem:s2] =	stream.indirect.scatter.add.f32 [tilespmem:s24], [sflag:$0x4], $0x80, s22, s22, $0xb8;
	[tilespmem:$0x1E0C0] =	vst v63  }
0x2f: {  	_ =	swait.ge [sflag:s31], $0x4000  }
0x30: {  	[sflag:s31] =	ssyncset.done $0x0  }
0x31: {  	s16 =	simm.s32 $0x1580;
	[sflag:s31] =	ssyncadd.s32 $0xFFFFC000  }
0x32: {  	[tilespmem:s24], [sflag:$0x2] =	stream.indirect.gather [hbm4b:s6+s22], $0x80, s16, s22, $0xb8;
	[tilespmem:$0x1E0C0] =	vst v63  }
0x33: {  	_ =	swait.ge [sflag:s26], $0x4000  }
0x34: {  	[sflag:s26] =	ssyncset.done $0x0  }
0x35: {  	s1 =	simm.s32 $0x100;
	[sflag:s26] =	ssyncadd.s32 $0xFFFFC000  }
0x36: {  	[spmem:s2] =	stream.indirect.scatter.add.f32 [tilespmem:s23], [sflag:$0x3], $0x80, s1, s22, $0xb8;
	[tilespmem:$0x1E0C0] =	vst v63  }
0x37: {  	_ =	swait.ge [sflag:s28], $0x4000  }
0x38: {  	[sflag:s28] =	ssyncset.done $0x0  }
0x39: {  	s16 =	simm.s32 $0x1600;
	[sflag:s28] =	ssyncadd.s32 $0xFFFFC000  }
0x3a: {  	[tilespmem:s23], [sflag:$0x1] =	stream.indirect.gather [hbm4b:s6+s22], $0x80, s16, s22, $0xb8;
	[tilespmem:$0x1E0C0] =	vst v63  }
0x3b: {  	_ =	swait.ge [sflag:s30], $0x4000  }
0x3c: {  	[sflag:s30] =	ssyncset.done $0x0  }
0x3d: {  	s1 =	simm.s32 $0x180;
	[sflag:s30] =	ssyncadd.s32 $0xFFFFC000  }
0x3e: {  	[spmem:s2] =	stream.indirect.scatter.add.f32 [tilespmem:s24], [sflag:$0x4], $0x80, s1, s22, $0xb8;
	[tilespmem:$0x1E0C0] =	vst v63  }
0x3f: {  	_ =	swait.ge [sflag:s31], $0x4000  }
0x40: {  	[sflag:s31] =	ssyncset.done $0x0  }
0x41: {  	s16 =	simm.s32 $0x1680;
	[sflag:s31] =	ssyncadd.s32 $0xFFFFC000  }
0x42: {  	[tilespmem:s24], [sflag:$0x2] =	stream.indirect.gather [hbm4b:s6+s22], $0x80, s16, s22, $0xb8;
	[tilespmem:$0x1E0C0] =	vst v63  }
0x43: {  	_ =	swait.ge [sflag:s26], $0x4000  }
0x44: {  	[sflag:s26] =	ssyncset.done $0x0  }
0x45: {  	s1 =	simm.s32 $0x200;
	[sflag:s26] =	ssyncadd.s32 $0xFFFFC000  }
0x46: {  	[spmem:s2] =	stream.indirect.scatter.add.f32 [tilespmem:s23], [sflag:$0x3], $0x80, s1, s22, $0xb8;
	[tilespmem:$0x1E0C0] =	vst v63  }
0x47: {  	_ =	swait.ge [sflag:s28], $0x4000  }
0x48: {  	[sflag:s28] =	ssyncset.done $0x0  }
0x49: {  	s16 =	simm.s32 $0x1700;
	[sflag:s28] =	ssyncadd.s32 $0xFFFFC000  }
0x4a: {  	[tilespmem:s23], [sflag:$0x1] =	stream.indirect.gather [hbm4b:s6+s22], $0x80, s16, s22, $0xb8;
	[tilespmem:$0x1E0C0] =	vst v63  }
0x4b: {  	_ =	swait.ge [sflag:s30], $0x4000  }
0x4c: {  	[sflag:s30] =	ssyncset.done $0x0  }
0x4d: {  	s1 =	simm.s32 $0x280;
	[sflag:s30] =	ssyncadd.s32 $0xFFFFC000  }
0x4e: {  	[spmem:s2] =	stream.indirect.scatter.add.f32 [tilespmem:s24], [sflag:$0x4], $0x80, s1, s22, $0xb8;
	[tilespmem:$0x1E0C0] =	vst v63  }
0x4f: {  	_ =	swait.ge [sflag:s31], $0x4000  }
0x50: {  	[sflag:s31] =	ssyncset.done $0x0  }
0x51: {  	s16 =	simm.s32 $0x1780;
	[sflag:s31] =	ssyncadd.s32 $0xFFFFC000  }
0x52: {  	[tilespmem:s24], [sflag:$0x2] =	stream.indirect.gather [hbm4b:s6+s22], $0x80, s16, s22, $0xb8;
	[tilespmem:$0x1E0C0] =	vst v63  }
0x53: {  	_ =	swait.ge [sflag:s26], $0x4000  }
0x54: {  	[sflag:s26] =	ssyncset.done $0x0  }
0x55: {  	s1 =	simm.s32 $0x300;
	[sflag:s26] =	ssyncadd.s32 $0xFFFFC000  }
0x56: {  	[spmem:s2] =	stream.indirect.scatter.add.f32 [tilespmem:s23], [sflag:$0x3], $0x80, s1, s22, $0xb8;
	[tilespmem:$0x1E0C0] =	vst v63  }
0x57: {  	_ =	swait.ge [sflag:s28], $0x4000  }
0x58: {  	[sflag:s28] =	ssyncset.done $0x0  }
0x59: {  	s16 =	simm.s32 $0x1800;
	[sflag:s28] =	ssyncadd.s32 $0xFFFFC000  }
0x5a: {  	[tilespmem:s23], [sflag:$0x1] =	stream.indirect.gather [hbm4b:s6+s22], $0x80, s16, s22, $0xb8;
	[tilespmem:$0x1E0C0] =	vst v63  }
0x5b: {  	_ =	swait.ge [sflag:s30], $0x4000  }
0x5c: {  	[sflag:s30] =	ssyncset.done $0x0  }
0x5d: {  	s1 =	simm.s32 $0x380;
	[sflag:s30] =	ssyncadd.s32 $0xFFFFC000  }
0x5e: {  	[spmem:s2] =	stream.indirect.scatter.add.f32 [tilespmem:s24], [sflag:$0x4], $0x80, s1, s22, $0xb8;
	[tilespmem:$0x1E0C0] =	vst v63  }
0x5f: {  	_ =	swait.ge [sflag:s31], $0x4000  }
0x60: {  	[sflag:s31] =	ssyncset.done $0x0  }
0x61: {  	s16 =	simm.s32 $0x1880;
	[sflag:s31] =	ssyncadd.s32 $0xFFFFC000  }
0x62: {  	[tilespmem:s24], [sflag:$0x2] =	stream.indirect.gather [hbm4b:s6+s22], $0x80, s16, s22, $0xb8;
	[tilespmem:$0x1E0C0] =	vst v63  }
0x63: {  	_ =	swait.ge [sflag:s26], $0x4000  }
0x64: {  	[sflag:s26] =	ssyncset.done $0x0  }
0x65: {  	s1 =	simm.s32 $0x400;
	[sflag:s26] =	ssyncadd.s32 $0xFFFFC000  }
0x66: {  	[spmem:s2] =	stream.indirect.scatter.add.f32 [tilespmem:s23], [sflag:$0x3], $0x80, s1, s22, $0xb8;
	[tilespmem:$0x1E0C0] =	vst v63  }
0x67: {  	_ =	swait.ge [sflag:s28], $0x4000  }
0x68: {  	[sflag:s28] =	ssyncset.done $0x0  }
0x69: {  	s16 =	simm.s32 $0x1900;
	[sflag:s28] =	ssyncadd.s32 $0xFFFFC000  }
0x6a: {  	[tilespmem:s23], [sflag:$0x1] =	stream.indirect.gather [hbm4b:s6+s22], $0x80, s16, s22, $0xb8;
	[tilespmem:$0x1E0C0] =	vst v63  }
0x6b: {  	_ =	swait.ge [sflag:s30], $0x4000  }
0x6c: {  	[sflag:s30] =	ssyncset.done $0x0  }
0x6d: {  	s1 =	simm.s32 $0x480;
	[sflag:s30] =	ssyncadd.s32 $0xFFFFC000  }
0x6e: {  	[spmem:s2] =	stream.indirect.scatter.add.f32 [tilespmem:s24], [sflag:$0x4], $0x80, s1, s22, $0xb8;
	[tilespmem:$0x1E0C0] =	vst v63  }
0x6f: {  	_ =	swait.ge [sflag:s31], $0x4000  }
0x70: {  	[sflag:s31] =	ssyncset.done $0x0  }
0x71: {  	s16 =	simm.s32 $0x1980;
	[sflag:s31] =	ssyncadd.s32 $0xFFFFC000  }
0x72: {  	[tilespmem:s24], [sflag:$0x2] =	stream.indirect.gather [hbm4b:s6+s22], $0x80, s16, s22, $0xb8;
	[tilespmem:$0x1E0C0] =	vst v63  }
0x73: {  	_ =	swait.ge [sflag:s26], $0x4000  }
0x74: {  	[sflag:s26] =	ssyncset.done $0x0  }
0x75: {  	s1 =	simm.s32 $0x500;
	[sflag:s26] =	ssyncadd.s32 $0xFFFFC000  }
0x76: {  	[spmem:s2] =	stream.indirect.scatter.add.f32 [tilespmem:s23], [sflag:$0x3], $0x80, s1, s22, $0xb8;
	[tilespmem:$0x1E0C0] =	vst v63  }
0x77: {  	_ =	swait.ge [sflag:s28], $0x4000  }
0x78: {  	[sflag:s28] =	ssyncset.done $0x0  }
0x79: {  	s16 =	simm.s32 $0x1A00;
	[sflag:s28] =	ssyncadd.s32 $0xFFFFC000  }
0x7a: {  	[tilespmem:s23], [sflag:$0x1] =	stream.indirect.gather [hbm4b:s6+s22], $0x80, s16, s22, $0xb8;
	[tilespmem:$0x1E0C0] =	vst v63  }
0x7b: {  	_ =	swait.ge [sflag:s30], $0x4000  }
0x7c: {  	[sflag:s30] =	ssyncset.done $0x0  }
0x7d: {  	s1 =	simm.s32 $0x580;
	[sflag:s30] =	ssyncadd.s32 $0xFFFFC000  }
0x7e: {  	[spmem:s2] =	stream.indirect.scatter.add.f32 [tilespmem:s24], [sflag:$0x4], $0x80, s1, s22, $0xb8;
	[tilespmem:$0x1E0C0] =	vst v63  }
0x7f: {  	_ =	swait.ge [sflag:s31], $0x4000  }
0x80: {  	[sflag:s31] =	ssyncset.done $0x0  }
0x81: {  	s16 =	simm.s32 $0x1A80;
	[sflag:s31] =	ssyncadd.s32 $0xFFFFC000  }
0x82: {  	[tilespmem:s24], [sflag:$0x2] =	stream.indirect.gather [hbm4b:s6+s22], $0x80, s16, s22, $0xb8;
	[tilespmem:$0x1E0C0] =	vst v63  }
0x83: {  	_ =	swait.ge [sflag:s26], $0x4000  }
0x84: {  	[sflag:s26] =	ssyncset.done $0x0  }
0x85: {  	s1 =	simm.s32 $0x600;
	[sflag:s26] =	ssyncadd.s32 $0xFFFFC000  }
0x86: {  	[spmem:s2] =	stream.indirect.scatter.add.f32 [tilespmem:s23], [sflag:$0x3], $0x80, s1, s22, $0xb8;
	[tilespmem:$0x1E0C0] =	vst v63  }
0x87: {  	_ =	swait.ge [sflag:s28], $0x4000  }
0x88: {  	[sflag:s28] =	ssyncset.done $0x0  }
0x89: {  	s16 =	simm.s32 $0x1B00;
	[sflag:s28] =	ssyncadd.s32 $0xFFFFC000  }
0x8a: {  	[tilespmem:s23], [sflag:$0x1] =	stream.indirect.gather [hbm4b:s6+s22], $0x80, s16, s22, $0xb8;
	[tilespmem:$0x1E0C0] =	vst v63  }
0x8b: {  	_ =	swait.ge [sflag:s30], $0x4000  }
0x8c: {  	[sflag:s30] =	ssyncset.done $0x0  }
0x8d: {  	s1 =	simm.s32 $0x680;
	[sflag:s30] =	ssyncadd.s32 $0xFFFFC000  }
0x8e: {  	[spmem:s2] =	stream.indirect.scatter.add.f32 [tilespmem:s24], [sflag:$0x4], $0x80, s1, s22, $0xb8;
	[tilespmem:$0x1E0C0] =	vst v63  }
0x8f: {  	_ =	swait.ge [sflag:s31], $0x4000  }
0x90: {  	[sflag:s31] =	ssyncset.done $0x0  }
0x91: {  	s16 =	simm.s32 $0x1B80;
	[sflag:s31] =	ssyncadd.s32 $0xFFFFC000  }
0x92: {  	[tilespmem:s24], [sflag:$0x2] =	stream.indirect.gather [hbm4b:s6+s22], $0x80, s16, s22, $0xb8;
	[tilespmem:$0x1E0C0] =	vst v63  }
0x93: {  	_ =	swait.ge [sflag:s26], $0x4000  }
0x94: {  	[sflag:s26] =	ssyncset.done $0x0  }
0x95: {  	s1 =	simm.s32 $0x700;
	[sflag:s26] =	ssyncadd.s32 $0xFFFFC000  }
0x96: {  	[spmem:s2] =	stream.indirect.scatter.add.f32 [tilespmem:s23], [sflag:$0x3], $0x80, s1, s22, $0xb8;
	[tilespmem:$0x1E0C0] =	vst v63  }
0x97: {  	_ =	swait.ge [sflag:s28], $0x4000  }
0x98: {  	[sflag:s28] =	ssyncset.done $0x0  }
0x99: {  	[sflag:s28] =	ssyncadd.s32 $0xFFFFC000  }
0x9a: {  	_ =	swait.ge [sflag:s30], $0x4000  }
0x9b: {  	[sflag:s30] =	ssyncset.done $0x0  }
0x9c: {  	s16 =	simm.s32 $0x780;
	[sflag:s30] =	ssyncadd.s32 $0xFFFFC000  }
0x9d: {  	[spmem:s2] =	stream.indirect.scatter.add.f32 [tilespmem:s24], [sflag:$0x4], $0x80, s16, s22, $0xb8;
	[tilespmem:$0x1E0C0] =	vst v63  }
.LBB2_9:
0x9e: {  	_ =	swait.ge [sflag:s31], $0x4000  }
0x9f: {  	s0 =	stileid.u32;
	[sflag:s31] =	ssyncset.done $0x0  }
0xa0: {  	s0 =	sshll.u32 s0, $0x6;
	[sflag:s31] =	ssyncadd.s32 $0xFFFFC000  }
0xa1: {  	s1 =	sshrl.u32 s7, $0x3;
	s0 =	sor.u32 $0x1C05, s0;
	[bflag:$0x0] =	sbarrier.arrive $0xFFFF  }
0xa2: {  	[hbm:s17], [sflag:s0] =	dma.local [spmem:s1], $0x2700  }
0xa3: {  	_ =	swait.ge [sflag:s20], $0x2700  }
0xa4: {  	s15 =	sadd.s32 $0x1, s15;
	[sflag:s20] =	ssyncset.done $0x0  }
0xa5: {  	p2 =	sne.s32 s15, s19;
	s1 =	sshrl.u32 @!p0 s12, $0x3;
	[sflag:s20] =	ssyncadd.s32 $0xFFFFD900  }
0xa6: {  	[hbm:s18], [sflag:s0] =	dma.local @!p0 [spmem:s1], $0x100  }
.Ltmp1:
0xa7: {  	_ = 	snop;
	(pc) =	sbr.rel @!p2 .LBB2_10-.Ltmp1, $4  }
0xa8: {  	s0 =	simm.s32 @!p0 $0x5  }
0xa9: {  	_ =	swait.ge @!p0 [sflag:s0], $0x100  }
0xaa: {  	[sflag:s0] =	ssyncset.done @!p0 $0x0  }
0xab: {  	[sflag:s0] =	ssyncadd.s32 @!p0 $0xFFFFFF00  }
.LBB2_1:
0xac: {  	[tilespmem:s3], [sflag:$0x5] =	stream.linear.gather [hbm4b:s4+s3], $0x1400, $0x38;
	[tilespmem:$0x1E0C0] =	vst v63  }
0xad: {  	_ =	swait.ge [sflag:s20], $0x1400  }
0xae: {  	[sflag:s20] =	ssyncset.done $0x0  }
0xaf: {  	[sflag:s20] =	ssyncadd.s32 $0xFFFFEC00  }
0xb0: {  	[tilespmem:s21], [sflag:$0x5] =	stream.linear.gather [hbm4b:s5+s3], $0x1400, $0x38;
	[tilespmem:$0x1E0C0] =	vst v63  }
0xb1: {  	_ =	swait.ge [sflag:s20], $0x1400  }
0xb2: {  	[sflag:s20] =	ssyncset.done $0x0  }
0xb3: {  	s16 =	simm.s32 $0x0;
	s1 =	simm.s32 $0x2000;
	[sflag:s20] =	ssyncadd.s32 $0xFFFFEC00  }
0xb4: {  	[tilespmem:s23], [sflag:$0x1] =	stream.indirect.gather [hbm4b:s6+s22], $0x80, s21, s22, $0xb8;
	[tilespmem:$0x1E0C0] =	vst v63  }
.LBB2_2:
0xb5: {  	p2 =	sne.s32 s1, $0xE000;
	[tilespmem:s16+$0x6FF0] =	vst v0  }
0xb6: {  	[tilespmem:s16+$0x6800] =	vst v0  }
0xb7: {  	[tilespmem:s16+$0x6810] =	vst v0  }
0xb8: {  	[tilespmem:s16+$0x6820] =	vst v0  }
0xb9: {  	[tilespmem:s16+$0x6830] =	vst v0  }
0xba: {  	[tilespmem:s16+$0x6840] =	vst v0  }
0xbb: {  	[tilespmem:s16+$0x6850] =	vst v0  }
0xbc: {  	[tilespmem:s16+$0x6860] =	vst v0  }
0xbd: {  	[tilespmem:s16+$0x6870] =	vst v0  }
0xbe: {  	[tilespmem:s16+$0x6880] =	vst v0  }
0xbf: {  	[tilespmem:s16+$0x6890] =	vst v0  }
0xc0: {  	[tilespmem:s16+$0x68A0] =	vst v0  }
0xc1: {  	[tilespmem:s16+$0x68B0] =	vst v0  }
0xc2: {  	[tilespmem:s16+$0x68C0] =	vst v0  }
0xc3: {  	[tilespmem:s16+$0x68D0] =	vst v0  }
0xc4: {  	[tilespmem:s16+$0x68E0] =	vst v0  }
0xc5: {  	[tilespmem:s16+$0x68F0] =	vst v0  }
0xc6: {  	[tilespmem:s16+$0x6900] =	vst v0  }
0xc7: {  	[tilespmem:s16+$0x6910] =	vst v0  }
0xc8: {  	[tilespmem:s16+$0x6920] =	vst v0  }
0xc9: {  	[tilespmem:s16+$0x6930] =	vst v0  }
0xca: {  	[tilespmem:s16+$0x6940] =	vst v0  }
0xcb: {  	[tilespmem:s16+$0x6950] =	vst v0  }
0xcc: {  	[tilespmem:s16+$0x6960] =	vst v0  }
0xcd: {  	[tilespmem:s16+$0x6970] =	vst v0  }
0xce: {  	[tilespmem:s16+$0x6980] =	vst v0  }
0xcf: {  	[tilespmem:s16+$0x6990] =	vst v0  }
0xd0: {  	[tilespmem:s16+$0x69A0] =	vst v0  }
0xd1: {  	[tilespmem:s16+$0x69B0] =	vst v0  }
0xd2: {  	[tilespmem:s16+$0x69C0] =	vst v0  }
0xd3: {  	[tilespmem:s16+$0x69D0] =	vst v0  }
0xd4: {  	[tilespmem:s16+$0x69E0] =	vst v0  }
0xd5: {  	[tilespmem:s16+$0x69F0] =	vst v0  }
0xd6: {  	[tilespmem:s16+$0x6A00] =	vst v0  }
0xd7: {  	[tilespmem:s16+$0x6A10] =	vst v0  }
0xd8: {  	[tilespmem:s16+$0x6A20] =	vst v0  }
0xd9: {  	[tilespmem:s16+$0x6A30] =	vst v0  }
0xda: {  	[tilespmem:s16+$0x6A40] =	vst v0  }
0xdb: {  	[tilespmem:s16+$0x6A50] =	vst v0  }
0xdc: {  	[tilespmem:s16+$0x6A60] =	vst v0  }
0xdd: {  	[tilespmem:s16+$0x6A70] =	vst v0  }
0xde: {  	[tilespmem:s16+$0x6A80] =	vst v0  }
0xdf: {  	[tilespmem:s16+$0x6A90] =	vst v0  }
0xe0: {  	[tilespmem:s16+$0x6AA0] =	vst v0  }
0xe1: {  	[tilespmem:s16+$0x6AB0] =	vst v0  }
0xe2: {  	[tilespmem:s16+$0x6AC0] =	vst v0  }
0xe3: {  	[tilespmem:s16+$0x6AD0] =	vst v0  }
0xe4: {  	[tilespmem:s16+$0x6AE0] =	vst v0  }
0xe5: {  	[tilespmem:s16+$0x6AF0] =	vst v0  }
0xe6: {  	[tilespmem:s16+$0x6B00] =	vst v0  }
0xe7: {  	[tilespmem:s16+$0x6B10] =	vst v0  }
0xe8: {  	[tilespmem:s16+$0x6B20] =	vst v0  }
0xe9: {  	[tilespmem:s16+$0x6B30] =	vst v0  }
0xea: {  	[tilespmem:s16+$0x6B40] =	vst v0  }
0xeb: {  	[tilespmem:s16+$0x6B50] =	vst v0  }
0xec: {  	[tilespmem:s16+$0x6B60] =	vst v0  }
0xed: {  	[tilespmem:s16+$0x6B70] =	vst v0  }
0xee: {  	[tilespmem:s16+$0x6B80] =	vst v0  }
0xef: {  	[tilespmem:s16+$0x6B90] =	vst v0  }
0xf0: {  	[tilespmem:s16+$0x6BA0] =	vst v0  }
0xf1: {  	[tilespmem:s16+$0x6BB0] =	vst v0  }
0xf2: {  	[tilespmem:s16+$0x6BC0] =	vst v0  }
0xf3: {  	[tilespmem:s16+$0x6BD0] =	vst v0  }
0xf4: {  	[tilespmem:s16+$0x6BE0] =	vst v0  }
0xf5: {  	[tilespmem:s16+$0x6BF0] =	vst v0  }
0xf6: {  	[tilespmem:s16+$0x6C00] =	vst v0  }
0xf7: {  	[tilespmem:s16+$0x6C10] =	vst v0  }
0xf8: {  	[tilespmem:s16+$0x6C20] =	vst v0  }
0xf9: {  	[tilespmem:s16+$0x6C30] =	vst v0  }
0xfa: {  	[tilespmem:s16+$0x6C40] =	vst v0  }
0xfb: {  	[tilespmem:s16+$0x6C50] =	vst v0  }
0xfc: {  	[tilespmem:s16+$0x6C60] =	vst v0  }
0xfd: {  	[tilespmem:s16+$0x6C70] =	vst v0  }
0xfe: {  	[tilespmem:s16+$0x6C80] =	vst v0  }
0xff: {  	[tilespmem:s16+$0x6C90] =	vst v0  }
0x100: {  	[tilespmem:s16+$0x6CA0] =	vst v0  }
0x101: {  	[tilespmem:s16+$0x6CB0] =	vst v0  }
0x102: {  	[tilespmem:s16+$0x6CC0] =	vst v0  }
0x103: {  	[tilespmem:s16+$0x6CD0] =	vst v0  }
0x104: {  	[tilespmem:s16+$0x6CE0] =	vst v0  }
0x105: {  	[tilespmem:s16+$0x6CF0] =	vst v0  }
0x106: {  	[tilespmem:s16+$0x6D00] =	vst v0  }
0x107: {  	[tilespmem:s16+$0x6D10] =	vst v0  }
0x108: {  	[tilespmem:s16+$0x6D20] =	vst v0  }
0x109: {  	[tilespmem:s16+$0x6D30] =	vst v0  }
0x10a: {  	[tilespmem:s16+$0x6D40] =	vst v0  }
0x10b: {  	[tilespmem:s16+$0x6D50] =	vst v0  }
0x10c: {  	[tilespmem:s16+$0x6D60] =	vst v0  }
0x10d: {  	[tilespmem:s16+$0x6D70] =	vst v0  }
0x10e: {  	[tilespmem:s16+$0x6D80] =	vst v0  }
0x10f: {  	[tilespmem:s16+$0x6D90] =	vst v0  }
0x110: {  	[tilespmem:s16+$0x6DA0] =	vst v0  }
0x111: {  	[tilespmem:s16+$0x6DB0] =	vst v0  }
0x112: {  	[tilespmem:s16+$0x6DC0] =	vst v0  }
0x113: {  	[tilespmem:s16+$0x6DD0] =	vst v0  }
0x114: {  	[tilespmem:s16+$0x6DE0] =	vst v0  }
0x115: {  	[tilespmem:s16+$0x6DF0] =	vst v0  }
0x116: {  	[tilespmem:s16+$0x6E00] =	vst v0  }
0x117: {  	[tilespmem:s16+$0x6E10] =	vst v0  }
0x118: {  	[tilespmem:s16+$0x6E20] =	vst v0  }
0x119: {  	[tilespmem:s16+$0x6E30] =	vst v0  }
0x11a: {  	[tilespmem:s16+$0x6E40] =	vst v0  }
0x11b: {  	[tilespmem:s16+$0x6E50] =	vst v0  }
0x11c: {  	[tilespmem:s16+$0x6E60] =	vst v0  }
0x11d: {  	[tilespmem:s16+$0x6E70] =	vst v0  }
0x11e: {  	[tilespmem:s16+$0x6E80] =	vst v0  }
0x11f: {  	[tilespmem:s16+$0x6E90] =	vst v0  }
0x120: {  	[tilespmem:s16+$0x6EA0] =	vst v0  }
0x121: {  	[tilespmem:s16+$0x6EB0] =	vst v0  }
0x122: {  	[tilespmem:s16+$0x6EC0] =	vst v0  }
0x123: {  	[tilespmem:s16+$0x6ED0] =	vst v0  }
0x124: {  	[tilespmem:s16+$0x6EE0] =	vst v0  }
0x125: {  	[tilespmem:s16+$0x6EF0] =	vst v0  }
0x126: {  	[tilespmem:s16+$0x6F00] =	vst v0  }
0x127: {  	[tilespmem:s16+$0x6F10] =	vst v0  }
0x128: {  	[tilespmem:s16+$0x6F20] =	vst v0  }
0x129: {  	[tilespmem:s16+$0x6F30] =	vst v0  }
0x12a: {  	[tilespmem:s16+$0x6F40] =	vst v0  }
0x12b: {  	[tilespmem:s16+$0x6F50] =	vst v0  }
0x12c: {  	[tilespmem:s16+$0x6F60] =	vst v0  }
0x12d: {  	[tilespmem:s16+$0x6F70] =	vst v0  }
0x12e: {  	[tilespmem:s16+$0x6F80] =	vst v0  }
0x12f: {  	[tilespmem:s16+$0x6F90] =	vst v0  }
.Ltmp2:
0x130: {  	[tilespmem:s16+$0x6FA0] =	vst v0;
	(pc) =	sbr.rel @p2 .LBB2_2-.Ltmp2, $4  }
0x131: {  	[tilespmem:s16+$0x6FB0] =	vst v0  }
0x132: {  	[tilespmem:s16+$0x6FC0] =	vst v0  }
0x133: {  	[tilespmem:s16+$0x6FD0] =	vst v0  }
0x134: {  	[tilespmem:s16+$0x6FE0] =	vst v0;
	s16 =	sshra.s32 s1, $0x2;
	s1 =	sadd.s32 $0x2000, s1  }
0x135: {  	[tilespmem:s16+$0x6FF0] =	vst v0  }
0x136: {  	[tilespmem:s16+$0x6800] =	vst v0  }
0x137: {  	[tilespmem:s16+$0x6810] =	vst v0  }
0x138: {  	[tilespmem:s16+$0x6820] =	vst v0  }
0x139: {  	[tilespmem:s16+$0x6830] =	vst v0  }
0x13a: {  	[tilespmem:s16+$0x6840] =	vst v0  }
0x13b: {  	[tilespmem:s16+$0x6850] =	vst v0  }
0x13c: {  	[tilespmem:s16+$0x6860] =	vst v0  }
0x13d: {  	[tilespmem:s16+$0x6870] =	vst v0  }
0x13e: {  	[tilespmem:s16+$0x6880] =	vst v0  }
0x13f: {  	[tilespmem:s16+$0x6890] =	vst v0  }
0x140: {  	[tilespmem:s16+$0x68A0] =	vst v0  }
0x141: {  	[tilespmem:s16+$0x68B0] =	vst v0  }
0x142: {  	[tilespmem:s16+$0x68C0] =	vst v0  }
0x143: {  	[tilespmem:s16+$0x68D0] =	vst v0  }
0x144: {  	[tilespmem:s16+$0x68E0] =	vst v0  }
0x145: {  	[tilespmem:s16+$0x68F0] =	vst v0  }
0x146: {  	[tilespmem:s16+$0x6900] =	vst v0  }
0x147: {  	[tilespmem:s16+$0x6910] =	vst v0  }
0x148: {  	[tilespmem:s16+$0x6920] =	vst v0  }
0x149: {  	[tilespmem:s16+$0x6930] =	vst v0  }
0x14a: {  	[tilespmem:s16+$0x6940] =	vst v0  }
0x14b: {  	[tilespmem:s16+$0x6950] =	vst v0  }
0x14c: {  	[tilespmem:s16+$0x6960] =	vst v0  }
0x14d: {  	[tilespmem:s16+$0x6970] =	vst v0  }
0x14e: {  	[tilespmem:s16+$0x6980] =	vst v0  }
0x14f: {  	[tilespmem:s16+$0x6990] =	vst v0  }
0x150: {  	[tilespmem:s16+$0x69A0] =	vst v0  }
0x151: {  	[tilespmem:s16+$0x69B0] =	vst v0  }
0x152: {  	[tilespmem:s16+$0x69C0] =	vst v0  }
0x153: {  	[tilespmem:s16+$0x69D0] =	vst v0  }
0x154: {  	[tilespmem:s16+$0x69E0] =	vst v0  }
0x155: {  	[tilespmem:s16+$0x69F0] =	vst v0  }
0x156: {  	[tilespmem:s16+$0x6A00] =	vst v0  }
0x157: {  	[tilespmem:s16+$0x6A10] =	vst v0  }
0x158: {  	[tilespmem:s16+$0x6A20] =	vst v0  }
0x159: {  	[tilespmem:s16+$0x6A30] =	vst v0  }
0x15a: {  	[tilespmem:s16+$0x6A40] =	vst v0  }
0x15b: {  	[tilespmem:s16+$0x6A50] =	vst v0  }
0x15c: {  	[tilespmem:s16+$0x6A60] =	vst v0  }
0x15d: {  	[tilespmem:s16+$0x6A70] =	vst v0  }
0x15e: {  	[tilespmem:s16+$0x6A80] =	vst v0  }
0x15f: {  	[tilespmem:s16+$0x6A90] =	vst v0  }
0x160: {  	[tilespmem:s16+$0x6AA0] =	vst v0  }
0x161: {  	[tilespmem:s16+$0x6AB0] =	vst v0  }
0x162: {  	[tilespmem:s16+$0x6AC0] =	vst v0  }
0x163: {  	[tilespmem:s16+$0x6AD0] =	vst v0  }
0x164: {  	[tilespmem:s16+$0x6AE0] =	vst v0  }
0x165: {  	[tilespmem:s16+$0x6AF0] =	vst v0  }
0x166: {  	[tilespmem:s16+$0x6B00] =	vst v0  }
0x167: {  	[tilespmem:s16+$0x6B10] =	vst v0  }
0x168: {  	[tilespmem:s16+$0x6B20] =	vst v0  }
0x169: {  	[tilespmem:s16+$0x6B30] =	vst v0  }
0x16a: {  	[tilespmem:s16+$0x6B40] =	vst v0  }
0x16b: {  	[tilespmem:s16+$0x6B50] =	vst v0  }
0x16c: {  	[tilespmem:s16+$0x6B60] =	vst v0  }
0x16d: {  	[tilespmem:s16+$0x6B70] =	vst v0  }
0x16e: {  	[tilespmem:s16+$0x6B80] =	vst v0  }
0x16f: {  	[tilespmem:s16+$0x6B90] =	vst v0  }
0x170: {  	[tilespmem:s16+$0x6BA0] =	vst v0  }
0x171: {  	[tilespmem:s16+$0x6BB0] =	vst v0  }
0x172: {  	[tilespmem:s16+$0x6BC0] =	vst v0  }
0x173: {  	[tilespmem:s16+$0x6BD0] =	vst v0  }
0x174: {  	[tilespmem:s16+$0x6BE0] =	vst v0  }
0x175: {  	[tilespmem:s16+$0x6BF0] =	vst v0  }
0x176: {  	[tilespmem:s16+$0x6C00] =	vst v0  }
0x177: {  	[tilespmem:s16+$0x6C10] =	vst v0  }
0x178: {  	[tilespmem:s16+$0x6C20] =	vst v0  }
0x179: {  	[tilespmem:s16+$0x6C30] =	vst v0  }
0x17a: {  	[tilespmem:s16+$0x6C40] =	vst v0  }
0x17b: {  	[tilespmem:s16+$0x6C50] =	vst v0  }
0x17c: {  	[tilespmem:s16+$0x6C60] =	vst v0  }
0x17d: {  	[tilespmem:s16+$0x6C70] =	vst v0  }
0x17e: {  	[tilespmem:s16+$0x6C80] =	vst v0  }
0x17f: {  	[tilespmem:s16+$0x6C90] =	vst v0  }
0x180: {  	[tilespmem:s16+$0x6CA0] =	vst v0  }
0x181: {  	[tilespmem:s16+$0x6CB0] =	vst v0  }
0x182: {  	[tilespmem:s16+$0x6CC0] =	vst v0  }
0x183: {  	[tilespmem:s16+$0x6CD0] =	vst v0  }
0x184: {  	[tilespmem:s16+$0x6CE0] =	vst v0  }
0x185: {  	[tilespmem:s16+$0x6CF0] =	vst v0  }
0x186: {  	[tilespmem:s16+$0x6D00] =	vst v0  }
0x187: {  	[tilespmem:s16+$0x6D10] =	vst v0  }
0x188: {  	[tilespmem:s16+$0x6D20] =	vst v0  }
0x189: {  	[tilespmem:s16+$0x6D30] =	vst v0  }
0x18a: {  	[tilespmem:s16+$0x6D40] =	vst v0  }
0x18b: {  	[tilespmem:s16+$0x6D50] =	vst v0  }
0x18c: {  	[tilespmem:s16+$0x6D60] =	vst v0  }
0x18d: {  	[tilespmem:s16+$0x6D70] =	vst v0  }
0x18e: {  	[tilespmem:s16+$0x6D80] =	vst v0  }
0x18f: {  	[tilespmem:s16+$0x6D90] =	vst v0  }
0x190: {  	[tilespmem:s16+$0x6DA0] =	vst v0  }
0x191: {  	[tilespmem:s16+$0x6DB0] =	vst v0  }
0x192: {  	[tilespmem:s16+$0x6DC0] =	vst v0  }
0x193: {  	[tilespmem:s16+$0x6DD0] =	vst v0  }
0x194: {  	[tilespmem:s16+$0x6DE0] =	vst v0  }
0x195: {  	[tilespmem:s16+$0x6DF0] =	vst v0  }
0x196: {  	[tilespmem:s16+$0x6E00] =	vst v0  }
0x197: {  	[tilespmem:s16+$0x6E10] =	vst v0  }
0x198: {  	[tilespmem:s16+$0x6E20] =	vst v0  }
0x199: {  	[tilespmem:s16+$0x6E30] =	vst v0  }
0x19a: {  	[tilespmem:s16+$0x6E40] =	vst v0  }
0x19b: {  	[tilespmem:s16+$0x6E50] =	vst v0  }
0x19c: {  	[tilespmem:s16+$0x6E60] =	vst v0  }
0x19d: {  	[tilespmem:s16+$0x6E70] =	vst v0  }
0x19e: {  	[tilespmem:s16+$0x6E80] =	vst v0  }
0x19f: {  	[tilespmem:s16+$0x6E90] =	vst v0  }
0x1a0: {  	[tilespmem:s16+$0x6EA0] =	vst v0  }
0x1a1: {  	[tilespmem:s16+$0x6EB0] =	vst v0  }
0x1a2: {  	[tilespmem:s16+$0x6EC0] =	vst v0  }
0x1a3: {  	[tilespmem:s16+$0x6ED0] =	vst v0  }
0x1a4: {  	[tilespmem:s16+$0x6EE0] =	vst v0  }
0x1a5: {  	[tilespmem:s16+$0x6EF0] =	vst v0  }
0x1a6: {  	[tilespmem:s16+$0x6F00] =	vst v0  }
0x1a7: {  	[tilespmem:s16+$0x6F10] =	vst v0  }
0x1a8: {  	[tilespmem:s16+$0x6F20] =	vst v0  }
0x1a9: {  	[tilespmem:s16+$0x6F30] =	vst v0  }
0x1aa: {  	[tilespmem:s16+$0x6F40] =	vst v0  }
0x1ab: {  	[tilespmem:s16+$0x6F50] =	vst v0  }
0x1ac: {  	[tilespmem:s16+$0x6F60] =	vst v0  }
0x1ad: {  	[tilespmem:s16+$0x6F70] =	vst v0  }
0x1ae: {  	[tilespmem:s16+$0x6F80] =	vst v0  }
0x1af: {  	[tilespmem:s16+$0x6F90] =	vst v0  }
0x1b0: {  	[tilespmem:s16+$0x6FA0] =	vst v0  }
0x1b1: {  	[tilespmem:s16+$0x6FB0] =	vst v0  }
0x1b2: {  	[tilespmem:s16+$0x6FC0] =	vst v0  }
0x1b3: {  	[tilespmem:s16+$0x6FD0] =	vst v0  }
0x1b4: {  	[tilespmem:s16+$0x6FE0] =	vst v0  }
0x1b5: {  	[spmem:s7] =	stream.linear.scatter [tilespmem:s24], [sflag:$0x5], $0x4000, $0x38;
	[tilespmem:$0x1E0C0] =	vst v63  }
0x1b6: {  	_ =	swait.ge [sflag:s20], $0x4000  }
0x1b7: {  	[sflag:s20] =	ssyncset.done $0x0  }
0x1b8: {  	[sflag:s20] =	ssyncadd.s32 $0xFFFFC000  }
0x1b9: {  	[spmem:s8] =	stream.linear.scatter [tilespmem:s24], [sflag:$0x5], $0x4000, $0x38;
	[tilespmem:$0x1E0C0] =	vst v63  }
0x1ba: {  	_ =	swait.ge [sflag:s20], $0x4000  }
0x1bb: {  	[sflag:s20] =	ssyncset.done $0x0  }
0x1bc: {  	[sflag:s20] =	ssyncadd.s32 $0xFFFFC000  }
0x1bd: {  	[spmem:s9] =	stream.linear.scatter [tilespmem:s24], [sflag:$0x5], $0x4000, $0x38;
	[tilespmem:$0x1E0C0] =	vst v63  }
0x1be: {  	_ =	swait.ge [sflag:s20], $0x4000  }
0x1bf: {  	[sflag:s20] =	ssyncset.done $0x0  }
0x1c0: {  	[sflag:s20] =	ssyncadd.s32 $0xFFFFC000  }
0x1c1: {  	[spmem:s10] =	stream.linear.scatter [tilespmem:s24], [sflag:$0x5], $0x4000, $0x38;
	[tilespmem:$0x1E0C0] =	vst v63  }
0x1c2: {  	_ =	swait.ge [sflag:s20], $0x4000  }
0x1c3: {  	[sflag:s20] =	ssyncset.done $0x0  }
0x1c4: {  	[sflag:s20] =	ssyncadd.s32 $0xFFFFC000  }
0x1c5: {  	[spmem:s11] =	stream.linear.scatter [tilespmem:s24], [sflag:$0x5], $0x3800, $0x38;
	[tilespmem:$0x1E0C0] =	vst v63  }
0x1c6: {  	_ =	swait.ge [sflag:s20], $0x3800  }
0x1c7: {  	[sflag:s20] =	ssyncset.done $0x0  }
0x1c8: {  	s1 =	simm.s32 @!p0 $0x6800;
	[sflag:s20] =	ssyncadd.s32 $0xFFFFC800  }
0x1c9: {  	[spmem:s12] =	stream.linear.scatter @!p0 [tilespmem:s1], [sflag:$0x5], $0xC00, $0x38;
	[tilespmem:$0x1E0C0] =	vst v63  }
0x1ca: {  	s1 =	simm.s32 @!p0 $0x5  }
0x1cb: {  	_ =	swait.ge @!p0 [sflag:s1], $0xC00  }
0x1cc: {  	[sflag:s1] =	ssyncset.done @!p0 $0x0  }
0x1cd: {  	[sflag:s1] =	ssyncadd.s32 @!p0 $0xFFFFF400  }
0x1ce: {  	[tilespmem:s24], [sflag:$0x2] =	stream.indirect.gather [hbm4b:s6+s22], $0x80, s25, s22, $0xb8;
	[tilespmem:$0x1E0C0] =	vst v63  }
0x1cf: {  	[bflag:$0x0] =	sbarrier.arrive $0xFFFF  }
0x1d0: {  	_ =	swait.ge [sflag:s26], $0x4000  }
0x1d1: {  	[sflag:s26] =	ssyncset.done $0x0  }
0x1d2: {  	[sflag:s26] =	ssyncadd.s32 $0xFFFFC000  }
0x1d3: {  	[spmem:s2] =	stream.indirect.scatter.add.f32 [tilespmem:s23], [sflag:$0x3], $0x80, s3, s22, $0xb8;
	[tilespmem:$0x1E0C0] =	vst v63  }
0x1d4: {  	_ =	swait.ge [sflag:s28], $0x4000  }
0x1d5: {  	[sflag:s28] =	ssyncset.done $0x0  }
0x1d6: {  	[sflag:s28] =	ssyncadd.s32 $0xFFFFC000  }
0x1d7: {  	[tilespmem:s23], [sflag:$0x1] =	stream.indirect.gather [hbm4b:s6+s22], $0x80, s29, s22, $0xb8;
	[tilespmem:$0x1E0C0] =	vst v63  }
0x1d8: {  	_ =	swait.ge [sflag:s30], $0x4000  }
0x1d9: {  	[sflag:s30] =	ssyncset.done $0x0  }
0x1da: {  	[sflag:s30] =	ssyncadd.s32 $0xFFFFC000  }
0x1db: {  	[spmem:s2] =	stream.indirect.scatter.add.f32 [tilespmem:s24], [sflag:$0x4], $0x80, s22, s22, $0xb8;
	[tilespmem:$0x1E0C0] =	vst v63  }
0x1dc: {  	_ =	swait.ge [sflag:s31], $0x4000  }
0x1dd: {  	[sflag:s31] =	ssyncset.done $0x0  }
0x1de: {  	s16 =	simm.s32 $0x1580;
	[sflag:s31] =	ssyncadd.s32 $0xFFFFC000  }
0x1df: {  	[tilespmem:s24], [sflag:$0x2] =	stream.indirect.gather [hbm4b:s6+s22], $0x80, s16, s22, $0xb8;
	[tilespmem:$0x1E0C0] =	vst v63  }
0x1e0: {  	_ =	swait.ge [sflag:s26], $0x4000  }
0x1e1: {  	[sflag:s26] =	ssyncset.done $0x0  }
0x1e2: {  	s0 =	simm.s32 $0x100;
	[sflag:s26] =	ssyncadd.s32 $0xFFFFC000  }
0x1e3: {  	[spmem:s2] =	stream.indirect.scatter.add.f32 [tilespmem:s23], [sflag:$0x3], $0x80, s0, s22, $0xb8;
	[tilespmem:$0x1E0C0] =	vst v63  }
0x1e4: {  	_ =	swait.ge [sflag:s28], $0x4000  }
0x1e5: {  	[sflag:s28] =	ssyncset.done $0x0  }
0x1e6: {  	s16 =	simm.s32 $0x1600;
	[sflag:s28] =	ssyncadd.s32 $0xFFFFC000  }
0x1e7: {  	[tilespmem:s23], [sflag:$0x1] =	stream.indirect.gather [hbm4b:s6+s22], $0x80, s16, s22, $0xb8;
	[tilespmem:$0x1E0C0] =	vst v63  }
0x1e8: {  	_ =	swait.ge [sflag:s30], $0x4000  }
0x1e9: {  	[sflag:s30] =	ssyncset.done $0x0  }
0x1ea: {  	s1 =	simm.s32 $0xFFFFBC00;
	s16 =	simm.s32 $0x180;
	[sflag:s30] =	ssyncadd.s32 $0xFFFFC000  }
.LBB2_4:
0x1eb: {  	[spmem:s2] =	stream.indirect.scatter.add.f32 [tilespmem:s24], [sflag:$0x4], $0x80, s16, s22, $0xb8;
	[tilespmem:$0x1E0C0] =	vst v63  }
0x1ec: {  	s16 =	smov.u32 s1  }
0x1ed: {  	p2 =	sne.s32 s1, $0xFFFFFC00;
	s1 =	sadd.s32 $0x400, s1;
	_ =	swait.ge [sflag:s31], $0x4000  }
0x1ee: {  	s16 =	sshra.s32 s16, $0x2;
	[sflag:s31] =	ssyncset.done $0x0  }
0x1ef: {  	s0 =	sadd.s32 $0x2780, s16;
	[sflag:s31] =	ssyncadd.s32 $0xFFFFC000  }
0x1f0: {  	[tilespmem:s24], [sflag:$0x2] =	stream.indirect.gather [hbm4b:s6+s22], $0x80, s0, s22, $0xb8;
	[tilespmem:$0x1E0C0] =	vst v63  }
0x1f1: {  	_ =	swait.ge [sflag:s26], $0x4000  }
0x1f2: {  	[sflag:s26] =	ssyncset.done $0x0  }
0x1f3: {  	s0 =	sadd.s32 $0x1300, s16;
	[sflag:s26] =	ssyncadd.s32 $0xFFFFC000  }
0x1f4: {  	[spmem:s2] =	stream.indirect.scatter.add.f32 [tilespmem:s23], [sflag:$0x3], $0x80, s0, s22, $0xb8;
	[tilespmem:$0x1E0C0] =	vst v63  }
0x1f5: {  	_ =	swait.ge [sflag:s28], $0x4000  }
0x1f6: {  	[sflag:s28] =	ssyncset.done $0x0  }
.Ltmp3:
0x1f7: {  	s0 =	sadd.s32 $0x2800, s16;
	[sflag:s28] =	ssyncadd.s32 $0xFFFFC000;
	(pc) =	sbr.rel @p2 .LBB2_4-.Ltmp3, $4  }
0x1f8: {  	[tilespmem:s23], [sflag:$0x1] =	stream.indirect.gather [hbm4b:s6+s22], $0x80, s0, s22, $0xb8;
	[tilespmem:$0x1E0C0] =	vst v63  }
0x1f9: {  	_ =	swait.ge [sflag:s30], $0x4000  }
0x1fa: {  	[sflag:s30] =	ssyncset.done $0x0  }
0x1fb: {  	s16 =	sadd.s32 $0x1380, s16;
	[sflag:s30] =	ssyncadd.s32 $0xFFFFC000  }
0x1fc: {  	[spmem:s2] =	stream.indirect.scatter.add.f32 [tilespmem:s24], [sflag:$0x4], $0x80, s16, s22, $0xb8;
	[tilespmem:$0x1E0C0] =	vst v63  }
0x1fd: {  	_ =	swait.ge [sflag:s31], $0x4000  }
0x1fe: {  	[sflag:s31] =	ssyncset.done $0x0  }
0x1ff: {  	s0 =	simm.s32 $0x2780;
	[sflag:s31] =	ssyncadd.s32 $0xFFFFC000  }
0x200: {  	[tilespmem:s24], [sflag:$0x2] =	stream.indirect.gather [hbm4b:s6+s22], $0x80, s0, s22, $0xb8;
	[tilespmem:$0x1E0C0] =	vst v63  }
0x201: {  	_ =	swait.ge [sflag:s26], $0x4000  }
0x202: {  	[sflag:s26] =	ssyncset.done $0x0  }
0x203: {  	[sflag:s26] =	ssyncadd.s32 $0xFFFFC000  }
0x204: {  	[spmem:s2] =	stream.indirect.scatter.add.f32 [tilespmem:s23], [sflag:$0x3], $0x80, s13, s22, $0xb8;
	[tilespmem:$0x1E0C0] =	vst v63  }
0x205: {  	_ =	swait.ge [sflag:s28], $0x4000  }
0x206: {  	[sflag:s28] =	ssyncset.done $0x0  }
0x207: {  	[sflag:s28] =	ssyncadd.s32 $0xFFFFC000  }
0x208: {  	_ =	swait.ge [sflag:s30], $0x4000  }
0x209: {  	[sflag:s30] =	ssyncset.done $0x0  }
.Ltmp4:
0x20a: {  	[sflag:s30] =	ssyncadd.s32 $0xFFFFC000;
	(pc) =	sbr.rel @p1 .LBB2_11-.Ltmp4, $4  }
0x20b: {  	[spmem:s2] =	stream.indirect.scatter.add.f32 [tilespmem:s24], [sflag:$0x4], $0x80, s14, s22, $0xb8;
	[tilespmem:$0x1E0C0] =	vst v63  }
0x20c: {  	_ =	swait.ge [sflag:s31], $0x4000  }
0x20d: {  	[sflag:s31] =	ssyncset.done $0x0  }
0x20e: {  	[sflag:s31] =	ssyncadd.s32 $0xFFFFC000  }
0x20f: {  	s0 =	rddreg [dreg:$0x4]  }
0x210: {  	[tilespmem:s3], [sflag:$0x5] =	stream.linear.gather [hbm4b:s0+s3], $0x1400, $0x38;
	[tilespmem:$0x1E0C0] =	vst v63  }
0x211: {  	_ =	swait.ge [sflag:s20], $0x1400  }
0x212: {  	[sflag:s20] =	ssyncset.done $0x0  }
0x213: {  	s1 =	rddreg [dreg:$0x5];
	[sflag:s20] =	ssyncadd.s32 $0xFFFFEC00  }
0x214: {  	[tilespmem:s21], [sflag:$0x5] =	stream.linear.gather [hbm4b:s1+s3], $0x1400, $0x38;
	[tilespmem:$0x1E0C0] =	vst v63  }
0x215: {  	_ =	swait.ge [sflag:s20], $0x1400  }
0x216: {  	[sflag:s20] =	ssyncset.done $0x0  }
0x217: {  	[sflag:s20] =	ssyncadd.s32 $0xFFFFEC00  }
0x218: {  	[tilespmem:s23], [sflag:$0x1] =	stream.indirect.gather [hbm4b:s6+s22], $0x80, s21, s22, $0xb8;
	[tilespmem:$0x1E0C0] =	vst v63  }
0x219: {  	_ = 	snop  }
0x21a: {  	[tilespmem:s24], [sflag:$0x2] =	stream.indirect.gather [hbm4b:s6+s22], $0x80, s25, s22, $0xb8;
	[tilespmem:$0x1E0C0] =	vst v63  }
0x21b: {  	_ =	swait.ge [sflag:s26], $0x4000  }
0x21c: {  	[sflag:s26] =	ssyncset.done $0x0  }
0x21d: {  	[sflag:s26] =	ssyncadd.s32 $0xFFFFC000  }
0x21e: {  	[spmem:s2] =	stream.indirect.scatter.add.f32 [tilespmem:s23], [sflag:$0x3], $0x80, s3, s22, $0xb8;
	[tilespmem:$0x1E0C0] =	vst v63  }
0x21f: {  	_ =	swait.ge [sflag:s28], $0x4000  }
0x220: {  	[sflag:s28] =	ssyncset.done $0x0  }
0x221: {  	[sflag:s28] =	ssyncadd.s32 $0xFFFFC000  }
0x222: {  	[tilespmem:s23], [sflag:$0x1] =	stream.indirect.gather [hbm4b:s6+s22], $0x80, s29, s22, $0xb8;
	[tilespmem:$0x1E0C0] =	vst v63  }
0x223: {  	_ =	swait.ge [sflag:s30], $0x4000  }
0x224: {  	[sflag:s30] =	ssyncset.done $0x0  }
0x225: {  	[sflag:s30] =	ssyncadd.s32 $0xFFFFC000  }
0x226: {  	[spmem:s2] =	stream.indirect.scatter.add.f32 [tilespmem:s24], [sflag:$0x4], $0x80, s22, s22, $0xb8;
	[tilespmem:$0x1E0C0] =	vst v63  }
0x227: {  	_ =	swait.ge [sflag:s31], $0x4000  }
0x228: {  	[sflag:s31] =	ssyncset.done $0x0  }
0x229: {  	s16 =	simm.s32 $0x1580;
	[sflag:s31] =	ssyncadd.s32 $0xFFFFC000  }
0x22a: {  	[tilespmem:s24], [sflag:$0x2] =	stream.indirect.gather [hbm4b:s6+s22], $0x80, s16, s22, $0xb8;
	[tilespmem:$0x1E0C0] =	vst v63  }
0x22b: {  	_ =	swait.ge [sflag:s26], $0x4000  }
0x22c: {  	[sflag:s26] =	ssyncset.done $0x0  }
0x22d: {  	s1 =	simm.s32 $0x100;
	[sflag:s26] =	ssyncadd.s32 $0xFFFFC000  }
0x22e: {  	[spmem:s2] =	stream.indirect.scatter.add.f32 [tilespmem:s23], [sflag:$0x3], $0x80, s1, s22, $0xb8;
	[tilespmem:$0x1E0C0] =	vst v63  }
0x22f: {  	_ =	swait.ge [sflag:s28], $0x4000  }
0x230: {  	[sflag:s28] =	ssyncset.done $0x0  }
0x231: {  	s16 =	simm.s32 $0x1600;
	[sflag:s28] =	ssyncadd.s32 $0xFFFFC000  }
0x232: {  	[tilespmem:s23], [sflag:$0x1] =	stream.indirect.gather [hbm4b:s6+s22], $0x80, s16, s22, $0xb8;
	[tilespmem:$0x1E0C0] =	vst v63  }
0x233: {  	_ =	swait.ge [sflag:s30], $0x4000  }
0x234: {  	[sflag:s30] =	ssyncset.done $0x0  }
0x235: {  	s1 =	simm.s32 $0xFFFFBC00;
	s16 =	simm.s32 $0x180;
	[sflag:s30] =	ssyncadd.s32 $0xFFFFC000  }
.LBB2_7:
0x236: {  	[spmem:s2] =	stream.indirect.scatter.add.f32 [tilespmem:s24], [sflag:$0x4], $0x80, s16, s22, $0xb8;
	[tilespmem:$0x1E0C0] =	vst v63  }
0x237: {  	s0 =	smov.u32 s1  }
0x238: {  	p2 =	seq.s32 s1, $0xFFFFFC00;
	s1 =	sadd.s32 $0x400, s1;
	_ =	swait.ge [sflag:s31], $0x4000  }
0x239: {  	s0 =	sshra.s32 s0, $0x2;
	[sflag:s31] =	ssyncset.done $0x0  }
0x23a: {  	s16 =	sadd.s32 $0x2780, s0;
	[sflag:s31] =	ssyncadd.s32 $0xFFFFC000  }
0x23b: {  	[tilespmem:s24], [sflag:$0x2] =	stream.indirect.gather [hbm4b:s6+s22], $0x80, s16, s22, $0xb8;
	[tilespmem:$0x1E0C0] =	vst v63  }
0x23c: {  	_ =	swait.ge [sflag:s26], $0x4000  }
0x23d: {  	[sflag:s26] =	ssyncset.done $0x0  }
0x23e: {  	s16 =	sadd.s32 $0x1300, s0;
	[sflag:s26] =	ssyncadd.s32 $0xFFFFC000  }
0x23f: {  	[spmem:s2] =	stream.indirect.scatter.add.f32 [tilespmem:s23], [sflag:$0x3], $0x80, s16, s22, $0xb8;
	[tilespmem:$0x1E0C0] =	vst v63  }
0x240: {  	_ =	swait.ge [sflag:s28], $0x4000  }
0x241: {  	[sflag:s28] =	ssyncset.done $0x0  }
.Ltmp5:
0x242: {  	s16 =	sadd.s32 $0x2800, s0;
	[sflag:s28] =	ssyncadd.s32 $0xFFFFC000;
	(pc) =	sbr.rel @!p2 .LBB2_7-.Ltmp5, $4  }
0x243: {  	[tilespmem:s23], [sflag:$0x1] =	stream.indirect.gather [hbm4b:s6+s22], $0x80, s16, s22, $0xb8;
	[tilespmem:$0x1E0C0] =	vst v63  }
0x244: {  	_ =	swait.ge [sflag:s30], $0x4000  }
0x245: {  	[sflag:s30] =	ssyncset.done $0x0  }
0x246: {  	s16 =	sadd.s32 $0x1380, s0;
	[sflag:s30] =	ssyncadd.s32 $0xFFFFC000  }
0x247: {  	[spmem:s2] =	stream.indirect.scatter.add.f32 [tilespmem:s24], [sflag:$0x4], $0x80, s16, s22, $0xb8;
	[tilespmem:$0x1E0C0] =	vst v63  }
0x248: {  	_ =	swait.ge [sflag:s31], $0x4000  }
0x249: {  	[sflag:s31] =	ssyncset.done $0x0  }
0x24a: {  	s0 =	simm.s32 $0x2780;
	[sflag:s31] =	ssyncadd.s32 $0xFFFFC000  }
0x24b: {  	[tilespmem:s24], [sflag:$0x2] =	stream.indirect.gather [hbm4b:s6+s22], $0x80, s0, s22, $0xb8;
	[tilespmem:$0x1E0C0] =	vst v63  }
0x24c: {  	_ =	swait.ge [sflag:s26], $0x4000  }
0x24d: {  	[sflag:s26] =	ssyncset.done $0x0  }
0x24e: {  	[sflag:s26] =	ssyncadd.s32 $0xFFFFC000  }
0x24f: {  	[spmem:s2] =	stream.indirect.scatter.add.f32 [tilespmem:s23], [sflag:$0x3], $0x80, s13, s22, $0xb8;
	[tilespmem:$0x1E0C0] =	vst v63  }
0x250: {  	_ =	swait.ge [sflag:s28], $0x4000  }
0x251: {  	[sflag:s28] =	ssyncset.done $0x0  }
.Ltmp6:
0x252: {  	[sflag:s28] =	ssyncadd.s32 $0xFFFFC000;
	(pc) =	sbr.rel .LBB2_9-.Ltmp6, $4  }
0x253: {  	_ =	swait.ge [sflag:s30], $0x4000  }
0x254: {  	[sflag:s30] =	ssyncset.done $0x0  }
0x255: {  	[sflag:s30] =	ssyncadd.s32 $0xFFFFC000  }
0x256: {  	[spmem:s2] =	stream.indirect.scatter.add.f32 [tilespmem:s24], [sflag:$0x4], $0x80, s14, s22, $0xb8;
	[tilespmem:$0x1E0C0] =	vst v63  }
.LBB2_10:
0x257: {  	_ =	sfence.sel $0x180000  }
0x258: {  	[bflag:$0x0] =	sbarrier.arrive $0xFFFF  }
0x259: {  	_ =	strace $0x90000047  }
0x25a: {  	s0 =	stileid.u32;
	[bflag:$0x2] =	sbarrier.arrive $0xFFFF  }
0x25b: {  	p0 =	sne.s32 s0, $0x0;
	s0 =	rddreg [dreg:$0x3]  }
0x25c: {  	s0 =	sadd.s32 @!p0 $0x100000, s0  }
0x25d: {  	[sflag:s0] =	ssyncadd.tile.s32 @!p0 $0x1;
	_ =	shalt  }
.Lfunc_end2:
_tile_overlayer_lowered:
.L_overlay_start_2:
0x25e: {  	(tag) =	ssettag $0x2  }
0x25f: {  	s0 =	rddreg [dreg:$0x0];
	s2 =	stileid.u32  }
0x260: {  	s1 =	rddreg [dreg:$0x1];
	p0 =	sne.s32 s2, $0x0  }
0x261: {  	s3 =	rddreg [dreg:$0x2];
	[bflag:$0x3] =	sbarrier.arrive $0xFFFF;
	s2 =	simm.s32 @!p0 $0x1C05  }
0x262: {  	[timem:s3], [sflag:s2] =	dma.local @!p0 [hbm:s0], s1  }
0x263: {  	s0 =	simm.s32 @!p0 $0x5  }
0x264: {  	_ =	swait.ge @!p0 [sflag:s0], s1  }
0x265: {  	s1 =	ssub.s32 @!p0 $0x0, s1;
	[sflag:s0] =	ssyncset.done @!p0 $0x0  }
0x266: {  	[sflag:s0] =	ssyncadd.s32 @!p0 s1  }
0x267: {  	[bflag:$0x3] =	sbarrier.arrive $0xFFFF  }
0x268: {  	_ =	shalt  }

</sc_bundles>
